<compile_context>
chip_gen: v7x
topology: tpu7x:2x2x1
jax: 0.10.2.dev20260603
libtpu: 0.0.44.dev20260713+nightly
codegen_flags: <defaults>
</compile_context>

<pallas_src>
import functools

import jax
import jax.numpy as jnp
from jax import lax
from jax.experimental import pallas as pl
from jax.experimental.pallas import tpu as pltpu
from jax.experimental.pallas import tpu_sc as plsc

NUM_TAGS = 44
B, L = 16384, 108
OUT_W = L + 1
LANES = 16
NC, NS = 2, 16
NW = NC * NS
COLS_PER_W = B // NW
BLK = 8
N_BLKS = (L + BLK - 1) // BLK
TAB_PAD = 48
UNROLL = 8
N_VEC = COLS_PER_W // LANES

_MESH = plsc.VectorSubcoreMesh(core_axis_name="c", subcore_axis_name="s")


@functools.partial(
    pl.kernel,
    out_type=jax.ShapeDtypeStruct((OUT_W, B), jnp.int32),
    mesh=_MESH,
    compiler_params=pltpu.CompilerParams(needs_layout_passes=False),
    scratch_types=[
        pltpu.VMEM((TAB_PAD,), jnp.int32),
        pltpu.VMEM((BLK, COLS_PER_W), jnp.int32),
        pltpu.VMEM((BLK, COLS_PER_W), jnp.int32),
        pltpu.VMEM((BLK, COLS_PER_W), jnp.int32),
        pltpu.VMEM((BLK, COLS_PER_W), jnp.int32),
        pltpu.VMEM((BLK, COLS_PER_W), jnp.int32),
        pltpu.SemaphoreType.DMA,
        pltpu.SemaphoreType.DMA,
        pltpu.SemaphoreType.DMA,
        pltpu.SemaphoreType.DMA,
        pltpu.SemaphoreType.DMA,
    ],
)
def _sc_lookup_t(tags_hbm, table_hbm, out_hbm,
                 tab_v, in0, in1, in2, out0, out1,
                 in_sem0, in_sem1, in_sem2, out_sem0, out_sem1):
    wid = lax.axis_index("s") * NC + lax.axis_index("c")
    c0 = wid * COLS_PER_W
    in_bufs, out_bufs = [in0, in1, in2], [out0, out1]
    in_sems, out_sems = [in_sem0, in_sem1, in_sem2], [out_sem0, out_sem1]

    def rows_of(tr):
        return min(BLK, L - tr * BLK)

    def start_in(tr):
        nr = rows_of(tr)
        return pltpu.async_copy(
            tags_hbm.at[pl.ds(tr * BLK, nr), pl.ds(c0, COLS_PER_W)],
            in_bufs[tr % 3].at[pl.ds(0, nr)],
            in_sems[tr % 3])

    in_dma = [start_in(0), start_in(1), None]
    pltpu.sync_copy(table_hbm, tab_v)

    def map_row(src_buf, srow, dst_buf, drow):
        @plsc.parallel_loop(0, N_VEC, 1, unroll=UNROLL)
        def _map_vec(i):
            tag16 = src_buf[srow, pl.ds(i * LANES, LANES)]
            dst_buf[drow, pl.ds(i * LANES, LANES)] = (
                plsc.load_gather(tab_v, [tag16]))

    def zero_row(dst_buf, drow):
        z16 = jnp.zeros((LANES,), jnp.int32)

        @plsc.parallel_loop(0, N_VEC, 1, unroll=UNROLL)
        def _zero_vec(i):
            dst_buf[drow, pl.ds(i * LANES, LANES)] = z16

    out_dma = [None, None]
    for tr in range(N_BLKS):
        bi, bo = tr % 3, tr % 2
        in_dma[bi].wait()
        if out_dma[bo] is not None:
            out_dma[bo].wait()
        cur, prev, obuf = in_bufs[bi], in_bufs[(tr - 1) % 3], out_bufs[bo]
        n_out = min(BLK, OUT_W - tr * BLK)
        if tr == 0:
            zero_row(obuf, 0)
        else:
            map_row(prev, BLK - 1, obuf, 0)
        n_flat = (n_out - 1) * N_VEC

        @plsc.parallel_loop(0, n_flat, 1, unroll=UNROLL)
        def _map_block(i):
            s = lax.shift_right_logical(i, 5)
            off = lax.shift_left(jnp.bitwise_and(i, N_VEC - 1), 4)
            tag16 = cur[s, pl.ds(off, LANES)]
            obuf[s + 1, pl.ds(off, LANES)] = plsc.load_gather(tab_v, [tag16])
        if tr + 2 < N_BLKS:
            in_dma[(tr + 2) % 3] = start_in(tr + 2)
        out_dma[bo] = pltpu.async_copy(
            obuf.at[pl.ds(0, n_out)],
            out_hbm.at[pl.ds(tr * BLK, n_out), pl.ds(c0, COLS_PER_W)],
            out_sems[bo])
    for b in range(2):
        out_dma[b].wait()


def kernel(tags, label_table):
    table_pad = jnp.zeros((TAB_PAD,), jnp.int32).at[:NUM_TAGS].set(label_table)
    out_t = _sc_lookup_t(tags.T, table_pad)
    return out_t.T

# --- scband reference (transcript-rebuilt; emitter-appended) ---
"""Pipeline reference for scband-tag-vectorization-24472723652925 (READ-ONLY COPY).

The authoritative reference and input builder live on the scoring server;
editing this copy changes nothing except your own understanding.
"""

import jax, jax.numpy as jnp
import numpy as np

NUM_TAGS = 44  # len(self.tags) in the original module
B, L = 16384, 108  # padded to 109 with a leading zero column, matching tag2vec


def setup_inputs(seed: int = 0) -> dict:
    key = jax.random.key(seed)
    # String tags are represented by their integer id in the vocabulary (0..43).
    # The StaticHashTable maps tag -> label where labels = range(44), so the
    # lookup is a gather into a label table.
    tags = jax.random.randint(key, (B, L), 0, NUM_TAGS, dtype=jnp.int32)
    # Learned/static lookup table: keys (tag ids) -> labels tf.range(0, 44)
    label_table = jnp.arange(NUM_TAGS, dtype=jnp.int32)
    return {"tags": tags, "label_table": label_table}


def reference(tags, label_table):
    # table_tag.lookup(tags): gather label for each tag id
    labels = jnp.take(label_table, tags, axis=0)  # [B, 108]
    # labels.to_tensor(shape=(B, 109)) after tf.pad([[0,0],[1,0]]):
    # the ragged batch is already densified at width 108; left-pad one zero
    # column to reach width 109, matching tag2vec's output layout.
    labels = jnp.pad(labels, ((0, 0), (1, 0)))  # [B, 109]
    return labels

if __name__ == "__main__":
    import jax
    _d = setup_inputs()
    print(jax.jit(kernel)(*tuple(_d.values())))

</pallas_src>

<mosaic_0001>
#map = affine_map<(d0, d1) -> (0, 0)>
#map1 = affine_map<(d0, d1) -> (0)>
module attributes {stable_mosaic.version = 14 : i64} {
  func.func @_sc_lookup_t(%arg0: i32, %arg1: i32, %arg2: memref<108x16384xi32, #tpu.memory_space<hbm>>, %arg3: memref<48xi32, #tpu.memory_space<hbm>>, %arg4: memref<109x16384xi32, #tpu.memory_space<hbm>>, %arg5: memref<48xi32, #tpu.memory_space<vmem>>, %arg6: memref<8x512xi32, #tpu.memory_space<vmem>>, %arg7: memref<8x512xi32, #tpu.memory_space<vmem>>, %arg8: memref<8x512xi32, #tpu.memory_space<vmem>>, %arg9: memref<8x512xi32, #tpu.memory_space<vmem>>, %arg10: memref<8x512xi32, #tpu.memory_space<vmem>>, %arg11: memref<!tpu.dma_semaphore, #tpu.memory_space<semaphore_mem>>, %arg12: memref<!tpu.dma_semaphore, #tpu.memory_space<semaphore_mem>>, %arg13: memref<!tpu.dma_semaphore, #tpu.memory_space<semaphore_mem>>, %arg14: memref<!tpu.dma_semaphore, #tpu.memory_space<semaphore_mem>>, %arg15: memref<!tpu.dma_semaphore, #tpu.memory_space<semaphore_mem>>) attributes {dimension_semantics = [#tpu.dimension_semantics<core_parallel>, #tpu.dimension_semantics<subcore_parallel>], iteration_bounds = array<i64: 2, 16>, scalar_prefetch = 0 : i64, scratch_operands = 11 : i64, tpu.core_type = #tpu.core_type<sc_vector_subcore>, window_params = [{transform_indices = #map}, {transform_indices = #map1}, {transform_indices = #map}]} {
    %mul3A = arith.constant 2 : i32
    %mul3A_0 = arith.muli %arg1, %mul3A : i32
    %add3A = arith.addi %mul3A_0, %arg0 : i32
    %mul3A_1 = arith.constant 512 : i32
    %mul3A_2 = arith.muli %add3A, %mul3A_1 : i32
    %dma_start3A = arith.constant 0 : i32
    %dma_start3A_3 = arith.constant 0 : i32
    %dma_start3A_4 = tpu.memref_slice %arg6[%dma_start3A, %dma_start3A_3] : memref<8x512xi32, #tpu.memory_space<vmem>> -> memref<8x512xi32, #tpu.memory_space<vmem>>
    %dma_start3A_5 = arith.constant 0 : i32
    %dma_start3A_6 = tpu.memref_slice %arg2[%dma_start3A_5, %mul3A_2] : memref<108x16384xi32, #tpu.memory_space<hbm>> -> memref<8x512xi32, #tpu.memory_space<hbm>>
    %dma_start3A_7 = arith.constant 0 : i32
    %dma_start3A_8 = arith.constant 0 : i32
    %dma_start3A_9 = tpu.memref_slice %arg6[%dma_start3A_7, %dma_start3A_8] : memref<8x512xi32, #tpu.memory_space<vmem>> -> memref<8x512xi32, #tpu.memory_space<vmem>>
    %dma_start3A_10 = arith.constant 0 : i32
    %dma_start3A_11 = tpu.memref_slice %arg2[%dma_start3A_10, %mul3A_2] : memref<108x16384xi32, #tpu.memory_space<hbm>> -> memref<8x512xi32, #tpu.memory_space<hbm>>
    tpu.enqueue_dma source(%dma_start3A_11 : memref<8x512xi32, #tpu.memory_space<hbm>>) target(%dma_start3A_9 : memref<8x512xi32, #tpu.memory_space<vmem>>) target_semaphore(%arg11 : memref<!tpu.dma_semaphore, #tpu.memory_space<semaphore_mem>>)
    %dma_start3A_12 = arith.constant 0 : i32
    %dma_start3A_13 = arith.constant 0 : i32
    %dma_start3A_14 = tpu.memref_slice %arg7[%dma_start3A_12, %dma_start3A_13] : memref<8x512xi32, #tpu.memory_space<vmem>> -> memref<8x512xi32, #tpu.memory_space<vmem>>
    %dma_start3A_15 = arith.constant 8 : i32
    %dma_start3A_16 = tpu.memref_slice %arg2[%dma_start3A_15, %mul3A_2] : memref<108x16384xi32, #tpu.memory_space<hbm>> -> memref<8x512xi32, #tpu.memory_space<hbm>>
    %dma_start3A_17 = arith.constant 0 : i32
    %dma_start3A_18 = arith.constant 0 : i32
    %dma_start3A_19 = tpu.memref_slice %arg7[%dma_start3A_17, %dma_start3A_18] : memref<8x512xi32, #tpu.memory_space<vmem>> -> memref<8x512xi32, #tpu.memory_space<vmem>>
    %dma_start3A_20 = arith.constant 8 : i32
    %dma_start3A_21 = tpu.memref_slice %arg2[%dma_start3A_20, %mul3A_2] : memref<108x16384xi32, #tpu.memory_space<hbm>> -> memref<8x512xi32, #tpu.memory_space<hbm>>
    tpu.enqueue_dma source(%dma_start3A_21 : memref<8x512xi32, #tpu.memory_space<hbm>>) target(%dma_start3A_19 : memref<8x512xi32, #tpu.memory_space<vmem>>) target_semaphore(%arg12 : memref<!tpu.dma_semaphore, #tpu.memory_space<semaphore_mem>>)
    "tpu.region"() ({
      %run_scoped3A = tpu.sem_alloc : memref<!tpu.dma_semaphore, #tpu.memory_space<semaphore_mem>>
      tpu.enqueue_dma source(%arg3 : memref<48xi32, #tpu.memory_space<hbm>>) target(%arg5 : memref<48xi32, #tpu.memory_space<vmem>>) target_semaphore(%run_scoped3A : memref<!tpu.dma_semaphore, #tpu.memory_space<semaphore_mem>>)
      tpu.wait_dma2 semaphore(%run_scoped3A : memref<!tpu.dma_semaphore, #tpu.memory_space<semaphore_mem>>) src(%arg3 : memref<48xi32, #tpu.memory_space<hbm>>) dst(%arg5 : memref<48xi32, #tpu.memory_space<vmem>>)
      tpu.yield
    }) : () -> ()
    %dma_wait3A = arith.constant 0 : i32
    %dma_wait3A_22 = arith.constant 0 : i32
    %dma_wait3A_23 = tpu.memref_slice %arg6[%dma_wait3A, %dma_wait3A_22] : memref<8x512xi32, #tpu.memory_space<vmem>> -> memref<8x512xi32, #tpu.memory_space<vmem>>
    %dma_wait3A_24 = arith.constant 0 : i32
    %dma_wait3A_25 = tpu.memref_slice %arg2[%dma_wait3A_24, %mul3A_2] : memref<108x16384xi32, #tpu.memory_space<hbm>> -> memref<8x512xi32, #tpu.memory_space<hbm>>
    %dma_wait3A_26 = arith.constant 0 : i32
    %dma_wait3A_27 = arith.constant 0 : i32
    %dma_wait3A_28 = tpu.memref_slice %arg6[%dma_wait3A_26, %dma_wait3A_27] : memref<8x512xi32, #tpu.memory_space<vmem>> -> memref<8x512xi32, #tpu.memory_space<vmem>>
    %dma_wait3A_29 = arith.constant 0 : i32
    %dma_wait3A_30 = tpu.memref_slice %arg2[%dma_wait3A_29, %mul3A_2] : memref<108x16384xi32, #tpu.memory_space<hbm>> -> memref<8x512xi32, #tpu.memory_space<hbm>>
    tpu.wait_dma2 semaphore(%arg11 : memref<!tpu.dma_semaphore, #tpu.memory_space<semaphore_mem>>) src(%dma_wait3A_30 : memref<8x512xi32, #tpu.memory_space<hbm>>) dst(%dma_wait3A_28 : memref<8x512xi32, #tpu.memory_space<vmem>>)
    %broadcast_in_dim3A = arith.constant 0 : i32
    %broadcast_in_dim3A_31 = vector.broadcast %broadcast_in_dim3A : i32 to vector<16xi32>
    %parallel_loop3A = arith.constant 0 : i32
    %parallel_loop3A_32 = arith.constant 32 : i32
    %parallel_loop3A_33 = arith.constant 1 : i32
    scf.for %parallel_loop3A_645 = %parallel_loop3A to %parallel_loop3A_32 step %parallel_loop3A_33  : i32 {
      %parallel_loop3A_646 = arith.constant 16 : i32
      %parallel_loop3A_647 = arith.muli %parallel_loop3A_645, %parallel_loop3A_646 : i32
      %parallel_loop3A_648 = arith.constant 0 : i32
      %parallel_loop3A_649 = arith.index_cast %parallel_loop3A_648 : i32 to index
      %parallel_loop3A_650 = arith.index_cast %parallel_loop3A_647 : i32 to index
      %parallel_loop3A_651 = tpu.vector_load %arg9[%parallel_loop3A_649, %parallel_loop3A_650] {strides = array<i32>} : memref<8x512xi32, #tpu.memory_space<vmem>>, vector<16xi32>,
      tpu.vector_store %arg9[%parallel_loop3A_649, %parallel_loop3A_650], %broadcast_in_dim3A_31 {strides = array<i32>} : memref<8x512xi32, #tpu.memory_space<vmem>>, vector<16xi32>,
    } {sc.loop_unroll_factor = 8 : i64, sc.parallel_access}
    %parallel_loop3A_34 = arith.constant 0 : i32
    %parallel_loop3A_35 = arith.constant 224 : i32
    %parallel_loop3A_36 = arith.constant 1 : i32
    scf.for %parallel_loop3A_645 = %parallel_loop3A_34 to %parallel_loop3A_35 step %parallel_loop3A_36  : i32 {
      %parallel_loop3A_646 = arith.constant 5 : i32
      %parallel_loop3A_647 = arith.shrui %parallel_loop3A_645, %parallel_loop3A_646 : i32
      %parallel_loop3A_648 = arith.constant 31 : i32
      %parallel_loop3A_649 = arith.andi %parallel_loop3A_645, %parallel_loop3A_648 : i32
      %parallel_loop3A_650 = arith.constant 4 : i32
      %parallel_loop3A_651 = arith.shli %parallel_loop3A_649, %parallel_loop3A_650 : i32
      %parallel_loop3A_652 = arith.index_cast %parallel_loop3A_647 : i32 to index
      %parallel_loop3A_653 = arith.index_cast %parallel_loop3A_651 : i32 to index
      %parallel_loop3A_654 = tpu.vector_load %arg6[%parallel_loop3A_652, %parallel_loop3A_653] {strides = array<i32>} : memref<8x512xi32, #tpu.memory_space<vmem>>, vector<16xi32>,
      %parallel_loop3A_655 = tpu.vector_load_idx %arg5[%parallel_loop3A_654] : memref<48xi32, #tpu.memory_space<vmem>>[vector<16xi32>], vector<16xi32>,
      %parallel_loop3A_656 = arith.constant 1 : i32
      %parallel_loop3A_657 = arith.addi %parallel_loop3A_647, %parallel_loop3A_656 : i32
      %parallel_loop3A_658 = arith.index_cast %parallel_loop3A_657 : i32 to index
      %parallel_loop3A_659 = arith.index_cast %parallel_loop3A_651 : i32 to index
      %parallel_loop3A_660 = tpu.vector_load %arg9[%parallel_loop3A_658, %parallel_loop3A_659] {strides = array<i32>} : memref<8x512xi32, #tpu.memory_space<vmem>>, vector<16xi32>,
      tpu.vector_store %arg9[%parallel_loop3A_658, %parallel_loop3A_659], %parallel_loop3A_655 {strides = array<i32>} : memref<8x512xi32, #tpu.memory_space<vmem>>, vector<16xi32>,
    } {sc.loop_unroll_factor = 8 : i64, sc.parallel_access}
    %dma_start3A_37 = arith.constant 0 : i32
    %dma_start3A_38 = arith.constant 0 : i32
    %dma_start3A_39 = tpu.memref_slice %arg8[%dma_start3A_37, %dma_start3A_38] : memref<8x512xi32, #tpu.memory_space<vmem>> -> memref<8x512xi32, #tpu.memory_space<vmem>>
    %dma_start3A_40 = arith.constant 16 : i32
    %dma_start3A_41 = tpu.memref_slice %arg2[%dma_start3A_40, %mul3A_2] : memref<108x16384xi32, #tpu.memory_space<hbm>> -> memref<8x512xi32, #tpu.memory_space<hbm>>
    %dma_start3A_42 = arith.constant 0 : i32
    %dma_start3A_43 = arith.constant 0 : i32
    %dma_start3A_44 = tpu.memref_slice %arg8[%dma_start3A_42, %dma_start3A_43] : memref<8x512xi32, #tpu.memory_space<vmem>> -> memref<8x512xi32, #tpu.memory_space<vmem>>
    %dma_start3A_45 = arith.constant 16 : i32
    %dma_start3A_46 = tpu.memref_slice %arg2[%dma_start3A_45, %mul3A_2] : memref<108x16384xi32, #tpu.memory_space<hbm>> -> memref<8x512xi32, #tpu.memory_space<hbm>>
    tpu.enqueue_dma source(%dma_start3A_46 : memref<8x512xi32, #tpu.memory_space<hbm>>) target(%dma_start3A_44 : memref<8x512xi32, #tpu.memory_space<vmem>>) target_semaphore(%arg13 : memref<!tpu.dma_semaphore, #tpu.memory_space<semaphore_mem>>)
    %dma_start3A_47 = arith.constant 0 : i32
    %dma_start3A_48 = arith.constant 0 : i32
    %dma_start3A_49 = tpu.memref_slice %arg9[%dma_start3A_47, %dma_start3A_48] : memref<8x512xi32, #tpu.memory_space<vmem>> -> memref<8x512xi32, #tpu.memory_space<vmem>>
    %dma_start3A_50 = arith.constant 0 : i32
    %dma_start3A_51 = tpu.memref_slice %arg4[%dma_start3A_50, %mul3A_2] : memref<109x16384xi32, #tpu.memory_space<hbm>> -> memref<8x512xi32, #tpu.memory_space<hbm>>
    %dma_start3A_52 = arith.constant 0 : i32
    %dma_start3A_53 = tpu.memref_slice %arg4[%dma_start3A_52, %mul3A_2] : memref<109x16384xi32, #tpu.memory_space<hbm>> -> memref<8x512xi32, #tpu.memory_space<hbm>>
    %dma_start3A_54 = arith.constant 0 : i32
    %dma_start3A_55 = arith.constant 0 : i32
    %dma_start3A_56 = tpu.memref_slice %arg9[%dma_start3A_54, %dma_start3A_55] : memref<8x512xi32, #tpu.memory_space<vmem>> -> memref<8x512xi32, #tpu.memory_space<vmem>>
    tpu.enqueue_dma source(%dma_start3A_56 : memref<8x512xi32, #tpu.memory_space<vmem>>) target(%dma_start3A_53 : memref<8x512xi32, #tpu.memory_space<hbm>>) target_semaphore(%arg14 : memref<!tpu.dma_semaphore, #tpu.memory_space<semaphore_mem>>)
    %dma_wait3A_57 = arith.constant 0 : i32
    %dma_wait3A_58 = arith.constant 0 : i32
    %dma_wait3A_59 = tpu.memref_slice %arg7[%dma_wait3A_57, %dma_wait3A_58] : memref<8x512xi32, #tpu.memory_space<vmem>> -> memref<8x512xi32, #tpu.memory_space<vmem>>
    %dma_wait3A_60 = arith.constant 8 : i32
    %dma_wait3A_61 = tpu.memref_slice %arg2[%dma_wait3A_60, %mul3A_2] : memref<108x16384xi32, #tpu.memory_space<hbm>> -> memref<8x512xi32, #tpu.memory_space<hbm>>
    %dma_wait3A_62 = arith.constant 0 : i32
    %dma_wait3A_63 = arith.constant 0 : i32
    %dma_wait3A_64 = tpu.memref_slice %arg7[%dma_wait3A_62, %dma_wait3A_63] : memref<8x512xi32, #tpu.memory_space<vmem>> -> memref<8x512xi32, #tpu.memory_space<vmem>>
    %dma_wait3A_65 = arith.constant 8 : i32
    %dma_wait3A_66 = tpu.memref_slice %arg2[%dma_wait3A_65, %mul3A_2] : memref<108x16384xi32, #tpu.memory_space<hbm>> -> memref<8x512xi32, #tpu.memory_space<hbm>>
    tpu.wait_dma2 semaphore(%arg12 : memref<!tpu.dma_semaphore, #tpu.memory_space<semaphore_mem>>) src(%dma_wait3A_66 : memref<8x512xi32, #tpu.memory_space<hbm>>) dst(%dma_wait3A_64 : memref<8x512xi32, #tpu.memory_space<vmem>>)
    %parallel_loop3A_67 = arith.constant 0 : i32
    %parallel_loop3A_68 = arith.constant 32 : i32
    %parallel_loop3A_69 = arith.constant 1 : i32
    scf.for %parallel_loop3A_645 = %parallel_loop3A_67 to %parallel_loop3A_68 step %parallel_loop3A_69  : i32 {
      %parallel_loop3A_646 = arith.constant 16 : i32
      %parallel_loop3A_647 = arith.muli %parallel_loop3A_645, %parallel_loop3A_646 : i32
      %parallel_loop3A_648 = arith.constant 7 : i32
      %parallel_loop3A_649 = arith.index_cast %parallel_loop3A_648 : i32 to index
      %parallel_loop3A_650 = arith.index_cast %parallel_loop3A_647 : i32 to index
      %parallel_loop3A_651 = tpu.vector_load %arg6[%parallel_loop3A_649, %parallel_loop3A_650] {strides = array<i32>} : memref<8x512xi32, #tpu.memory_space<vmem>>, vector<16xi32>,
      %parallel_loop3A_652 = tpu.vector_load_idx %arg5[%parallel_loop3A_651] : memref<48xi32, #tpu.memory_space<vmem>>[vector<16xi32>], vector<16xi32>,
      %parallel_loop3A_653 = arith.constant 16 : i32
      %parallel_loop3A_654 = arith.muli %parallel_loop3A_645, %parallel_loop3A_653 : i32
      %parallel_loop3A_655 = arith.constant 0 : i32
      %parallel_loop3A_656 = arith.index_cast %parallel_loop3A_655 : i32 to index
      %parallel_loop3A_657 = arith.index_cast %parallel_loop3A_654 : i32 to index
      %parallel_loop3A_658 = tpu.vector_load %arg10[%parallel_loop3A_656, %parallel_loop3A_657] {strides = array<i32>} : memref<8x512xi32, #tpu.memory_space<vmem>>, vector<16xi32>,
      tpu.vector_store %arg10[%parallel_loop3A_656, %parallel_loop3A_657], %parallel_loop3A_652 {strides = array<i32>} : memref<8x512xi32, #tpu.memory_space<vmem>>, vector<16xi32>,
    } {sc.loop_unroll_factor = 8 : i64, sc.parallel_access}
    %parallel_loop3A_70 = arith.constant 0 : i32
    %parallel_loop3A_71 = arith.constant 224 : i32
    %parallel_loop3A_72 = arith.constant 1 : i32
    scf.for %parallel_loop3A_645 = %parallel_loop3A_70 to %parallel_loop3A_71 step %parallel_loop3A_72  : i32 {
      %parallel_loop3A_646 = arith.constant 5 : i32
      %parallel_loop3A_647 = arith.shrui %parallel_loop3A_645, %parallel_loop3A_646 : i32
      %parallel_loop3A_648 = arith.constant 31 : i32
      %parallel_loop3A_649 = arith.andi %parallel_loop3A_645, %parallel_loop3A_648 : i32
      %parallel_loop3A_650 = arith.constant 4 : i32
      %parallel_loop3A_651 = arith.shli %parallel_loop3A_649, %parallel_loop3A_650 : i32
      %parallel_loop3A_652 = arith.index_cast %parallel_loop3A_647 : i32 to index
      %parallel_loop3A_653 = arith.index_cast %parallel_loop3A_651 : i32 to index
      %parallel_loop3A_654 = tpu.vector_load %arg7[%parallel_loop3A_652, %parallel_loop3A_653] {strides = array<i32>} : memref<8x512xi32, #tpu.memory_space<vmem>>, vector<16xi32>,
      %parallel_loop3A_655 = tpu.vector_load_idx %arg5[%parallel_loop3A_654] : memref<48xi32, #tpu.memory_space<vmem>>[vector<16xi32>], vector<16xi32>,
      %parallel_loop3A_656 = arith.constant 1 : i32
      %parallel_loop3A_657 = arith.addi %parallel_loop3A_647, %parallel_loop3A_656 : i32
      %parallel_loop3A_658 = arith.index_cast %parallel_loop3A_657 : i32 to index
      %parallel_loop3A_659 = arith.index_cast %parallel_loop3A_651 : i32 to index
      %parallel_loop3A_660 = tpu.vector_load %arg10[%parallel_loop3A_658, %parallel_loop3A_659] {strides = array<i32>} : memref<8x512xi32, #tpu.memory_space<vmem>>, vector<16xi32>,
      tpu.vector_store %arg10[%parallel_loop3A_658, %parallel_loop3A_659], %parallel_loop3A_655 {strides = array<i32>} : memref<8x512xi32, #tpu.memory_space<vmem>>, vector<16xi32>,
    } {sc.loop_unroll_factor = 8 : i64, sc.parallel_access}
    %dma_start3A_73 = arith.constant 0 : i32
    %dma_start3A_74 = arith.constant 0 : i32
    %dma_start3A_75 = tpu.memref_slice %arg6[%dma_start3A_73, %dma_start3A_74] : memref<8x512xi32, #tpu.memory_space<vmem>> -> memref<8x512xi32, #tpu.memory_space<vmem>>
    %dma_start3A_76 = arith.constant 24 : i32
    %dma_start3A_77 = tpu.memref_slice %arg2[%dma_start3A_76, %mul3A_2] : memref<108x16384xi32, #tpu.memory_space<hbm>> -> memref<8x512xi32, #tpu.memory_space<hbm>>
    %dma_start3A_78 = arith.constant 0 : i32
    %dma_start3A_79 = arith.constant 0 : i32
    %dma_start3A_80 = tpu.memref_slice %arg6[%dma_start3A_78, %dma_start3A_79] : memref<8x512xi32, #tpu.memory_space<vmem>> -> memref<8x512xi32, #tpu.memory_space<vmem>>
    %dma_start3A_81 = arith.constant 24 : i32
    %dma_start3A_82 = tpu.memref_slice %arg2[%dma_start3A_81, %mul3A_2] : memref<108x16384xi32, #tpu.memory_space<hbm>> -> memref<8x512xi32, #tpu.memory_space<hbm>>
    tpu.enqueue_dma source(%dma_start3A_82 : memref<8x512xi32, #tpu.memory_space<hbm>>) target(%dma_start3A_80 : memref<8x512xi32, #tpu.memory_space<vmem>>) target_semaphore(%arg11 : memref<!tpu.dma_semaphore, #tpu.memory_space<semaphore_mem>>)
    %dma_start3A_83 = arith.constant 0 : i32
    %dma_start3A_84 = arith.constant 0 : i32
    %dma_start3A_85 = tpu.memref_slice %arg10[%dma_start3A_83, %dma_start3A_84] : memref<8x512xi32, #tpu.memory_space<vmem>> -> memref<8x512xi32, #tpu.memory_space<vmem>>
    %dma_start3A_86 = arith.constant 8 : i32
    %dma_start3A_87 = tpu.memref_slice %arg4[%dma_start3A_86, %mul3A_2] : memref<109x16384xi32, #tpu.memory_space<hbm>> -> memref<8x512xi32, #tpu.memory_space<hbm>>
    %dma_start3A_88 = arith.constant 8 : i32
    %dma_start3A_89 = tpu.memref_slice %arg4[%dma_start3A_88, %mul3A_2] : memref<109x16384xi32, #tpu.memory_space<hbm>> -> memref<8x512xi32, #tpu.memory_space<hbm>>
    %dma_start3A_90 = arith.constant 0 : i32
    %dma_start3A_91 = arith.constant 0 : i32
    %dma_start3A_92 = tpu.memref_slice %arg10[%dma_start3A_90, %dma_start3A_91] : memref<8x512xi32, #tpu.memory_space<vmem>> -> memref<8x512xi32, #tpu.memory_space<vmem>>
    tpu.enqueue_dma source(%dma_start3A_92 : memref<8x512xi32, #tpu.memory_space<vmem>>) target(%dma_start3A_89 : memref<8x512xi32, #tpu.memory_space<hbm>>) target_semaphore(%arg15 : memref<!tpu.dma_semaphore, #tpu.memory_space<semaphore_mem>>)
    %dma_wait3A_93 = arith.constant 0 : i32
    %dma_wait3A_94 = arith.constant 0 : i32
    %dma_wait3A_95 = tpu.memref_slice %arg8[%dma_wait3A_93, %dma_wait3A_94] : memref<8x512xi32, #tpu.memory_space<vmem>> -> memref<8x512xi32, #tpu.memory_space<vmem>>
    %dma_wait3A_96 = arith.constant 16 : i32
    %dma_wait3A_97 = tpu.memref_slice %arg2[%dma_wait3A_96, %mul3A_2] : memref<108x16384xi32, #tpu.memory_space<hbm>> -> memref<8x512xi32, #tpu.memory_space<hbm>>
    %dma_wait3A_98 = arith.constant 0 : i32
    %dma_wait3A_99 = arith.constant 0 : i32
    %dma_wait3A_100 = tpu.memref_slice %arg8[%dma_wait3A_98, %dma_wait3A_99] : memref<8x512xi32, #tpu.memory_space<vmem>> -> memref<8x512xi32, #tpu.memory_space<vmem>>
    %dma_wait3A_101 = arith.constant 16 : i32
    %dma_wait3A_102 = tpu.memref_slice %arg2[%dma_wait3A_101, %mul3A_2] : memref<108x16384xi32, #tpu.memory_space<hbm>> -> memref<8x512xi32, #tpu.memory_space<hbm>>
    tpu.wait_dma2 semaphore(%arg13 : memref<!tpu.dma_semaphore, #tpu.memory_space<semaphore_mem>>) src(%dma_wait3A_102 : memref<8x512xi32, #tpu.memory_space<hbm>>) dst(%dma_wait3A_100 : memref<8x512xi32, #tpu.memory_space<vmem>>)
    %dma_wait3A_103 = arith.constant 0 : i32
    %dma_wait3A_104 = arith.constant 0 : i32
    %dma_wait3A_105 = tpu.memref_slice %arg9[%dma_wait3A_103, %dma_wait3A_104] : memref<8x512xi32, #tpu.memory_space<vmem>> -> memref<8x512xi32, #tpu.memory_space<vmem>>
    %dma_wait3A_106 = arith.constant 0 : i32
    %dma_wait3A_107 = tpu.memref_slice %arg4[%dma_wait3A_106, %mul3A_2] : memref<109x16384xi32, #tpu.memory_space<hbm>> -> memref<8x512xi32, #tpu.memory_space<hbm>>
    %dma_wait3A_108 = arith.constant 0 : i32
    %dma_wait3A_109 = tpu.memref_slice %arg4[%dma_wait3A_108, %mul3A_2] : memref<109x16384xi32, #tpu.memory_space<hbm>> -> memref<8x512xi32, #tpu.memory_space<hbm>>
    %dma_wait3A_110 = arith.constant 0 : i32
    %dma_wait3A_111 = arith.constant 0 : i32
    %dma_wait3A_112 = tpu.memref_slice %arg9[%dma_wait3A_110, %dma_wait3A_111] : memref<8x512xi32, #tpu.memory_space<vmem>> -> memref<8x512xi32, #tpu.memory_space<vmem>>
    tpu.wait_dma2 semaphore(%arg14 : memref<!tpu.dma_semaphore, #tpu.memory_space<semaphore_mem>>) src(%dma_wait3A_112 : memref<8x512xi32, #tpu.memory_space<vmem>>) dst(%dma_wait3A_109 : memref<8x512xi32, #tpu.memory_space<hbm>>)
    %parallel_loop3A_113 = arith.constant 0 : i32
    %parallel_loop3A_114 = arith.constant 32 : i32
    %parallel_loop3A_115 = arith.constant 1 : i32
    scf.for %parallel_loop3A_645 = %parallel_loop3A_113 to %parallel_loop3A_114 step %parallel_loop3A_115  : i32 {
      %parallel_loop3A_646 = arith.constant 16 : i32
      %parallel_loop3A_647 = arith.muli %parallel_loop3A_645, %parallel_loop3A_646 : i32
      %parallel_loop3A_648 = arith.constant 7 : i32
      %parallel_loop3A_649 = arith.index_cast %parallel_loop3A_648 : i32 to index
      %parallel_loop3A_650 = arith.index_cast %parallel_loop3A_647 : i32 to index
      %parallel_loop3A_651 = tpu.vector_load %arg7[%parallel_loop3A_649, %parallel_loop3A_650] {strides = array<i32>} : memref<8x512xi32, #tpu.memory_space<vmem>>, vector<16xi32>,
      %parallel_loop3A_652 = tpu.vector_load_idx %arg5[%parallel_loop3A_651] : memref<48xi32, #tpu.memory_space<vmem>>[vector<16xi32>], vector<16xi32>,
      %parallel_loop3A_653 = arith.constant 16 : i32
      %parallel_loop3A_654 = arith.muli %parallel_loop3A_645, %parallel_loop3A_653 : i32
      %parallel_loop3A_655 = arith.constant 0 : i32
      %parallel_loop3A_656 = arith.index_cast %parallel_loop3A_655 : i32 to index
      %parallel_loop3A_657 = arith.index_cast %parallel_loop3A_654 : i32 to index
      %parallel_loop3A_658 = tpu.vector_load %arg9[%parallel_loop3A_656, %parallel_loop3A_657] {strides = array<i32>} : memref<8x512xi32, #tpu.memory_space<vmem>>, vector<16xi32>,
      tpu.vector_store %arg9[%parallel_loop3A_656, %parallel_loop3A_657], %parallel_loop3A_652 {strides = array<i32>} : memref<8x512xi32, #tpu.memory_space<vmem>>, vector<16xi32>,
    } {sc.loop_unroll_factor = 8 : i64, sc.parallel_access}
    %parallel_loop3A_116 = arith.constant 0 : i32
    %parallel_loop3A_117 = arith.constant 224 : i32
    %parallel_loop3A_118 = arith.constant 1 : i32
    scf.for %parallel_loop3A_645 = %parallel_loop3A_116 to %parallel_loop3A_117 step %parallel_loop3A_118  : i32 {
      %parallel_loop3A_646 = arith.constant 5 : i32
      %parallel_loop3A_647 = arith.shrui %parallel_loop3A_645, %parallel_loop3A_646 : i32
      %parallel_loop3A_648 = arith.constant 31 : i32
      %parallel_loop3A_649 = arith.andi %parallel_loop3A_645, %parallel_loop3A_648 : i32
      %parallel_loop3A_650 = arith.constant 4 : i32
      %parallel_loop3A_651 = arith.shli %parallel_loop3A_649, %parallel_loop3A_650 : i32
      %parallel_loop3A_652 = arith.index_cast %parallel_loop3A_647 : i32 to index
      %parallel_loop3A_653 = arith.index_cast %parallel_loop3A_651 : i32 to index
      %parallel_loop3A_654 = tpu.vector_load %arg8[%parallel_loop3A_652, %parallel_loop3A_653] {strides = array<i32>} : memref<8x512xi32, #tpu.memory_space<vmem>>, vector<16xi32>,
      %parallel_loop3A_655 = tpu.vector_load_idx %arg5[%parallel_loop3A_654] : memref<48xi32, #tpu.memory_space<vmem>>[vector<16xi32>], vector<16xi32>,
      %parallel_loop3A_656 = arith.constant 1 : i32
      %parallel_loop3A_657 = arith.addi %parallel_loop3A_647, %parallel_loop3A_656 : i32
      %parallel_loop3A_658 = arith.index_cast %parallel_loop3A_657 : i32 to index
      %parallel_loop3A_659 = arith.index_cast %parallel_loop3A_651 : i32 to index
      %parallel_loop3A_660 = tpu.vector_load %arg9[%parallel_loop3A_658, %parallel_loop3A_659] {strides = array<i32>} : memref<8x512xi32, #tpu.memory_space<vmem>>, vector<16xi32>,
      tpu.vector_store %arg9[%parallel_loop3A_658, %parallel_loop3A_659], %parallel_loop3A_655 {strides = array<i32>} : memref<8x512xi32, #tpu.memory_space<vmem>>, vector<16xi32>,
    } {sc.loop_unroll_factor = 8 : i64, sc.parallel_access}
    %dma_start3A_119 = arith.constant 0 : i32
    %dma_start3A_120 = arith.constant 0 : i32
    %dma_start3A_121 = tpu.memref_slice %arg7[%dma_start3A_119, %dma_start3A_120] : memref<8x512xi32, #tpu.memory_space<vmem>> -> memref<8x512xi32, #tpu.memory_space<vmem>>
    %dma_start3A_122 = arith.constant 32 : i32
    %dma_start3A_123 = tpu.memref_slice %arg2[%dma_start3A_122, %mul3A_2] : memref<108x16384xi32, #tpu.memory_space<hbm>> -> memref<8x512xi32, #tpu.memory_space<hbm>>
    %dma_start3A_124 = arith.constant 0 : i32
    %dma_start3A_125 = arith.constant 0 : i32
    %dma_start3A_126 = tpu.memref_slice %arg7[%dma_start3A_124, %dma_start3A_125] : memref<8x512xi32, #tpu.memory_space<vmem>> -> memref<8x512xi32, #tpu.memory_space<vmem>>
    %dma_start3A_127 = arith.constant 32 : i32
    %dma_start3A_128 = tpu.memref_slice %arg2[%dma_start3A_127, %mul3A_2] : memref<108x16384xi32, #tpu.memory_space<hbm>> -> memref<8x512xi32, #tpu.memory_space<hbm>>
    tpu.enqueue_dma source(%dma_start3A_128 : memref<8x512xi32, #tpu.memory_space<hbm>>) target(%dma_start3A_126 : memref<8x512xi32, #tpu.memory_space<vmem>>) target_semaphore(%arg12 : memref<!tpu.dma_semaphore, #tpu.memory_space<semaphore_mem>>)
    %dma_start3A_129 = arith.constant 0 : i32
    %dma_start3A_130 = arith.constant 0 : i32
    %dma_start3A_131 = tpu.memref_slice %arg9[%dma_start3A_129, %dma_start3A_130] : memref<8x512xi32, #tpu.memory_space<vmem>> -> memref<8x512xi32, #tpu.memory_space<vmem>>
    %dma_start3A_132 = arith.constant 16 : i32
    %dma_start3A_133 = tpu.memref_slice %arg4[%dma_start3A_132, %mul3A_2] : memref<109x16384xi32, #tpu.memory_space<hbm>> -> memref<8x512xi32, #tpu.memory_space<hbm>>
    %dma_start3A_134 = arith.constant 16 : i32
    %dma_start3A_135 = tpu.memref_slice %arg4[%dma_start3A_134, %mul3A_2] : memref<109x16384xi32, #tpu.memory_space<hbm>> -> memref<8x512xi32, #tpu.memory_space<hbm>>
    %dma_start3A_136 = arith.constant 0 : i32
    %dma_start3A_137 = arith.constant 0 : i32
    %dma_start3A_138 = tpu.memref_slice %arg9[%dma_start3A_136, %dma_start3A_137] : memref<8x512xi32, #tpu.memory_space<vmem>> -> memref<8x512xi32, #tpu.memory_space<vmem>>
    tpu.enqueue_dma source(%dma_start3A_138 : memref<8x512xi32, #tpu.memory_space<vmem>>) target(%dma_start3A_135 : memref<8x512xi32, #tpu.memory_space<hbm>>) target_semaphore(%arg14 : memref<!tpu.dma_semaphore, #tpu.memory_space<semaphore_mem>>)
    %dma_wait3A_139 = arith.constant 0 : i32
    %dma_wait3A_140 = arith.constant 0 : i32
    %dma_wait3A_141 = tpu.memref_slice %arg6[%dma_wait3A_139, %dma_wait3A_140] : memref<8x512xi32, #tpu.memory_space<vmem>> -> memref<8x512xi32, #tpu.memory_space<vmem>>
    %dma_wait3A_142 = arith.constant 24 : i32
    %dma_wait3A_143 = tpu.memref_slice %arg2[%dma_wait3A_142, %mul3A_2] : memref<108x16384xi32, #tpu.memory_space<hbm>> -> memref<8x512xi32, #tpu.memory_space<hbm>>
    %dma_wait3A_144 = arith.constant 0 : i32
    %dma_wait3A_145 = arith.constant 0 : i32
    %dma_wait3A_146 = tpu.memref_slice %arg6[%dma_wait3A_144, %dma_wait3A_145] : memref<8x512xi32, #tpu.memory_space<vmem>> -> memref<8x512xi32, #tpu.memory_space<vmem>>
    %dma_wait3A_147 = arith.constant 24 : i32
    %dma_wait3A_148 = tpu.memref_slice %arg2[%dma_wait3A_147, %mul3A_2] : memref<108x16384xi32, #tpu.memory_space<hbm>> -> memref<8x512xi32, #tpu.memory_space<hbm>>
    tpu.wait_dma2 semaphore(%arg11 : memref<!tpu.dma_semaphore, #tpu.memory_space<semaphore_mem>>) src(%dma_wait3A_148 : memref<8x512xi32, #tpu.memory_space<hbm>>) dst(%dma_wait3A_146 : memref<8x512xi32, #tpu.memory_space<vmem>>)
    %dma_wait3A_149 = arith.constant 0 : i32
    %dma_wait3A_150 = arith.constant 0 : i32
    %dma_wait3A_151 = tpu.memref_slice %arg10[%dma_wait3A_149, %dma_wait3A_150] : memref<8x512xi32, #tpu.memory_space<vmem>> -> memref<8x512xi32, #tpu.memory_space<vmem>>
    %dma_wait3A_152 = arith.constant 8 : i32
    %dma_wait3A_153 = tpu.memref_slice %arg4[%dma_wait3A_152, %mul3A_2] : memref<109x16384xi32, #tpu.memory_space<hbm>> -> memref<8x512xi32, #tpu.memory_space<hbm>>
    %dma_wait3A_154 = arith.constant 8 : i32
    %dma_wait3A_155 = tpu.memref_slice %arg4[%dma_wait3A_154, %mul3A_2] : memref<109x16384xi32, #tpu.memory_space<hbm>> -> memref<8x512xi32, #tpu.memory_space<hbm>>
    %dma_wait3A_156 = arith.constant 0 : i32
    %dma_wait3A_157 = arith.constant 0 : i32
    %dma_wait3A_158 = tpu.memref_slice %arg10[%dma_wait3A_156, %dma_wait3A_157] : memref<8x512xi32, #tpu.memory_space<vmem>> -> memref<8x512xi32, #tpu.memory_space<vmem>>
    tpu.wait_dma2 semaphore(%arg15 : memref<!tpu.dma_semaphore, #tpu.memory_space<semaphore_mem>>) src(%dma_wait3A_158 : memref<8x512xi32, #tpu.memory_space<vmem>>) dst(%dma_wait3A_155 : memref<8x512xi32, #tpu.memory_space<hbm>>)
    %parallel_loop3A_159 = arith.constant 0 : i32
    %parallel_loop3A_160 = arith.constant 32 : i32
    %parallel_loop3A_161 = arith.constant 1 : i32
    scf.for %parallel_loop3A_645 = %parallel_loop3A_159 to %parallel_loop3A_160 step %parallel_loop3A_161  : i32 {
      %parallel_loop3A_646 = arith.constant 16 : i32
      %parallel_loop3A_647 = arith.muli %parallel_loop3A_645, %parallel_loop3A_646 : i32
      %parallel_loop3A_648 = arith.constant 7 : i32
      %parallel_loop3A_649 = arith.index_cast %parallel_loop3A_648 : i32 to index
      %parallel_loop3A_650 = arith.index_cast %parallel_loop3A_647 : i32 to index
      %parallel_loop3A_651 = tpu.vector_load %arg8[%parallel_loop3A_649, %parallel_loop3A_650] {strides = array<i32>} : memref<8x512xi32, #tpu.memory_space<vmem>>, vector<16xi32>,
      %parallel_loop3A_652 = tpu.vector_load_idx %arg5[%parallel_loop3A_651] : memref<48xi32, #tpu.memory_space<vmem>>[vector<16xi32>], vector<16xi32>,
      %parallel_loop3A_653 = arith.constant 16 : i32
      %parallel_loop3A_654 = arith.muli %parallel_loop3A_645, %parallel_loop3A_653 : i32
      %parallel_loop3A_655 = arith.constant 0 : i32
      %parallel_loop3A_656 = arith.index_cast %parallel_loop3A_655 : i32 to index
      %parallel_loop3A_657 = arith.index_cast %parallel_loop3A_654 : i32 to index
      %parallel_loop3A_658 = tpu.vector_load %arg10[%parallel_loop3A_656, %parallel_loop3A_657] {strides = array<i32>} : memref<8x512xi32, #tpu.memory_space<vmem>>, vector<16xi32>,
      tpu.vector_store %arg10[%parallel_loop3A_656, %parallel_loop3A_657], %parallel_loop3A_652 {strides = array<i32>} : memref<8x512xi32, #tpu.memory_space<vmem>>, vector<16xi32>,
    } {sc.loop_unroll_factor = 8 : i64, sc.parallel_access}
    %parallel_loop3A_162 = arith.constant 0 : i32
    %parallel_loop3A_163 = arith.constant 224 : i32
    %parallel_loop3A_164 = arith.constant 1 : i32
    scf.for %parallel_loop3A_645 = %parallel_loop3A_162 to %parallel_loop3A_163 step %parallel_loop3A_164  : i32 {
      %parallel_loop3A_646 = arith.constant 5 : i32
      %parallel_loop3A_647 = arith.shrui %parallel_loop3A_645, %parallel_loop3A_646 : i32
      %parallel_loop3A_648 = arith.constant 31 : i32
      %parallel_loop3A_649 = arith.andi %parallel_loop3A_645, %parallel_loop3A_648 : i32
      %parallel_loop3A_650 = arith.constant 4 : i32
      %parallel_loop3A_651 = arith.shli %parallel_loop3A_649, %parallel_loop3A_650 : i32
      %parallel_loop3A_652 = arith.index_cast %parallel_loop3A_647 : i32 to index
      %parallel_loop3A_653 = arith.index_cast %parallel_loop3A_651 : i32 to index
      %parallel_loop3A_654 = tpu.vector_load %arg6[%parallel_loop3A_652, %parallel_loop3A_653] {strides = array<i32>} : memref<8x512xi32, #tpu.memory_space<vmem>>, vector<16xi32>,
      %parallel_loop3A_655 = tpu.vector_load_idx %arg5[%parallel_loop3A_654] : memref<48xi32, #tpu.memory_space<vmem>>[vector<16xi32>], vector<16xi32>,
      %parallel_loop3A_656 = arith.constant 1 : i32
      %parallel_loop3A_657 = arith.addi %parallel_loop3A_647, %parallel_loop3A_656 : i32
      %parallel_loop3A_658 = arith.index_cast %parallel_loop3A_657 : i32 to index
      %parallel_loop3A_659 = arith.index_cast %parallel_loop3A_651 : i32 to index
      %parallel_loop3A_660 = tpu.vector_load %arg10[%parallel_loop3A_658, %parallel_loop3A_659] {strides = array<i32>} : memref<8x512xi32, #tpu.memory_space<vmem>>, vector<16xi32>,
      tpu.vector_store %arg10[%parallel_loop3A_658, %parallel_loop3A_659], %parallel_loop3A_655 {strides = array<i32>} : memref<8x512xi32, #tpu.memory_space<vmem>>, vector<16xi32>,
    } {sc.loop_unroll_factor = 8 : i64, sc.parallel_access}
    %dma_start3A_165 = arith.constant 0 : i32
    %dma_start3A_166 = arith.constant 0 : i32
    %dma_start3A_167 = tpu.memref_slice %arg8[%dma_start3A_165, %dma_start3A_166] : memref<8x512xi32, #tpu.memory_space<vmem>> -> memref<8x512xi32, #tpu.memory_space<vmem>>
    %dma_start3A_168 = arith.constant 40 : i32
    %dma_start3A_169 = tpu.memref_slice %arg2[%dma_start3A_168, %mul3A_2] : memref<108x16384xi32, #tpu.memory_space<hbm>> -> memref<8x512xi32, #tpu.memory_space<hbm>>
    %dma_start3A_170 = arith.constant 0 : i32
    %dma_start3A_171 = arith.constant 0 : i32
    %dma_start3A_172 = tpu.memref_slice %arg8[%dma_start3A_170, %dma_start3A_171] : memref<8x512xi32, #tpu.memory_space<vmem>> -> memref<8x512xi32, #tpu.memory_space<vmem>>
    %dma_start3A_173 = arith.constant 40 : i32
    %dma_start3A_174 = tpu.memref_slice %arg2[%dma_start3A_173, %mul3A_2] : memref<108x16384xi32, #tpu.memory_space<hbm>> -> memref<8x512xi32, #tpu.memory_space<hbm>>
    tpu.enqueue_dma source(%dma_start3A_174 : memref<8x512xi32, #tpu.memory_space<hbm>>) target(%dma_start3A_172 : memref<8x512xi32, #tpu.memory_space<vmem>>) target_semaphore(%arg13 : memref<!tpu.dma_semaphore, #tpu.memory_space<semaphore_mem>>)
    %dma_start3A_175 = arith.constant 0 : i32
    %dma_start3A_176 = arith.constant 0 : i32
    %dma_start3A_177 = tpu.memref_slice %arg10[%dma_start3A_175, %dma_start3A_176] : memref<8x512xi32, #tpu.memory_space<vmem>> -> memref<8x512xi32, #tpu.memory_space<vmem>>
    %dma_start3A_178 = arith.constant 24 : i32
    %dma_start3A_179 = tpu.memref_slice %arg4[%dma_start3A_178, %mul3A_2] : memref<109x16384xi32, #tpu.memory_space<hbm>> -> memref<8x512xi32, #tpu.memory_space<hbm>>
    %dma_start3A_180 = arith.constant 24 : i32
    %dma_start3A_181 = tpu.memref_slice %arg4[%dma_start3A_180, %mul3A_2] : memref<109x16384xi32, #tpu.memory_space<hbm>> -> memref<8x512xi32, #tpu.memory_space<hbm>>
    %dma_start3A_182 = arith.constant 0 : i32
    %dma_start3A_183 = arith.constant 0 : i32
    %dma_start3A_184 = tpu.memref_slice %arg10[%dma_start3A_182, %dma_start3A_183] : memref<8x512xi32, #tpu.memory_space<vmem>> -> memref<8x512xi32, #tpu.memory_space<vmem>>
    tpu.enqueue_dma source(%dma_start3A_184 : memref<8x512xi32, #tpu.memory_space<vmem>>) target(%dma_start3A_181 : memref<8x512xi32, #tpu.memory_space<hbm>>) target_semaphore(%arg15 : memref<!tpu.dma_semaphore, #tpu.memory_space<semaphore_mem>>)
    %dma_wait3A_185 = arith.constant 0 : i32
    %dma_wait3A_186 = arith.constant 0 : i32
    %dma_wait3A_187 = tpu.memref_slice %arg7[%dma_wait3A_185, %dma_wait3A_186] : memref<8x512xi32, #tpu.memory_space<vmem>> -> memref<8x512xi32, #tpu.memory_space<vmem>>
    %dma_wait3A_188 = arith.constant 32 : i32
    %dma_wait3A_189 = tpu.memref_slice %arg2[%dma_wait3A_188, %mul3A_2] : memref<108x16384xi32, #tpu.memory_space<hbm>> -> memref<8x512xi32, #tpu.memory_space<hbm>>
    %dma_wait3A_190 = arith.constant 0 : i32
    %dma_wait3A_191 = arith.constant 0 : i32
    %dma_wait3A_192 = tpu.memref_slice %arg7[%dma_wait3A_190, %dma_wait3A_191] : memref<8x512xi32, #tpu.memory_space<vmem>> -> memref<8x512xi32, #tpu.memory_space<vmem>>
    %dma_wait3A_193 = arith.constant 32 : i32
    %dma_wait3A_194 = tpu.memref_slice %arg2[%dma_wait3A_193, %mul3A_2] : memref<108x16384xi32, #tpu.memory_space<hbm>> -> memref<8x512xi32, #tpu.memory_space<hbm>>
    tpu.wait_dma2 semaphore(%arg12 : memref<!tpu.dma_semaphore, #tpu.memory_space<semaphore_mem>>) src(%dma_wait3A_194 : memref<8x512xi32, #tpu.memory_space<hbm>>) dst(%dma_wait3A_192 : memref<8x512xi32, #tpu.memory_space<vmem>>)
    %dma_wait3A_195 = arith.constant 0 : i32
    %dma_wait3A_196 = arith.constant 0 : i32
    %dma_wait3A_197 = tpu.memref_slice %arg9[%dma_wait3A_195, %dma_wait3A_196] : memref<8x512xi32, #tpu.memory_space<vmem>> -> memref<8x512xi32, #tpu.memory_space<vmem>>
    %dma_wait3A_198 = arith.constant 16 : i32
    %dma_wait3A_199 = tpu.memref_slice %arg4[%dma_wait3A_198, %mul3A_2] : memref<109x16384xi32, #tpu.memory_space<hbm>> -> memref<8x512xi32, #tpu.memory_space<hbm>>
    %dma_wait3A_200 = arith.constant 16 : i32
    %dma_wait3A_201 = tpu.memref_slice %arg4[%dma_wait3A_200, %mul3A_2] : memref<109x16384xi32, #tpu.memory_space<hbm>> -> memref<8x512xi32, #tpu.memory_space<hbm>>
    %dma_wait3A_202 = arith.constant 0 : i32
    %dma_wait3A_203 = arith.constant 0 : i32
    %dma_wait3A_204 = tpu.memref_slice %arg9[%dma_wait3A_202, %dma_wait3A_203] : memref<8x512xi32, #tpu.memory_space<vmem>> -> memref<8x512xi32, #tpu.memory_space<vmem>>
    tpu.wait_dma2 semaphore(%arg14 : memref<!tpu.dma_semaphore, #tpu.memory_space<semaphore_mem>>) src(%dma_wait3A_204 : memref<8x512xi32, #tpu.memory_space<vmem>>) dst(%dma_wait3A_201 : memref<8x512xi32, #tpu.memory_space<hbm>>)
    %parallel_loop3A_205 = arith.constant 0 : i32
    %parallel_loop3A_206 = arith.constant 32 : i32
    %parallel_loop3A_207 = arith.constant 1 : i32
    scf.for %parallel_loop3A_645 = %parallel_loop3A_205 to %parallel_loop3A_206 step %parallel_loop3A_207  : i32 {
      %parallel_loop3A_646 = arith.constant 16 : i32
      %parallel_loop3A_647 = arith.muli %parallel_loop3A_645, %parallel_loop3A_646 : i32
      %parallel_loop3A_648 = arith.constant 7 : i32
      %parallel_loop3A_649 = arith.index_cast %parallel_loop3A_648 : i32 to index
      %parallel_loop3A_650 = arith.index_cast %parallel_loop3A_647 : i32 to index
      %parallel_loop3A_651 = tpu.vector_load %arg6[%parallel_loop3A_649, %parallel_loop3A_650] {strides = array<i32>} : memref<8x512xi32, #tpu.memory_space<vmem>>, vector<16xi32>,
      %parallel_loop3A_652 = tpu.vector_load_idx %arg5[%parallel_loop3A_651] : memref<48xi32, #tpu.memory_space<vmem>>[vector<16xi32>], vector<16xi32>,
      %parallel_loop3A_653 = arith.constant 16 : i32
      %parallel_loop3A_654 = arith.muli %parallel_loop3A_645, %parallel_loop3A_653 : i32
      %parallel_loop3A_655 = arith.constant 0 : i32
      %parallel_loop3A_656 = arith.index_cast %parallel_loop3A_655 : i32 to index
      %parallel_loop3A_657 = arith.index_cast %parallel_loop3A_654 : i32 to index
      %parallel_loop3A_658 = tpu.vector_load %arg9[%parallel_loop3A_656, %parallel_loop3A_657] {strides = array<i32>} : memref<8x512xi32, #tpu.memory_space<vmem>>, vector<16xi32>,
      tpu.vector_store %arg9[%parallel_loop3A_656, %parallel_loop3A_657], %parallel_loop3A_652 {strides = array<i32>} : memref<8x512xi32, #tpu.memory_space<vmem>>, vector<16xi32>,
    } {sc.loop_unroll_factor = 8 : i64, sc.parallel_access}
    %parallel_loop3A_208 = arith.constant 0 : i32
    %parallel_loop3A_209 = arith.constant 224 : i32
    %parallel_loop3A_210 = arith.constant 1 : i32
    scf.for %parallel_loop3A_645 = %parallel_loop3A_208 to %parallel_loop3A_209 step %parallel_loop3A_210  : i32 {
      %parallel_loop3A_646 = arith.constant 5 : i32
      %parallel_loop3A_647 = arith.shrui %parallel_loop3A_645, %parallel_loop3A_646 : i32
      %parallel_loop3A_648 = arith.constant 31 : i32
      %parallel_loop3A_649 = arith.andi %parallel_loop3A_645, %parallel_loop3A_648 : i32
      %parallel_loop3A_650 = arith.constant 4 : i32
      %parallel_loop3A_651 = arith.shli %parallel_loop3A_649, %parallel_loop3A_650 : i32
      %parallel_loop3A_652 = arith.index_cast %parallel_loop3A_647 : i32 to index
      %parallel_loop3A_653 = arith.index_cast %parallel_loop3A_651 : i32 to index
      %parallel_loop3A_654 = tpu.vector_load %arg7[%parallel_loop3A_652, %parallel_loop3A_653] {strides = array<i32>} : memref<8x512xi32, #tpu.memory_space<vmem>>, vector<16xi32>,
      %parallel_loop3A_655 = tpu.vector_load_idx %arg5[%parallel_loop3A_654] : memref<48xi32, #tpu.memory_space<vmem>>[vector<16xi32>], vector<16xi32>,
      %parallel_loop3A_656 = arith.constant 1 : i32
      %parallel_loop3A_657 = arith.addi %parallel_loop3A_647, %parallel_loop3A_656 : i32
      %parallel_loop3A_658 = arith.index_cast %parallel_loop3A_657 : i32 to index
      %parallel_loop3A_659 = arith.index_cast %parallel_loop3A_651 : i32 to index
      %parallel_loop3A_660 = tpu.vector_load %arg9[%parallel_loop3A_658, %parallel_loop3A_659] {strides = array<i32>} : memref<8x512xi32, #tpu.memory_space<vmem>>, vector<16xi32>,
      tpu.vector_store %arg9[%parallel_loop3A_658, %parallel_loop3A_659], %parallel_loop3A_655 {strides = array<i32>} : memref<8x512xi32, #tpu.memory_space<vmem>>, vector<16xi32>,
    } {sc.loop_unroll_factor = 8 : i64, sc.parallel_access}
    %dma_start3A_211 = arith.constant 0 : i32
    %dma_start3A_212 = arith.constant 0 : i32
    %dma_start3A_213 = tpu.memref_slice %arg6[%dma_start3A_211, %dma_start3A_212] : memref<8x512xi32, #tpu.memory_space<vmem>> -> memref<8x512xi32, #tpu.memory_space<vmem>>
    %dma_start3A_214 = arith.constant 48 : i32
    %dma_start3A_215 = tpu.memref_slice %arg2[%dma_start3A_214, %mul3A_2] : memref<108x16384xi32, #tpu.memory_space<hbm>> -> memref<8x512xi32, #tpu.memory_space<hbm>>
    %dma_start3A_216 = arith.constant 0 : i32
    %dma_start3A_217 = arith.constant 0 : i32
    %dma_start3A_218 = tpu.memref_slice %arg6[%dma_start3A_216, %dma_start3A_217] : memref<8x512xi32, #tpu.memory_space<vmem>> -> memref<8x512xi32, #tpu.memory_space<vmem>>
    %dma_start3A_219 = arith.constant 48 : i32
    %dma_start3A_220 = tpu.memref_slice %arg2[%dma_start3A_219, %mul3A_2] : memref<108x16384xi32, #tpu.memory_space<hbm>> -> memref<8x512xi32, #tpu.memory_space<hbm>>
    tpu.enqueue_dma source(%dma_start3A_220 : memref<8x512xi32, #tpu.memory_space<hbm>>) target(%dma_start3A_218 : memref<8x512xi32, #tpu.memory_space<vmem>>) target_semaphore(%arg11 : memref<!tpu.dma_semaphore, #tpu.memory_space<semaphore_mem>>)
    %dma_start3A_221 = arith.constant 0 : i32
    %dma_start3A_222 = arith.constant 0 : i32
    %dma_start3A_223 = tpu.memref_slice %arg9[%dma_start3A_221, %dma_start3A_222] : memref<8x512xi32, #tpu.memory_space<vmem>> -> memref<8x512xi32, #tpu.memory_space<vmem>>
    %dma_start3A_224 = arith.constant 32 : i32
    %dma_start3A_225 = tpu.memref_slice %arg4[%dma_start3A_224, %mul3A_2] : memref<109x16384xi32, #tpu.memory_space<hbm>> -> memref<8x512xi32, #tpu.memory_space<hbm>>
    %dma_start3A_226 = arith.constant 32 : i32
    %dma_start3A_227 = tpu.memref_slice %arg4[%dma_start3A_226, %mul3A_2] : memref<109x16384xi32, #tpu.memory_space<hbm>> -> memref<8x512xi32, #tpu.memory_space<hbm>>
    %dma_start3A_228 = arith.constant 0 : i32
    %dma_start3A_229 = arith.constant 0 : i32
    %dma_start3A_230 = tpu.memref_slice %arg9[%dma_start3A_228, %dma_start3A_229] : memref<8x512xi32, #tpu.memory_space<vmem>> -> memref<8x512xi32, #tpu.memory_space<vmem>>
    tpu.enqueue_dma source(%dma_start3A_230 : memref<8x512xi32, #tpu.memory_space<vmem>>) target(%dma_start3A_227 : memref<8x512xi32, #tpu.memory_space<hbm>>) target_semaphore(%arg14 : memref<!tpu.dma_semaphore, #tpu.memory_space<semaphore_mem>>)
    %dma_wait3A_231 = arith.constant 0 : i32
    %dma_wait3A_232 = arith.constant 0 : i32
    %dma_wait3A_233 = tpu.memref_slice %arg8[%dma_wait3A_231, %dma_wait3A_232] : memref<8x512xi32, #tpu.memory_space<vmem>> -> memref<8x512xi32, #tpu.memory_space<vmem>>
    %dma_wait3A_234 = arith.constant 40 : i32
    %dma_wait3A_235 = tpu.memref_slice %arg2[%dma_wait3A_234, %mul3A_2] : memref<108x16384xi32, #tpu.memory_space<hbm>> -> memref<8x512xi32, #tpu.memory_space<hbm>>
    %dma_wait3A_236 = arith.constant 0 : i32
    %dma_wait3A_237 = arith.constant 0 : i32
    %dma_wait3A_238 = tpu.memref_slice %arg8[%dma_wait3A_236, %dma_wait3A_237] : memref<8x512xi32, #tpu.memory_space<vmem>> -> memref<8x512xi32, #tpu.memory_space<vmem>>
    %dma_wait3A_239 = arith.constant 40 : i32
    %dma_wait3A_240 = tpu.memref_slice %arg2[%dma_wait3A_239, %mul3A_2] : memref<108x16384xi32, #tpu.memory_space<hbm>> -> memref<8x512xi32, #tpu.memory_space<hbm>>
    tpu.wait_dma2 semaphore(%arg13 : memref<!tpu.dma_semaphore, #tpu.memory_space<semaphore_mem>>) src(%dma_wait3A_240 : memref<8x512xi32, #tpu.memory_space<hbm>>) dst(%dma_wait3A_238 : memref<8x512xi32, #tpu.memory_space<vmem>>)
    %dma_wait3A_241 = arith.constant 0 : i32
    %dma_wait3A_242 = arith.constant 0 : i32
    %dma_wait3A_243 = tpu.memref_slice %arg10[%dma_wait3A_241, %dma_wait3A_242] : memref<8x512xi32, #tpu.memory_space<vmem>> -> memref<8x512xi32, #tpu.memory_space<vmem>>
    %dma_wait3A_244 = arith.constant 24 : i32
    %dma_wait3A_245 = tpu.memref_slice %arg4[%dma_wait3A_244, %mul3A_2] : memref<109x16384xi32, #tpu.memory_space<hbm>> -> memref<8x512xi32, #tpu.memory_space<hbm>>
    %dma_wait3A_246 = arith.constant 24 : i32
    %dma_wait3A_247 = tpu.memref_slice %arg4[%dma_wait3A_246, %mul3A_2] : memref<109x16384xi32, #tpu.memory_space<hbm>> -> memref<8x512xi32, #tpu.memory_space<hbm>>
    %dma_wait3A_248 = arith.constant 0 : i32
    %dma_wait3A_249 = arith.constant 0 : i32
    %dma_wait3A_250 = tpu.memref_slice %arg10[%dma_wait3A_248, %dma_wait3A_249] : memref<8x512xi32, #tpu.memory_space<vmem>> -> memref<8x512xi32, #tpu.memory_space<vmem>>
    tpu.wait_dma2 semaphore(%arg15 : memref<!tpu.dma_semaphore, #tpu.memory_space<semaphore_mem>>) src(%dma_wait3A_250 : memref<8x512xi32, #tpu.memory_space<vmem>>) dst(%dma_wait3A_247 : memref<8x512xi32, #tpu.memory_space<hbm>>)
    %parallel_loop3A_251 = arith.constant 0 : i32
    %parallel_loop3A_252 = arith.constant 32 : i32
    %parallel_loop3A_253 = arith.constant 1 : i32
    scf.for %parallel_loop3A_645 = %parallel_loop3A_251 to %parallel_loop3A_252 step %parallel_loop3A_253  : i32 {
      %parallel_loop3A_646 = arith.constant 16 : i32
      %parallel_loop3A_647 = arith.muli %parallel_loop3A_645, %parallel_loop3A_646 : i32
      %parallel_loop3A_648 = arith.constant 7 : i32
      %parallel_loop3A_649 = arith.index_cast %parallel_loop3A_648 : i32 to index
      %parallel_loop3A_650 = arith.index_cast %parallel_loop3A_647 : i32 to index
      %parallel_loop3A_651 = tpu.vector_load %arg7[%parallel_loop3A_649, %parallel_loop3A_650] {strides = array<i32>} : memref<8x512xi32, #tpu.memory_space<vmem>>, vector<16xi32>,
      %parallel_loop3A_652 = tpu.vector_load_idx %arg5[%parallel_loop3A_651] : memref<48xi32, #tpu.memory_space<vmem>>[vector<16xi32>], vector<16xi32>,
      %parallel_loop3A_653 = arith.constant 16 : i32
      %parallel_loop3A_654 = arith.muli %parallel_loop3A_645, %parallel_loop3A_653 : i32
      %parallel_loop3A_655 = arith.constant 0 : i32
      %parallel_loop3A_656 = arith.index_cast %parallel_loop3A_655 : i32 to index
      %parallel_loop3A_657 = arith.index_cast %parallel_loop3A_654 : i32 to index
      %parallel_loop3A_658 = tpu.vector_load %arg10[%parallel_loop3A_656, %parallel_loop3A_657] {strides = array<i32>} : memref<8x512xi32, #tpu.memory_space<vmem>>, vector<16xi32>,
      tpu.vector_store %arg10[%parallel_loop3A_656, %parallel_loop3A_657], %parallel_loop3A_652 {strides = array<i32>} : memref<8x512xi32, #tpu.memory_space<vmem>>, vector<16xi32>,
    } {sc.loop_unroll_factor = 8 : i64, sc.parallel_access}
    %parallel_loop3A_254 = arith.constant 0 : i32
    %parallel_loop3A_255 = arith.constant 224 : i32
    %parallel_loop3A_256 = arith.constant 1 : i32
    scf.for %parallel_loop3A_645 = %parallel_loop3A_254 to %parallel_loop3A_255 step %parallel_loop3A_256  : i32 {
      %parallel_loop3A_646 = arith.constant 5 : i32
      %parallel_loop3A_647 = arith.shrui %parallel_loop3A_645, %parallel_loop3A_646 : i32
      %parallel_loop3A_648 = arith.constant 31 : i32
      %parallel_loop3A_649 = arith.andi %parallel_loop3A_645, %parallel_loop3A_648 : i32
      %parallel_loop3A_650 = arith.constant 4 : i32
      %parallel_loop3A_651 = arith.shli %parallel_loop3A_649, %parallel_loop3A_650 : i32
      %parallel_loop3A_652 = arith.index_cast %parallel_loop3A_647 : i32 to index
      %parallel_loop3A_653 = arith.index_cast %parallel_loop3A_651 : i32 to index
      %parallel_loop3A_654 = tpu.vector_load %arg8[%parallel_loop3A_652, %parallel_loop3A_653] {strides = array<i32>} : memref<8x512xi32, #tpu.memory_space<vmem>>, vector<16xi32>,
      %parallel_loop3A_655 = tpu.vector_load_idx %arg5[%parallel_loop3A_654] : memref<48xi32, #tpu.memory_space<vmem>>[vector<16xi32>], vector<16xi32>,
      %parallel_loop3A_656 = arith.constant 1 : i32
      %parallel_loop3A_657 = arith.addi %parallel_loop3A_647, %parallel_loop3A_656 : i32
      %parallel_loop3A_658 = arith.index_cast %parallel_loop3A_657 : i32 to index
      %parallel_loop3A_659 = arith.index_cast %parallel_loop3A_651 : i32 to index
      %parallel_loop3A_660 = tpu.vector_load %arg10[%parallel_loop3A_658, %parallel_loop3A_659] {strides = array<i32>} : memref<8x512xi32, #tpu.memory_space<vmem>>, vector<16xi32>,
      tpu.vector_store %arg10[%parallel_loop3A_658, %parallel_loop3A_659], %parallel_loop3A_655 {strides = array<i32>} : memref<8x512xi32, #tpu.memory_space<vmem>>, vector<16xi32>,
    } {sc.loop_unroll_factor = 8 : i64, sc.parallel_access}
    %dma_start3A_257 = arith.constant 0 : i32
    %dma_start3A_258 = arith.constant 0 : i32
    %dma_start3A_259 = tpu.memref_slice %arg7[%dma_start3A_257, %dma_start3A_258] : memref<8x512xi32, #tpu.memory_space<vmem>> -> memref<8x512xi32, #tpu.memory_space<vmem>>
    %dma_start3A_260 = arith.constant 56 : i32
    %dma_start3A_261 = tpu.memref_slice %arg2[%dma_start3A_260, %mul3A_2] : memref<108x16384xi32, #tpu.memory_space<hbm>> -> memref<8x512xi32, #tpu.memory_space<hbm>>
    %dma_start3A_262 = arith.constant 0 : i32
    %dma_start3A_263 = arith.constant 0 : i32
    %dma_start3A_264 = tpu.memref_slice %arg7[%dma_start3A_262, %dma_start3A_263] : memref<8x512xi32, #tpu.memory_space<vmem>> -> memref<8x512xi32, #tpu.memory_space<vmem>>
    %dma_start3A_265 = arith.constant 56 : i32
    %dma_start3A_266 = tpu.memref_slice %arg2[%dma_start3A_265, %mul3A_2] : memref<108x16384xi32, #tpu.memory_space<hbm>> -> memref<8x512xi32, #tpu.memory_space<hbm>>
    tpu.enqueue_dma source(%dma_start3A_266 : memref<8x512xi32, #tpu.memory_space<hbm>>) target(%dma_start3A_264 : memref<8x512xi32, #tpu.memory_space<vmem>>) target_semaphore(%arg12 : memref<!tpu.dma_semaphore, #tpu.memory_space<semaphore_mem>>)
    %dma_start3A_267 = arith.constant 0 : i32
    %dma_start3A_268 = arith.constant 0 : i32
    %dma_start3A_269 = tpu.memref_slice %arg10[%dma_start3A_267, %dma_start3A_268] : memref<8x512xi32, #tpu.memory_space<vmem>> -> memref<8x512xi32, #tpu.memory_space<vmem>>
    %dma_start3A_270 = arith.constant 40 : i32
    %dma_start3A_271 = tpu.memref_slice %arg4[%dma_start3A_270, %mul3A_2] : memref<109x16384xi32, #tpu.memory_space<hbm>> -> memref<8x512xi32, #tpu.memory_space<hbm>>
    %dma_start3A_272 = arith.constant 40 : i32
    %dma_start3A_273 = tpu.memref_slice %arg4[%dma_start3A_272, %mul3A_2] : memref<109x16384xi32, #tpu.memory_space<hbm>> -> memref<8x512xi32, #tpu.memory_space<hbm>>
    %dma_start3A_274 = arith.constant 0 : i32
    %dma_start3A_275 = arith.constant 0 : i32
    %dma_start3A_276 = tpu.memref_slice %arg10[%dma_start3A_274, %dma_start3A_275] : memref<8x512xi32, #tpu.memory_space<vmem>> -> memref<8x512xi32, #tpu.memory_space<vmem>>
    tpu.enqueue_dma source(%dma_start3A_276 : memref<8x512xi32, #tpu.memory_space<vmem>>) target(%dma_start3A_273 : memref<8x512xi32, #tpu.memory_space<hbm>>) target_semaphore(%arg15 : memref<!tpu.dma_semaphore, #tpu.memory_space<semaphore_mem>>)
    %dma_wait3A_277 = arith.constant 0 : i32
    %dma_wait3A_278 = arith.constant 0 : i32
    %dma_wait3A_279 = tpu.memref_slice %arg6[%dma_wait3A_277, %dma_wait3A_278] : memref<8x512xi32, #tpu.memory_space<vmem>> -> memref<8x512xi32, #tpu.memory_space<vmem>>
    %dma_wait3A_280 = arith.constant 48 : i32
    %dma_wait3A_281 = tpu.memref_slice %arg2[%dma_wait3A_280, %mul3A_2] : memref<108x16384xi32, #tpu.memory_space<hbm>> -> memref<8x512xi32, #tpu.memory_space<hbm>>
    %dma_wait3A_282 = arith.constant 0 : i32
    %dma_wait3A_283 = arith.constant 0 : i32
    %dma_wait3A_284 = tpu.memref_slice %arg6[%dma_wait3A_282, %dma_wait3A_283] : memref<8x512xi32, #tpu.memory_space<vmem>> -> memref<8x512xi32, #tpu.memory_space<vmem>>
    %dma_wait3A_285 = arith.constant 48 : i32
    %dma_wait3A_286 = tpu.memref_slice %arg2[%dma_wait3A_285, %mul3A_2] : memref<108x16384xi32, #tpu.memory_space<hbm>> -> memref<8x512xi32, #tpu.memory_space<hbm>>
    tpu.wait_dma2 semaphore(%arg11 : memref<!tpu.dma_semaphore, #tpu.memory_space<semaphore_mem>>) src(%dma_wait3A_286 : memref<8x512xi32, #tpu.memory_space<hbm>>) dst(%dma_wait3A_284 : memref<8x512xi32, #tpu.memory_space<vmem>>)
    %dma_wait3A_287 = arith.constant 0 : i32
    %dma_wait3A_288 = arith.constant 0 : i32
    %dma_wait3A_289 = tpu.memref_slice %arg9[%dma_wait3A_287, %dma_wait3A_288] : memref<8x512xi32, #tpu.memory_space<vmem>> -> memref<8x512xi32, #tpu.memory_space<vmem>>
    %dma_wait3A_290 = arith.constant 32 : i32
    %dma_wait3A_291 = tpu.memref_slice %arg4[%dma_wait3A_290, %mul3A_2] : memref<109x16384xi32, #tpu.memory_space<hbm>> -> memref<8x512xi32, #tpu.memory_space<hbm>>
    %dma_wait3A_292 = arith.constant 32 : i32
    %dma_wait3A_293 = tpu.memref_slice %arg4[%dma_wait3A_292, %mul3A_2] : memref<109x16384xi32, #tpu.memory_space<hbm>> -> memref<8x512xi32, #tpu.memory_space<hbm>>
    %dma_wait3A_294 = arith.constant 0 : i32
    %dma_wait3A_295 = arith.constant 0 : i32
    %dma_wait3A_296 = tpu.memref_slice %arg9[%dma_wait3A_294, %dma_wait3A_295] : memref<8x512xi32, #tpu.memory_space<vmem>> -> memref<8x512xi32, #tpu.memory_space<vmem>>
    tpu.wait_dma2 semaphore(%arg14 : memref<!tpu.dma_semaphore, #tpu.memory_space<semaphore_mem>>) src(%dma_wait3A_296 : memref<8x512xi32, #tpu.memory_space<vmem>>) dst(%dma_wait3A_293 : memref<8x512xi32, #tpu.memory_space<hbm>>)
    %parallel_loop3A_297 = arith.constant 0 : i32
    %parallel_loop3A_298 = arith.constant 32 : i32
    %parallel_loop3A_299 = arith.constant 1 : i32
    scf.for %parallel_loop3A_645 = %parallel_loop3A_297 to %parallel_loop3A_298 step %parallel_loop3A_299  : i32 {
      %parallel_loop3A_646 = arith.constant 16 : i32
      %parallel_loop3A_647 = arith.muli %parallel_loop3A_645, %parallel_loop3A_646 : i32
      %parallel_loop3A_648 = arith.constant 7 : i32
      %parallel_loop3A_649 = arith.index_cast %parallel_loop3A_648 : i32 to index
      %parallel_loop3A_650 = arith.index_cast %parallel_loop3A_647 : i32 to index
      %parallel_loop3A_651 = tpu.vector_load %arg8[%parallel_loop3A_649, %parallel_loop3A_650] {strides = array<i32>} : memref<8x512xi32, #tpu.memory_space<vmem>>, vector<16xi32>,
      %parallel_loop3A_652 = tpu.vector_load_idx %arg5[%parallel_loop3A_651] : memref<48xi32, #tpu.memory_space<vmem>>[vector<16xi32>], vector<16xi32>,
      %parallel_loop3A_653 = arith.constant 16 : i32
      %parallel_loop3A_654 = arith.muli %parallel_loop3A_645, %parallel_loop3A_653 : i32
      %parallel_loop3A_655 = arith.constant 0 : i32
      %parallel_loop3A_656 = arith.index_cast %parallel_loop3A_655 : i32 to index
      %parallel_loop3A_657 = arith.index_cast %parallel_loop3A_654 : i32 to index
      %parallel_loop3A_658 = tpu.vector_load %arg9[%parallel_loop3A_656, %parallel_loop3A_657] {strides = array<i32>} : memref<8x512xi32, #tpu.memory_space<vmem>>, vector<16xi32>,
      tpu.vector_store %arg9[%parallel_loop3A_656, %parallel_loop3A_657], %parallel_loop3A_652 {strides = array<i32>} : memref<8x512xi32, #tpu.memory_space<vmem>>, vector<16xi32>,
    } {sc.loop_unroll_factor = 8 : i64, sc.parallel_access}
    %parallel_loop3A_300 = arith.constant 0 : i32
    %parallel_loop3A_301 = arith.constant 224 : i32
    %parallel_loop3A_302 = arith.constant 1 : i32
    scf.for %parallel_loop3A_645 = %parallel_loop3A_300 to %parallel_loop3A_301 step %parallel_loop3A_302  : i32 {
      %parallel_loop3A_646 = arith.constant 5 : i32
      %parallel_loop3A_647 = arith.shrui %parallel_loop3A_645, %parallel_loop3A_646 : i32
      %parallel_loop3A_648 = arith.constant 31 : i32
      %parallel_loop3A_649 = arith.andi %parallel_loop3A_645, %parallel_loop3A_648 : i32
      %parallel_loop3A_650 = arith.constant 4 : i32
      %parallel_loop3A_651 = arith.shli %parallel_loop3A_649, %parallel_loop3A_650 : i32
      %parallel_loop3A_652 = arith.index_cast %parallel_loop3A_647 : i32 to index
      %parallel_loop3A_653 = arith.index_cast %parallel_loop3A_651 : i32 to index
      %parallel_loop3A_654 = tpu.vector_load %arg6[%parallel_loop3A_652, %parallel_loop3A_653] {strides = array<i32>} : memref<8x512xi32, #tpu.memory_space<vmem>>, vector<16xi32>,
      %parallel_loop3A_655 = tpu.vector_load_idx %arg5[%parallel_loop3A_654] : memref<48xi32, #tpu.memory_space<vmem>>[vector<16xi32>], vector<16xi32>,
      %parallel_loop3A_656 = arith.constant 1 : i32
      %parallel_loop3A_657 = arith.addi %parallel_loop3A_647, %parallel_loop3A_656 : i32
      %parallel_loop3A_658 = arith.index_cast %parallel_loop3A_657 : i32 to index
      %parallel_loop3A_659 = arith.index_cast %parallel_loop3A_651 : i32 to index
      %parallel_loop3A_660 = tpu.vector_load %arg9[%parallel_loop3A_658, %parallel_loop3A_659] {strides = array<i32>} : memref<8x512xi32, #tpu.memory_space<vmem>>, vector<16xi32>,
      tpu.vector_store %arg9[%parallel_loop3A_658, %parallel_loop3A_659], %parallel_loop3A_655 {strides = array<i32>} : memref<8x512xi32, #tpu.memory_space<vmem>>, vector<16xi32>,
    } {sc.loop_unroll_factor = 8 : i64, sc.parallel_access}
    %dma_start3A_303 = arith.constant 0 : i32
    %dma_start3A_304 = arith.constant 0 : i32
    %dma_start3A_305 = tpu.memref_slice %arg8[%dma_start3A_303, %dma_start3A_304] : memref<8x512xi32, #tpu.memory_space<vmem>> -> memref<8x512xi32, #tpu.memory_space<vmem>>
    %dma_start3A_306 = arith.constant 64 : i32
    %dma_start3A_307 = tpu.memref_slice %arg2[%dma_start3A_306, %mul3A_2] : memref<108x16384xi32, #tpu.memory_space<hbm>> -> memref<8x512xi32, #tpu.memory_space<hbm>>
    %dma_start3A_308 = arith.constant 0 : i32
    %dma_start3A_309 = arith.constant 0 : i32
    %dma_start3A_310 = tpu.memref_slice %arg8[%dma_start3A_308, %dma_start3A_309] : memref<8x512xi32, #tpu.memory_space<vmem>> -> memref<8x512xi32, #tpu.memory_space<vmem>>
    %dma_start3A_311 = arith.constant 64 : i32
    %dma_start3A_312 = tpu.memref_slice %arg2[%dma_start3A_311, %mul3A_2] : memref<108x16384xi32, #tpu.memory_space<hbm>> -> memref<8x512xi32, #tpu.memory_space<hbm>>
    tpu.enqueue_dma source(%dma_start3A_312 : memref<8x512xi32, #tpu.memory_space<hbm>>) target(%dma_start3A_310 : memref<8x512xi32, #tpu.memory_space<vmem>>) target_semaphore(%arg13 : memref<!tpu.dma_semaphore, #tpu.memory_space<semaphore_mem>>)
    %dma_start3A_313 = arith.constant 0 : i32
    %dma_start3A_314 = arith.constant 0 : i32
    %dma_start3A_315 = tpu.memref_slice %arg9[%dma_start3A_313, %dma_start3A_314] : memref<8x512xi32, #tpu.memory_space<vmem>> -> memref<8x512xi32, #tpu.memory_space<vmem>>
    %dma_start3A_316 = arith.constant 48 : i32
    %dma_start3A_317 = tpu.memref_slice %arg4[%dma_start3A_316, %mul3A_2] : memref<109x16384xi32, #tpu.memory_space<hbm>> -> memref<8x512xi32, #tpu.memory_space<hbm>>
    %dma_start3A_318 = arith.constant 48 : i32
    %dma_start3A_319 = tpu.memref_slice %arg4[%dma_start3A_318, %mul3A_2] : memref<109x16384xi32, #tpu.memory_space<hbm>> -> memref<8x512xi32, #tpu.memory_space<hbm>>
    %dma_start3A_320 = arith.constant 0 : i32
    %dma_start3A_321 = arith.constant 0 : i32
    %dma_start3A_322 = tpu.memref_slice %arg9[%dma_start3A_320, %dma_start3A_321] : memref<8x512xi32, #tpu.memory_space<vmem>> -> memref<8x512xi32, #tpu.memory_space<vmem>>
    tpu.enqueue_dma source(%dma_start3A_322 : memref<8x512xi32, #tpu.memory_space<vmem>>) target(%dma_start3A_319 : memref<8x512xi32, #tpu.memory_space<hbm>>) target_semaphore(%arg14 : memref<!tpu.dma_semaphore, #tpu.memory_space<semaphore_mem>>)
    %dma_wait3A_323 = arith.constant 0 : i32
    %dma_wait3A_324 = arith.constant 0 : i32
    %dma_wait3A_325 = tpu.memref_slice %arg7[%dma_wait3A_323, %dma_wait3A_324] : memref<8x512xi32, #tpu.memory_space<vmem>> -> memref<8x512xi32, #tpu.memory_space<vmem>>
    %dma_wait3A_326 = arith.constant 56 : i32
    %dma_wait3A_327 = tpu.memref_slice %arg2[%dma_wait3A_326, %mul3A_2] : memref<108x16384xi32, #tpu.memory_space<hbm>> -> memref<8x512xi32, #tpu.memory_space<hbm>>
    %dma_wait3A_328 = arith.constant 0 : i32
    %dma_wait3A_329 = arith.constant 0 : i32
    %dma_wait3A_330 = tpu.memref_slice %arg7[%dma_wait3A_328, %dma_wait3A_329] : memref<8x512xi32, #tpu.memory_space<vmem>> -> memref<8x512xi32, #tpu.memory_space<vmem>>
    %dma_wait3A_331 = arith.constant 56 : i32
    %dma_wait3A_332 = tpu.memref_slice %arg2[%dma_wait3A_331, %mul3A_2] : memref<108x16384xi32, #tpu.memory_space<hbm>> -> memref<8x512xi32, #tpu.memory_space<hbm>>
    tpu.wait_dma2 semaphore(%arg12 : memref<!tpu.dma_semaphore, #tpu.memory_space<semaphore_mem>>) src(%dma_wait3A_332 : memref<8x512xi32, #tpu.memory_space<hbm>>) dst(%dma_wait3A_330 : memref<8x512xi32, #tpu.memory_space<vmem>>)
    %dma_wait3A_333 = arith.constant 0 : i32
    %dma_wait3A_334 = arith.constant 0 : i32
    %dma_wait3A_335 = tpu.memref_slice %arg10[%dma_wait3A_333, %dma_wait3A_334] : memref<8x512xi32, #tpu.memory_space<vmem>> -> memref<8x512xi32, #tpu.memory_space<vmem>>
    %dma_wait3A_336 = arith.constant 40 : i32
    %dma_wait3A_337 = tpu.memref_slice %arg4[%dma_wait3A_336, %mul3A_2] : memref<109x16384xi32, #tpu.memory_space<hbm>> -> memref<8x512xi32, #tpu.memory_space<hbm>>
    %dma_wait3A_338 = arith.constant 40 : i32
    %dma_wait3A_339 = tpu.memref_slice %arg4[%dma_wait3A_338, %mul3A_2] : memref<109x16384xi32, #tpu.memory_space<hbm>> -> memref<8x512xi32, #tpu.memory_space<hbm>>
    %dma_wait3A_340 = arith.constant 0 : i32
    %dma_wait3A_341 = arith.constant 0 : i32
    %dma_wait3A_342 = tpu.memref_slice %arg10[%dma_wait3A_340, %dma_wait3A_341] : memref<8x512xi32, #tpu.memory_space<vmem>> -> memref<8x512xi32, #tpu.memory_space<vmem>>
    tpu.wait_dma2 semaphore(%arg15 : memref<!tpu.dma_semaphore, #tpu.memory_space<semaphore_mem>>) src(%dma_wait3A_342 : memref<8x512xi32, #tpu.memory_space<vmem>>) dst(%dma_wait3A_339 : memref<8x512xi32, #tpu.memory_space<hbm>>)
    %parallel_loop3A_343 = arith.constant 0 : i32
    %parallel_loop3A_344 = arith.constant 32 : i32
    %parallel_loop3A_345 = arith.constant 1 : i32
    scf.for %parallel_loop3A_645 = %parallel_loop3A_343 to %parallel_loop3A_344 step %parallel_loop3A_345  : i32 {
      %parallel_loop3A_646 = arith.constant 16 : i32
      %parallel_loop3A_647 = arith.muli %parallel_loop3A_645, %parallel_loop3A_646 : i32
      %parallel_loop3A_648 = arith.constant 7 : i32
      %parallel_loop3A_649 = arith.index_cast %parallel_loop3A_648 : i32 to index
      %parallel_loop3A_650 = arith.index_cast %parallel_loop3A_647 : i32 to index
      %parallel_loop3A_651 = tpu.vector_load %arg6[%parallel_loop3A_649, %parallel_loop3A_650] {strides = array<i32>} : memref<8x512xi32, #tpu.memory_space<vmem>>, vector<16xi32>,
      %parallel_loop3A_652 = tpu.vector_load_idx %arg5[%parallel_loop3A_651] : memref<48xi32, #tpu.memory_space<vmem>>[vector<16xi32>], vector<16xi32>,
      %parallel_loop3A_653 = arith.constant 16 : i32
      %parallel_loop3A_654 = arith.muli %parallel_loop3A_645, %parallel_loop3A_653 : i32
      %parallel_loop3A_655 = arith.constant 0 : i32
      %parallel_loop3A_656 = arith.index_cast %parallel_loop3A_655 : i32 to index
      %parallel_loop3A_657 = arith.index_cast %parallel_loop3A_654 : i32 to index
      %parallel_loop3A_658 = tpu.vector_load %arg10[%parallel_loop3A_656, %parallel_loop3A_657] {strides = array<i32>} : memref<8x512xi32, #tpu.memory_space<vmem>>, vector<16xi32>,
      tpu.vector_store %arg10[%parallel_loop3A_656, %parallel_loop3A_657], %parallel_loop3A_652 {strides = array<i32>} : memref<8x512xi32, #tpu.memory_space<vmem>>, vector<16xi32>,
    } {sc.loop_unroll_factor = 8 : i64, sc.parallel_access}
    %parallel_loop3A_346 = arith.constant 0 : i32
    %parallel_loop3A_347 = arith.constant 224 : i32
    %parallel_loop3A_348 = arith.constant 1 : i32
    scf.for %parallel_loop3A_645 = %parallel_loop3A_346 to %parallel_loop3A_347 step %parallel_loop3A_348  : i32 {
      %parallel_loop3A_646 = arith.constant 5 : i32
      %parallel_loop3A_647 = arith.shrui %parallel_loop3A_645, %parallel_loop3A_646 : i32
      %parallel_loop3A_648 = arith.constant 31 : i32
      %parallel_loop3A_649 = arith.andi %parallel_loop3A_645, %parallel_loop3A_648 : i32
      %parallel_loop3A_650 = arith.constant 4 : i32
      %parallel_loop3A_651 = arith.shli %parallel_loop3A_649, %parallel_loop3A_650 : i32
      %parallel_loop3A_652 = arith.index_cast %parallel_loop3A_647 : i32 to index
      %parallel_loop3A_653 = arith.index_cast %parallel_loop3A_651 : i32 to index
      %parallel_loop3A_654 = tpu.vector_load %arg7[%parallel_loop3A_652, %parallel_loop3A_653] {strides = array<i32>} : memref<8x512xi32, #tpu.memory_space<vmem>>, vector<16xi32>,
      %parallel_loop3A_655 = tpu.vector_load_idx %arg5[%parallel_loop3A_654] : memref<48xi32, #tpu.memory_space<vmem>>[vector<16xi32>], vector<16xi32>,
      %parallel_loop3A_656 = arith.constant 1 : i32
      %parallel_loop3A_657 = arith.addi %parallel_loop3A_647, %parallel_loop3A_656 : i32
      %parallel_loop3A_658 = arith.index_cast %parallel_loop3A_657 : i32 to index
      %parallel_loop3A_659 = arith.index_cast %parallel_loop3A_651 : i32 to index
      %parallel_loop3A_660 = tpu.vector_load %arg10[%parallel_loop3A_658, %parallel_loop3A_659] {strides = array<i32>} : memref<8x512xi32, #tpu.memory_space<vmem>>, vector<16xi32>,
      tpu.vector_store %arg10[%parallel_loop3A_658, %parallel_loop3A_659], %parallel_loop3A_655 {strides = array<i32>} : memref<8x512xi32, #tpu.memory_space<vmem>>, vector<16xi32>,
    } {sc.loop_unroll_factor = 8 : i64, sc.parallel_access}
    %dma_start3A_349 = arith.constant 0 : i32
    %dma_start3A_350 = arith.constant 0 : i32
    %dma_start3A_351 = tpu.memref_slice %arg6[%dma_start3A_349, %dma_start3A_350] : memref<8x512xi32, #tpu.memory_space<vmem>> -> memref<8x512xi32, #tpu.memory_space<vmem>>
    %dma_start3A_352 = arith.constant 72 : i32
    %dma_start3A_353 = tpu.memref_slice %arg2[%dma_start3A_352, %mul3A_2] : memref<108x16384xi32, #tpu.memory_space<hbm>> -> memref<8x512xi32, #tpu.memory_space<hbm>>
    %dma_start3A_354 = arith.constant 0 : i32
    %dma_start3A_355 = arith.constant 0 : i32
    %dma_start3A_356 = tpu.memref_slice %arg6[%dma_start3A_354, %dma_start3A_355] : memref<8x512xi32, #tpu.memory_space<vmem>> -> memref<8x512xi32, #tpu.memory_space<vmem>>
    %dma_start3A_357 = arith.constant 72 : i32
    %dma_start3A_358 = tpu.memref_slice %arg2[%dma_start3A_357, %mul3A_2] : memref<108x16384xi32, #tpu.memory_space<hbm>> -> memref<8x512xi32, #tpu.memory_space<hbm>>
    tpu.enqueue_dma source(%dma_start3A_358 : memref<8x512xi32, #tpu.memory_space<hbm>>) target(%dma_start3A_356 : memref<8x512xi32, #tpu.memory_space<vmem>>) target_semaphore(%arg11 : memref<!tpu.dma_semaphore, #tpu.memory_space<semaphore_mem>>)
    %dma_start3A_359 = arith.constant 0 : i32
    %dma_start3A_360 = arith.constant 0 : i32
    %dma_start3A_361 = tpu.memref_slice %arg10[%dma_start3A_359, %dma_start3A_360] : memref<8x512xi32, #tpu.memory_space<vmem>> -> memref<8x512xi32, #tpu.memory_space<vmem>>
    %dma_start3A_362 = arith.constant 56 : i32
    %dma_start3A_363 = tpu.memref_slice %arg4[%dma_start3A_362, %mul3A_2] : memref<109x16384xi32, #tpu.memory_space<hbm>> -> memref<8x512xi32, #tpu.memory_space<hbm>>
    %dma_start3A_364 = arith.constant 56 : i32
    %dma_start3A_365 = tpu.memref_slice %arg4[%dma_start3A_364, %mul3A_2] : memref<109x16384xi32, #tpu.memory_space<hbm>> -> memref<8x512xi32, #tpu.memory_space<hbm>>
    %dma_start3A_366 = arith.constant 0 : i32
    %dma_start3A_367 = arith.constant 0 : i32
    %dma_start3A_368 = tpu.memref_slice %arg10[%dma_start3A_366, %dma_start3A_367] : memref<8x512xi32, #tpu.memory_space<vmem>> -> memref<8x512xi32, #tpu.memory_space<vmem>>
    tpu.enqueue_dma source(%dma_start3A_368 : memref<8x512xi32, #tpu.memory_space<vmem>>) target(%dma_start3A_365 : memref<8x512xi32, #tpu.memory_space<hbm>>) target_semaphore(%arg15 : memref<!tpu.dma_semaphore, #tpu.memory_space<semaphore_mem>>)
    %dma_wait3A_369 = arith.constant 0 : i32
    %dma_wait3A_370 = arith.constant 0 : i32
    %dma_wait3A_371 = tpu.memref_slice %arg8[%dma_wait3A_369, %dma_wait3A_370] : memref<8x512xi32, #tpu.memory_space<vmem>> -> memref<8x512xi32, #tpu.memory_space<vmem>>
    %dma_wait3A_372 = arith.constant 64 : i32
    %dma_wait3A_373 = tpu.memref_slice %arg2[%dma_wait3A_372, %mul3A_2] : memref<108x16384xi32, #tpu.memory_space<hbm>> -> memref<8x512xi32, #tpu.memory_space<hbm>>
    %dma_wait3A_374 = arith.constant 0 : i32
    %dma_wait3A_375 = arith.constant 0 : i32
    %dma_wait3A_376 = tpu.memref_slice %arg8[%dma_wait3A_374, %dma_wait3A_375] : memref<8x512xi32, #tpu.memory_space<vmem>> -> memref<8x512xi32, #tpu.memory_space<vmem>>
    %dma_wait3A_377 = arith.constant 64 : i32
    %dma_wait3A_378 = tpu.memref_slice %arg2[%dma_wait3A_377, %mul3A_2] : memref<108x16384xi32, #tpu.memory_space<hbm>> -> memref<8x512xi32, #tpu.memory_space<hbm>>
    tpu.wait_dma2 semaphore(%arg13 : memref<!tpu.dma_semaphore, #tpu.memory_space<semaphore_mem>>) src(%dma_wait3A_378 : memref<8x512xi32, #tpu.memory_space<hbm>>) dst(%dma_wait3A_376 : memref<8x512xi32, #tpu.memory_space<vmem>>)
    %dma_wait3A_379 = arith.constant 0 : i32
    %dma_wait3A_380 = arith.constant 0 : i32
    %dma_wait3A_381 = tpu.memref_slice %arg9[%dma_wait3A_379, %dma_wait3A_380] : memref<8x512xi32, #tpu.memory_space<vmem>> -> memref<8x512xi32, #tpu.memory_space<vmem>>
    %dma_wait3A_382 = arith.constant 48 : i32
    %dma_wait3A_383 = tpu.memref_slice %arg4[%dma_wait3A_382, %mul3A_2] : memref<109x16384xi32, #tpu.memory_space<hbm>> -> memref<8x512xi32, #tpu.memory_space<hbm>>
    %dma_wait3A_384 = arith.constant 48 : i32
    %dma_wait3A_385 = tpu.memref_slice %arg4[%dma_wait3A_384, %mul3A_2] : memref<109x16384xi32, #tpu.memory_space<hbm>> -> memref<8x512xi32, #tpu.memory_space<hbm>>
    %dma_wait3A_386 = arith.constant 0 : i32
    %dma_wait3A_387 = arith.constant 0 : i32
    %dma_wait3A_388 = tpu.memref_slice %arg9[%dma_wait3A_386, %dma_wait3A_387] : memref<8x512xi32, #tpu.memory_space<vmem>> -> memref<8x512xi32, #tpu.memory_space<vmem>>
    tpu.wait_dma2 semaphore(%arg14 : memref<!tpu.dma_semaphore, #tpu.memory_space<semaphore_mem>>) src(%dma_wait3A_388 : memref<8x512xi32, #tpu.memory_space<vmem>>) dst(%dma_wait3A_385 : memref<8x512xi32, #tpu.memory_space<hbm>>)
    %parallel_loop3A_389 = arith.constant 0 : i32
    %parallel_loop3A_390 = arith.constant 32 : i32
    %parallel_loop3A_391 = arith.constant 1 : i32
    scf.for %parallel_loop3A_645 = %parallel_loop3A_389 to %parallel_loop3A_390 step %parallel_loop3A_391  : i32 {
      %parallel_loop3A_646 = arith.constant 16 : i32
      %parallel_loop3A_647 = arith.muli %parallel_loop3A_645, %parallel_loop3A_646 : i32
      %parallel_loop3A_648 = arith.constant 7 : i32
      %parallel_loop3A_649 = arith.index_cast %parallel_loop3A_648 : i32 to index
      %parallel_loop3A_650 = arith.index_cast %parallel_loop3A_647 : i32 to index
      %parallel_loop3A_651 = tpu.vector_load %arg7[%parallel_loop3A_649, %parallel_loop3A_650] {strides = array<i32>} : memref<8x512xi32, #tpu.memory_space<vmem>>, vector<16xi32>,
      %parallel_loop3A_652 = tpu.vector_load_idx %arg5[%parallel_loop3A_651] : memref<48xi32, #tpu.memory_space<vmem>>[vector<16xi32>], vector<16xi32>,
      %parallel_loop3A_653 = arith.constant 16 : i32
      %parallel_loop3A_654 = arith.muli %parallel_loop3A_645, %parallel_loop3A_653 : i32
      %parallel_loop3A_655 = arith.constant 0 : i32
      %parallel_loop3A_656 = arith.index_cast %parallel_loop3A_655 : i32 to index
      %parallel_loop3A_657 = arith.index_cast %parallel_loop3A_654 : i32 to index
      %parallel_loop3A_658 = tpu.vector_load %arg9[%parallel_loop3A_656, %parallel_loop3A_657] {strides = array<i32>} : memref<8x512xi32, #tpu.memory_space<vmem>>, vector<16xi32>,
      tpu.vector_store %arg9[%parallel_loop3A_656, %parallel_loop3A_657], %parallel_loop3A_652 {strides = array<i32>} : memref<8x512xi32, #tpu.memory_space<vmem>>, vector<16xi32>,
    } {sc.loop_unroll_factor = 8 : i64, sc.parallel_access}
    %parallel_loop3A_392 = arith.constant 0 : i32
    %parallel_loop3A_393 = arith.constant 224 : i32
    %parallel_loop3A_394 = arith.constant 1 : i32
    scf.for %parallel_loop3A_645 = %parallel_loop3A_392 to %parallel_loop3A_393 step %parallel_loop3A_394  : i32 {
      %parallel_loop3A_646 = arith.constant 5 : i32
      %parallel_loop3A_647 = arith.shrui %parallel_loop3A_645, %parallel_loop3A_646 : i32
      %parallel_loop3A_648 = arith.constant 31 : i32
      %parallel_loop3A_649 = arith.andi %parallel_loop3A_645, %parallel_loop3A_648 : i32
      %parallel_loop3A_650 = arith.constant 4 : i32
      %parallel_loop3A_651 = arith.shli %parallel_loop3A_649, %parallel_loop3A_650 : i32
      %parallel_loop3A_652 = arith.index_cast %parallel_loop3A_647 : i32 to index
      %parallel_loop3A_653 = arith.index_cast %parallel_loop3A_651 : i32 to index
      %parallel_loop3A_654 = tpu.vector_load %arg8[%parallel_loop3A_652, %parallel_loop3A_653] {strides = array<i32>} : memref<8x512xi32, #tpu.memory_space<vmem>>, vector<16xi32>,
      %parallel_loop3A_655 = tpu.vector_load_idx %arg5[%parallel_loop3A_654] : memref<48xi32, #tpu.memory_space<vmem>>[vector<16xi32>], vector<16xi32>,
      %parallel_loop3A_656 = arith.constant 1 : i32
      %parallel_loop3A_657 = arith.addi %parallel_loop3A_647, %parallel_loop3A_656 : i32
      %parallel_loop3A_658 = arith.index_cast %parallel_loop3A_657 : i32 to index
      %parallel_loop3A_659 = arith.index_cast %parallel_loop3A_651 : i32 to index
      %parallel_loop3A_660 = tpu.vector_load %arg9[%parallel_loop3A_658, %parallel_loop3A_659] {strides = array<i32>} : memref<8x512xi32, #tpu.memory_space<vmem>>, vector<16xi32>,
      tpu.vector_store %arg9[%parallel_loop3A_658, %parallel_loop3A_659], %parallel_loop3A_655 {strides = array<i32>} : memref<8x512xi32, #tpu.memory_space<vmem>>, vector<16xi32>,
    } {sc.loop_unroll_factor = 8 : i64, sc.parallel_access}
    %dma_start3A_395 = arith.constant 0 : i32
    %dma_start3A_396 = arith.constant 0 : i32
    %dma_start3A_397 = tpu.memref_slice %arg7[%dma_start3A_395, %dma_start3A_396] : memref<8x512xi32, #tpu.memory_space<vmem>> -> memref<8x512xi32, #tpu.memory_space<vmem>>
    %dma_start3A_398 = arith.constant 80 : i32
    %dma_start3A_399 = tpu.memref_slice %arg2[%dma_start3A_398, %mul3A_2] : memref<108x16384xi32, #tpu.memory_space<hbm>> -> memref<8x512xi32, #tpu.memory_space<hbm>>
    %dma_start3A_400 = arith.constant 0 : i32
    %dma_start3A_401 = arith.constant 0 : i32
    %dma_start3A_402 = tpu.memref_slice %arg7[%dma_start3A_400, %dma_start3A_401] : memref<8x512xi32, #tpu.memory_space<vmem>> -> memref<8x512xi32, #tpu.memory_space<vmem>>
    %dma_start3A_403 = arith.constant 80 : i32
    %dma_start3A_404 = tpu.memref_slice %arg2[%dma_start3A_403, %mul3A_2] : memref<108x16384xi32, #tpu.memory_space<hbm>> -> memref<8x512xi32, #tpu.memory_space<hbm>>
    tpu.enqueue_dma source(%dma_start3A_404 : memref<8x512xi32, #tpu.memory_space<hbm>>) target(%dma_start3A_402 : memref<8x512xi32, #tpu.memory_space<vmem>>) target_semaphore(%arg12 : memref<!tpu.dma_semaphore, #tpu.memory_space<semaphore_mem>>)
    %dma_start3A_405 = arith.constant 0 : i32
    %dma_start3A_406 = arith.constant 0 : i32
    %dma_start3A_407 = tpu.memref_slice %arg9[%dma_start3A_405, %dma_start3A_406] : memref<8x512xi32, #tpu.memory_space<vmem>> -> memref<8x512xi32, #tpu.memory_space<vmem>>
    %dma_start3A_408 = arith.constant 64 : i32
    %dma_start3A_409 = tpu.memref_slice %arg4[%dma_start3A_408, %mul3A_2] : memref<109x16384xi32, #tpu.memory_space<hbm>> -> memref<8x512xi32, #tpu.memory_space<hbm>>
    %dma_start3A_410 = arith.constant 64 : i32
    %dma_start3A_411 = tpu.memref_slice %arg4[%dma_start3A_410, %mul3A_2] : memref<109x16384xi32, #tpu.memory_space<hbm>> -> memref<8x512xi32, #tpu.memory_space<hbm>>
    %dma_start3A_412 = arith.constant 0 : i32
    %dma_start3A_413 = arith.constant 0 : i32
    %dma_start3A_414 = tpu.memref_slice %arg9[%dma_start3A_412, %dma_start3A_413] : memref<8x512xi32, #tpu.memory_space<vmem>> -> memref<8x512xi32, #tpu.memory_space<vmem>>
    tpu.enqueue_dma source(%dma_start3A_414 : memref<8x512xi32, #tpu.memory_space<vmem>>) target(%dma_start3A_411 : memref<8x512xi32, #tpu.memory_space<hbm>>) target_semaphore(%arg14 : memref<!tpu.dma_semaphore, #tpu.memory_space<semaphore_mem>>)
    %dma_wait3A_415 = arith.constant 0 : i32
    %dma_wait3A_416 = arith.constant 0 : i32
    %dma_wait3A_417 = tpu.memref_slice %arg6[%dma_wait3A_415, %dma_wait3A_416] : memref<8x512xi32, #tpu.memory_space<vmem>> -> memref<8x512xi32, #tpu.memory_space<vmem>>
    %dma_wait3A_418 = arith.constant 72 : i32
    %dma_wait3A_419 = tpu.memref_slice %arg2[%dma_wait3A_418, %mul3A_2] : memref<108x16384xi32, #tpu.memory_space<hbm>> -> memref<8x512xi32, #tpu.memory_space<hbm>>
    %dma_wait3A_420 = arith.constant 0 : i32
    %dma_wait3A_421 = arith.constant 0 : i32
    %dma_wait3A_422 = tpu.memref_slice %arg6[%dma_wait3A_420, %dma_wait3A_421] : memref<8x512xi32, #tpu.memory_space<vmem>> -> memref<8x512xi32, #tpu.memory_space<vmem>>
    %dma_wait3A_423 = arith.constant 72 : i32
    %dma_wait3A_424 = tpu.memref_slice %arg2[%dma_wait3A_423, %mul3A_2] : memref<108x16384xi32, #tpu.memory_space<hbm>> -> memref<8x512xi32, #tpu.memory_space<hbm>>
    tpu.wait_dma2 semaphore(%arg11 : memref<!tpu.dma_semaphore, #tpu.memory_space<semaphore_mem>>) src(%dma_wait3A_424 : memref<8x512xi32, #tpu.memory_space<hbm>>) dst(%dma_wait3A_422 : memref<8x512xi32, #tpu.memory_space<vmem>>)
    %dma_wait3A_425 = arith.constant 0 : i32
    %dma_wait3A_426 = arith.constant 0 : i32
    %dma_wait3A_427 = tpu.memref_slice %arg10[%dma_wait3A_425, %dma_wait3A_426] : memref<8x512xi32, #tpu.memory_space<vmem>> -> memref<8x512xi32, #tpu.memory_space<vmem>>
    %dma_wait3A_428 = arith.constant 56 : i32
    %dma_wait3A_429 = tpu.memref_slice %arg4[%dma_wait3A_428, %mul3A_2] : memref<109x16384xi32, #tpu.memory_space<hbm>> -> memref<8x512xi32, #tpu.memory_space<hbm>>
    %dma_wait3A_430 = arith.constant 56 : i32
    %dma_wait3A_431 = tpu.memref_slice %arg4[%dma_wait3A_430, %mul3A_2] : memref<109x16384xi32, #tpu.memory_space<hbm>> -> memref<8x512xi32, #tpu.memory_space<hbm>>
    %dma_wait3A_432 = arith.constant 0 : i32
    %dma_wait3A_433 = arith.constant 0 : i32
    %dma_wait3A_434 = tpu.memref_slice %arg10[%dma_wait3A_432, %dma_wait3A_433] : memref<8x512xi32, #tpu.memory_space<vmem>> -> memref<8x512xi32, #tpu.memory_space<vmem>>
    tpu.wait_dma2 semaphore(%arg15 : memref<!tpu.dma_semaphore, #tpu.memory_space<semaphore_mem>>) src(%dma_wait3A_434 : memref<8x512xi32, #tpu.memory_space<vmem>>) dst(%dma_wait3A_431 : memref<8x512xi32, #tpu.memory_space<hbm>>)
    %parallel_loop3A_435 = arith.constant 0 : i32
    %parallel_loop3A_436 = arith.constant 32 : i32
    %parallel_loop3A_437 = arith.constant 1 : i32
    scf.for %parallel_loop3A_645 = %parallel_loop3A_435 to %parallel_loop3A_436 step %parallel_loop3A_437  : i32 {
      %parallel_loop3A_646 = arith.constant 16 : i32
      %parallel_loop3A_647 = arith.muli %parallel_loop3A_645, %parallel_loop3A_646 : i32
      %parallel_loop3A_648 = arith.constant 7 : i32
      %parallel_loop3A_649 = arith.index_cast %parallel_loop3A_648 : i32 to index
      %parallel_loop3A_650 = arith.index_cast %parallel_loop3A_647 : i32 to index
      %parallel_loop3A_651 = tpu.vector_load %arg8[%parallel_loop3A_649, %parallel_loop3A_650] {strides = array<i32>} : memref<8x512xi32, #tpu.memory_space<vmem>>, vector<16xi32>,
      %parallel_loop3A_652 = tpu.vector_load_idx %arg5[%parallel_loop3A_651] : memref<48xi32, #tpu.memory_space<vmem>>[vector<16xi32>], vector<16xi32>,
      %parallel_loop3A_653 = arith.constant 16 : i32
      %parallel_loop3A_654 = arith.muli %parallel_loop3A_645, %parallel_loop3A_653 : i32
      %parallel_loop3A_655 = arith.constant 0 : i32
      %parallel_loop3A_656 = arith.index_cast %parallel_loop3A_655 : i32 to index
      %parallel_loop3A_657 = arith.index_cast %parallel_loop3A_654 : i32 to index
      %parallel_loop3A_658 = tpu.vector_load %arg10[%parallel_loop3A_656, %parallel_loop3A_657] {strides = array<i32>} : memref<8x512xi32, #tpu.memory_space<vmem>>, vector<16xi32>,
      tpu.vector_store %arg10[%parallel_loop3A_656, %parallel_loop3A_657], %parallel_loop3A_652 {strides = array<i32>} : memref<8x512xi32, #tpu.memory_space<vmem>>, vector<16xi32>,
    } {sc.loop_unroll_factor = 8 : i64, sc.parallel_access}
    %parallel_loop3A_438 = arith.constant 0 : i32
    %parallel_loop3A_439 = arith.constant 224 : i32
    %parallel_loop3A_440 = arith.constant 1 : i32
    scf.for %parallel_loop3A_645 = %parallel_loop3A_438 to %parallel_loop3A_439 step %parallel_loop3A_440  : i32 {
      %parallel_loop3A_646 = arith.constant 5 : i32
      %parallel_loop3A_647 = arith.shrui %parallel_loop3A_645, %parallel_loop3A_646 : i32
      %parallel_loop3A_648 = arith.constant 31 : i32
      %parallel_loop3A_649 = arith.andi %parallel_loop3A_645, %parallel_loop3A_648 : i32
      %parallel_loop3A_650 = arith.constant 4 : i32
      %parallel_loop3A_651 = arith.shli %parallel_loop3A_649, %parallel_loop3A_650 : i32
      %parallel_loop3A_652 = arith.index_cast %parallel_loop3A_647 : i32 to index
      %parallel_loop3A_653 = arith.index_cast %parallel_loop3A_651 : i32 to index
      %parallel_loop3A_654 = tpu.vector_load %arg6[%parallel_loop3A_652, %parallel_loop3A_653] {strides = array<i32>} : memref<8x512xi32, #tpu.memory_space<vmem>>, vector<16xi32>,
      %parallel_loop3A_655 = tpu.vector_load_idx %arg5[%parallel_loop3A_654] : memref<48xi32, #tpu.memory_space<vmem>>[vector<16xi32>], vector<16xi32>,
      %parallel_loop3A_656 = arith.constant 1 : i32
      %parallel_loop3A_657 = arith.addi %parallel_loop3A_647, %parallel_loop3A_656 : i32
      %parallel_loop3A_658 = arith.index_cast %parallel_loop3A_657 : i32 to index
      %parallel_loop3A_659 = arith.index_cast %parallel_loop3A_651 : i32 to index
      %parallel_loop3A_660 = tpu.vector_load %arg10[%parallel_loop3A_658, %parallel_loop3A_659] {strides = array<i32>} : memref<8x512xi32, #tpu.memory_space<vmem>>, vector<16xi32>,
      tpu.vector_store %arg10[%parallel_loop3A_658, %parallel_loop3A_659], %parallel_loop3A_655 {strides = array<i32>} : memref<8x512xi32, #tpu.memory_space<vmem>>, vector<16xi32>,
    } {sc.loop_unroll_factor = 8 : i64, sc.parallel_access}
    %dma_start3A_441 = arith.constant 0 : i32
    %dma_start3A_442 = arith.constant 0 : i32
    %dma_start3A_443 = tpu.memref_slice %arg8[%dma_start3A_441, %dma_start3A_442] : memref<8x512xi32, #tpu.memory_space<vmem>> -> memref<8x512xi32, #tpu.memory_space<vmem>>
    %dma_start3A_444 = arith.constant 88 : i32
    %dma_start3A_445 = tpu.memref_slice %arg2[%dma_start3A_444, %mul3A_2] : memref<108x16384xi32, #tpu.memory_space<hbm>> -> memref<8x512xi32, #tpu.memory_space<hbm>>
    %dma_start3A_446 = arith.constant 0 : i32
    %dma_start3A_447 = arith.constant 0 : i32
    %dma_start3A_448 = tpu.memref_slice %arg8[%dma_start3A_446, %dma_start3A_447] : memref<8x512xi32, #tpu.memory_space<vmem>> -> memref<8x512xi32, #tpu.memory_space<vmem>>
    %dma_start3A_449 = arith.constant 88 : i32
    %dma_start3A_450 = tpu.memref_slice %arg2[%dma_start3A_449, %mul3A_2] : memref<108x16384xi32, #tpu.memory_space<hbm>> -> memref<8x512xi32, #tpu.memory_space<hbm>>
    tpu.enqueue_dma source(%dma_start3A_450 : memref<8x512xi32, #tpu.memory_space<hbm>>) target(%dma_start3A_448 : memref<8x512xi32, #tpu.memory_space<vmem>>) target_semaphore(%arg13 : memref<!tpu.dma_semaphore, #tpu.memory_space<semaphore_mem>>)
    %dma_start3A_451 = arith.constant 0 : i32
    %dma_start3A_452 = arith.constant 0 : i32
    %dma_start3A_453 = tpu.memref_slice %arg10[%dma_start3A_451, %dma_start3A_452] : memref<8x512xi32, #tpu.memory_space<vmem>> -> memref<8x512xi32, #tpu.memory_space<vmem>>
    %dma_start3A_454 = arith.constant 72 : i32
    %dma_start3A_455 = tpu.memref_slice %arg4[%dma_start3A_454, %mul3A_2] : memref<109x16384xi32, #tpu.memory_space<hbm>> -> memref<8x512xi32, #tpu.memory_space<hbm>>
    %dma_start3A_456 = arith.constant 72 : i32
    %dma_start3A_457 = tpu.memref_slice %arg4[%dma_start3A_456, %mul3A_2] : memref<109x16384xi32, #tpu.memory_space<hbm>> -> memref<8x512xi32, #tpu.memory_space<hbm>>
    %dma_start3A_458 = arith.constant 0 : i32
    %dma_start3A_459 = arith.constant 0 : i32
    %dma_start3A_460 = tpu.memref_slice %arg10[%dma_start3A_458, %dma_start3A_459] : memref<8x512xi32, #tpu.memory_space<vmem>> -> memref<8x512xi32, #tpu.memory_space<vmem>>
    tpu.enqueue_dma source(%dma_start3A_460 : memref<8x512xi32, #tpu.memory_space<vmem>>) target(%dma_start3A_457 : memref<8x512xi32, #tpu.memory_space<hbm>>) target_semaphore(%arg15 : memref<!tpu.dma_semaphore, #tpu.memory_space<semaphore_mem>>)
    %dma_wait3A_461 = arith.constant 0 : i32
    %dma_wait3A_462 = arith.constant 0 : i32
    %dma_wait3A_463 = tpu.memref_slice %arg7[%dma_wait3A_461, %dma_wait3A_462] : memref<8x512xi32, #tpu.memory_space<vmem>> -> memref<8x512xi32, #tpu.memory_space<vmem>>
    %dma_wait3A_464 = arith.constant 80 : i32
    %dma_wait3A_465 = tpu.memref_slice %arg2[%dma_wait3A_464, %mul3A_2] : memref<108x16384xi32, #tpu.memory_space<hbm>> -> memref<8x512xi32, #tpu.memory_space<hbm>>
    %dma_wait3A_466 = arith.constant 0 : i32
    %dma_wait3A_467 = arith.constant 0 : i32
    %dma_wait3A_468 = tpu.memref_slice %arg7[%dma_wait3A_466, %dma_wait3A_467] : memref<8x512xi32, #tpu.memory_space<vmem>> -> memref<8x512xi32, #tpu.memory_space<vmem>>
    %dma_wait3A_469 = arith.constant 80 : i32
    %dma_wait3A_470 = tpu.memref_slice %arg2[%dma_wait3A_469, %mul3A_2] : memref<108x16384xi32, #tpu.memory_space<hbm>> -> memref<8x512xi32, #tpu.memory_space<hbm>>
    tpu.wait_dma2 semaphore(%arg12 : memref<!tpu.dma_semaphore, #tpu.memory_space<semaphore_mem>>) src(%dma_wait3A_470 : memref<8x512xi32, #tpu.memory_space<hbm>>) dst(%dma_wait3A_468 : memref<8x512xi32, #tpu.memory_space<vmem>>)
    %dma_wait3A_471 = arith.constant 0 : i32
    %dma_wait3A_472 = arith.constant 0 : i32
    %dma_wait3A_473 = tpu.memref_slice %arg9[%dma_wait3A_471, %dma_wait3A_472] : memref<8x512xi32, #tpu.memory_space<vmem>> -> memref<8x512xi32, #tpu.memory_space<vmem>>
    %dma_wait3A_474 = arith.constant 64 : i32
    %dma_wait3A_475 = tpu.memref_slice %arg4[%dma_wait3A_474, %mul3A_2] : memref<109x16384xi32, #tpu.memory_space<hbm>> -> memref<8x512xi32, #tpu.memory_space<hbm>>
    %dma_wait3A_476 = arith.constant 64 : i32
    %dma_wait3A_477 = tpu.memref_slice %arg4[%dma_wait3A_476, %mul3A_2] : memref<109x16384xi32, #tpu.memory_space<hbm>> -> memref<8x512xi32, #tpu.memory_space<hbm>>
    %dma_wait3A_478 = arith.constant 0 : i32
    %dma_wait3A_479 = arith.constant 0 : i32
    %dma_wait3A_480 = tpu.memref_slice %arg9[%dma_wait3A_478, %dma_wait3A_479] : memref<8x512xi32, #tpu.memory_space<vmem>> -> memref<8x512xi32, #tpu.memory_space<vmem>>
    tpu.wait_dma2 semaphore(%arg14 : memref<!tpu.dma_semaphore, #tpu.memory_space<semaphore_mem>>) src(%dma_wait3A_480 : memref<8x512xi32, #tpu.memory_space<vmem>>) dst(%dma_wait3A_477 : memref<8x512xi32, #tpu.memory_space<hbm>>)
    %parallel_loop3A_481 = arith.constant 0 : i32
    %parallel_loop3A_482 = arith.constant 32 : i32
    %parallel_loop3A_483 = arith.constant 1 : i32
    scf.for %parallel_loop3A_645 = %parallel_loop3A_481 to %parallel_loop3A_482 step %parallel_loop3A_483  : i32 {
      %parallel_loop3A_646 = arith.constant 16 : i32
      %parallel_loop3A_647 = arith.muli %parallel_loop3A_645, %parallel_loop3A_646 : i32
      %parallel_loop3A_648 = arith.constant 7 : i32
      %parallel_loop3A_649 = arith.index_cast %parallel_loop3A_648 : i32 to index
      %parallel_loop3A_650 = arith.index_cast %parallel_loop3A_647 : i32 to index
      %parallel_loop3A_651 = tpu.vector_load %arg6[%parallel_loop3A_649, %parallel_loop3A_650] {strides = array<i32>} : memref<8x512xi32, #tpu.memory_space<vmem>>, vector<16xi32>,
      %parallel_loop3A_652 = tpu.vector_load_idx %arg5[%parallel_loop3A_651] : memref<48xi32, #tpu.memory_space<vmem>>[vector<16xi32>], vector<16xi32>,
      %parallel_loop3A_653 = arith.constant 16 : i32
      %parallel_loop3A_654 = arith.muli %parallel_loop3A_645, %parallel_loop3A_653 : i32
      %parallel_loop3A_655 = arith.constant 0 : i32
      %parallel_loop3A_656 = arith.index_cast %parallel_loop3A_655 : i32 to index
      %parallel_loop3A_657 = arith.index_cast %parallel_loop3A_654 : i32 to index
      %parallel_loop3A_658 = tpu.vector_load %arg9[%parallel_loop3A_656, %parallel_loop3A_657] {strides = array<i32>} : memref<8x512xi32, #tpu.memory_space<vmem>>, vector<16xi32>,
      tpu.vector_store %arg9[%parallel_loop3A_656, %parallel_loop3A_657], %parallel_loop3A_652 {strides = array<i32>} : memref<8x512xi32, #tpu.memory_space<vmem>>, vector<16xi32>,
    } {sc.loop_unroll_factor = 8 : i64, sc.parallel_access}
    %parallel_loop3A_484 = arith.constant 0 : i32
    %parallel_loop3A_485 = arith.constant 224 : i32
    %parallel_loop3A_486 = arith.constant 1 : i32
    scf.for %parallel_loop3A_645 = %parallel_loop3A_484 to %parallel_loop3A_485 step %parallel_loop3A_486  : i32 {
      %parallel_loop3A_646 = arith.constant 5 : i32
      %parallel_loop3A_647 = arith.shrui %parallel_loop3A_645, %parallel_loop3A_646 : i32
      %parallel_loop3A_648 = arith.constant 31 : i32
      %parallel_loop3A_649 = arith.andi %parallel_loop3A_645, %parallel_loop3A_648 : i32
      %parallel_loop3A_650 = arith.constant 4 : i32
      %parallel_loop3A_651 = arith.shli %parallel_loop3A_649, %parallel_loop3A_650 : i32
      %parallel_loop3A_652 = arith.index_cast %parallel_loop3A_647 : i32 to index
      %parallel_loop3A_653 = arith.index_cast %parallel_loop3A_651 : i32 to index
      %parallel_loop3A_654 = tpu.vector_load %arg7[%parallel_loop3A_652, %parallel_loop3A_653] {strides = array<i32>} : memref<8x512xi32, #tpu.memory_space<vmem>>, vector<16xi32>,
      %parallel_loop3A_655 = tpu.vector_load_idx %arg5[%parallel_loop3A_654] : memref<48xi32, #tpu.memory_space<vmem>>[vector<16xi32>], vector<16xi32>,
      %parallel_loop3A_656 = arith.constant 1 : i32
      %parallel_loop3A_657 = arith.addi %parallel_loop3A_647, %parallel_loop3A_656 : i32
      %parallel_loop3A_658 = arith.index_cast %parallel_loop3A_657 : i32 to index
      %parallel_loop3A_659 = arith.index_cast %parallel_loop3A_651 : i32 to index
      %parallel_loop3A_660 = tpu.vector_load %arg9[%parallel_loop3A_658, %parallel_loop3A_659] {strides = array<i32>} : memref<8x512xi32, #tpu.memory_space<vmem>>, vector<16xi32>,
      tpu.vector_store %arg9[%parallel_loop3A_658, %parallel_loop3A_659], %parallel_loop3A_655 {strides = array<i32>} : memref<8x512xi32, #tpu.memory_space<vmem>>, vector<16xi32>,
    } {sc.loop_unroll_factor = 8 : i64, sc.parallel_access}
    %dma_start3A_487 = arith.constant 0 : i32
    %dma_start3A_488 = arith.constant 0 : i32
    %dma_start3A_489 = tpu.memref_slice %arg6[%dma_start3A_487, %dma_start3A_488] : memref<8x512xi32, #tpu.memory_space<vmem>> -> memref<8x512xi32, #tpu.memory_space<vmem>>
    %dma_start3A_490 = arith.constant 96 : i32
    %dma_start3A_491 = tpu.memref_slice %arg2[%dma_start3A_490, %mul3A_2] : memref<108x16384xi32, #tpu.memory_space<hbm>> -> memref<8x512xi32, #tpu.memory_space<hbm>>
    %dma_start3A_492 = arith.constant 0 : i32
    %dma_start3A_493 = arith.constant 0 : i32
    %dma_start3A_494 = tpu.memref_slice %arg6[%dma_start3A_492, %dma_start3A_493] : memref<8x512xi32, #tpu.memory_space<vmem>> -> memref<8x512xi32, #tpu.memory_space<vmem>>
    %dma_start3A_495 = arith.constant 96 : i32
    %dma_start3A_496 = tpu.memref_slice %arg2[%dma_start3A_495, %mul3A_2] : memref<108x16384xi32, #tpu.memory_space<hbm>> -> memref<8x512xi32, #tpu.memory_space<hbm>>
    tpu.enqueue_dma source(%dma_start3A_496 : memref<8x512xi32, #tpu.memory_space<hbm>>) target(%dma_start3A_494 : memref<8x512xi32, #tpu.memory_space<vmem>>) target_semaphore(%arg11 : memref<!tpu.dma_semaphore, #tpu.memory_space<semaphore_mem>>)
    %dma_start3A_497 = arith.constant 0 : i32
    %dma_start3A_498 = arith.constant 0 : i32
    %dma_start3A_499 = tpu.memref_slice %arg9[%dma_start3A_497, %dma_start3A_498] : memref<8x512xi32, #tpu.memory_space<vmem>> -> memref<8x512xi32, #tpu.memory_space<vmem>>
    %dma_start3A_500 = arith.constant 80 : i32
    %dma_start3A_501 = tpu.memref_slice %arg4[%dma_start3A_500, %mul3A_2] : memref<109x16384xi32, #tpu.memory_space<hbm>> -> memref<8x512xi32, #tpu.memory_space<hbm>>
    %dma_start3A_502 = arith.constant 80 : i32
    %dma_start3A_503 = tpu.memref_slice %arg4[%dma_start3A_502, %mul3A_2] : memref<109x16384xi32, #tpu.memory_space<hbm>> -> memref<8x512xi32, #tpu.memory_space<hbm>>
    %dma_start3A_504 = arith.constant 0 : i32
    %dma_start3A_505 = arith.constant 0 : i32
    %dma_start3A_506 = tpu.memref_slice %arg9[%dma_start3A_504, %dma_start3A_505] : memref<8x512xi32, #tpu.memory_space<vmem>> -> memref<8x512xi32, #tpu.memory_space<vmem>>
    tpu.enqueue_dma source(%dma_start3A_506 : memref<8x512xi32, #tpu.memory_space<vmem>>) target(%dma_start3A_503 : memref<8x512xi32, #tpu.memory_space<hbm>>) target_semaphore(%arg14 : memref<!tpu.dma_semaphore, #tpu.memory_space<semaphore_mem>>)
    %dma_wait3A_507 = arith.constant 0 : i32
    %dma_wait3A_508 = arith.constant 0 : i32
    %dma_wait3A_509 = tpu.memref_slice %arg8[%dma_wait3A_507, %dma_wait3A_508] : memref<8x512xi32, #tpu.memory_space<vmem>> -> memref<8x512xi32, #tpu.memory_space<vmem>>
    %dma_wait3A_510 = arith.constant 88 : i32
    %dma_wait3A_511 = tpu.memref_slice %arg2[%dma_wait3A_510, %mul3A_2] : memref<108x16384xi32, #tpu.memory_space<hbm>> -> memref<8x512xi32, #tpu.memory_space<hbm>>
    %dma_wait3A_512 = arith.constant 0 : i32
    %dma_wait3A_513 = arith.constant 0 : i32
    %dma_wait3A_514 = tpu.memref_slice %arg8[%dma_wait3A_512, %dma_wait3A_513] : memref<8x512xi32, #tpu.memory_space<vmem>> -> memref<8x512xi32, #tpu.memory_space<vmem>>
    %dma_wait3A_515 = arith.constant 88 : i32
    %dma_wait3A_516 = tpu.memref_slice %arg2[%dma_wait3A_515, %mul3A_2] : memref<108x16384xi32, #tpu.memory_space<hbm>> -> memref<8x512xi32, #tpu.memory_space<hbm>>
    tpu.wait_dma2 semaphore(%arg13 : memref<!tpu.dma_semaphore, #tpu.memory_space<semaphore_mem>>) src(%dma_wait3A_516 : memref<8x512xi32, #tpu.memory_space<hbm>>) dst(%dma_wait3A_514 : memref<8x512xi32, #tpu.memory_space<vmem>>)
    %dma_wait3A_517 = arith.constant 0 : i32
    %dma_wait3A_518 = arith.constant 0 : i32
    %dma_wait3A_519 = tpu.memref_slice %arg10[%dma_wait3A_517, %dma_wait3A_518] : memref<8x512xi32, #tpu.memory_space<vmem>> -> memref<8x512xi32, #tpu.memory_space<vmem>>
    %dma_wait3A_520 = arith.constant 72 : i32
    %dma_wait3A_521 = tpu.memref_slice %arg4[%dma_wait3A_520, %mul3A_2] : memref<109x16384xi32, #tpu.memory_space<hbm>> -> memref<8x512xi32, #tpu.memory_space<hbm>>
    %dma_wait3A_522 = arith.constant 72 : i32
    %dma_wait3A_523 = tpu.memref_slice %arg4[%dma_wait3A_522, %mul3A_2] : memref<109x16384xi32, #tpu.memory_space<hbm>> -> memref<8x512xi32, #tpu.memory_space<hbm>>
    %dma_wait3A_524 = arith.constant 0 : i32
    %dma_wait3A_525 = arith.constant 0 : i32
    %dma_wait3A_526 = tpu.memref_slice %arg10[%dma_wait3A_524, %dma_wait3A_525] : memref<8x512xi32, #tpu.memory_space<vmem>> -> memref<8x512xi32, #tpu.memory_space<vmem>>
    tpu.wait_dma2 semaphore(%arg15 : memref<!tpu.dma_semaphore, #tpu.memory_space<semaphore_mem>>) src(%dma_wait3A_526 : memref<8x512xi32, #tpu.memory_space<vmem>>) dst(%dma_wait3A_523 : memref<8x512xi32, #tpu.memory_space<hbm>>)
    %parallel_loop3A_527 = arith.constant 0 : i32
    %parallel_loop3A_528 = arith.constant 32 : i32
    %parallel_loop3A_529 = arith.constant 1 : i32
    scf.for %parallel_loop3A_645 = %parallel_loop3A_527 to %parallel_loop3A_528 step %parallel_loop3A_529  : i32 {
      %parallel_loop3A_646 = arith.constant 16 : i32
      %parallel_loop3A_647 = arith.muli %parallel_loop3A_645, %parallel_loop3A_646 : i32
      %parallel_loop3A_648 = arith.constant 7 : i32
      %parallel_loop3A_649 = arith.index_cast %parallel_loop3A_648 : i32 to index
      %parallel_loop3A_650 = arith.index_cast %parallel_loop3A_647 : i32 to index
      %parallel_loop3A_651 = tpu.vector_load %arg7[%parallel_loop3A_649, %parallel_loop3A_650] {strides = array<i32>} : memref<8x512xi32, #tpu.memory_space<vmem>>, vector<16xi32>,
      %parallel_loop3A_652 = tpu.vector_load_idx %arg5[%parallel_loop3A_651] : memref<48xi32, #tpu.memory_space<vmem>>[vector<16xi32>], vector<16xi32>,
      %parallel_loop3A_653 = arith.constant 16 : i32
      %parallel_loop3A_654 = arith.muli %parallel_loop3A_645, %parallel_loop3A_653 : i32
      %parallel_loop3A_655 = arith.constant 0 : i32
      %parallel_loop3A_656 = arith.index_cast %parallel_loop3A_655 : i32 to index
      %parallel_loop3A_657 = arith.index_cast %parallel_loop3A_654 : i32 to index
      %parallel_loop3A_658 = tpu.vector_load %arg10[%parallel_loop3A_656, %parallel_loop3A_657] {strides = array<i32>} : memref<8x512xi32, #tpu.memory_space<vmem>>, vector<16xi32>,
      tpu.vector_store %arg10[%parallel_loop3A_656, %parallel_loop3A_657], %parallel_loop3A_652 {strides = array<i32>} : memref<8x512xi32, #tpu.memory_space<vmem>>, vector<16xi32>,
    } {sc.loop_unroll_factor = 8 : i64, sc.parallel_access}
    %parallel_loop3A_530 = arith.constant 0 : i32
    %parallel_loop3A_531 = arith.constant 224 : i32
    %parallel_loop3A_532 = arith.constant 1 : i32
    scf.for %parallel_loop3A_645 = %parallel_loop3A_530 to %parallel_loop3A_531 step %parallel_loop3A_532  : i32 {
      %parallel_loop3A_646 = arith.constant 5 : i32
      %parallel_loop3A_647 = arith.shrui %parallel_loop3A_645, %parallel_loop3A_646 : i32
      %parallel_loop3A_648 = arith.constant 31 : i32
      %parallel_loop3A_649 = arith.andi %parallel_loop3A_645, %parallel_loop3A_648 : i32
      %parallel_loop3A_650 = arith.constant 4 : i32
      %parallel_loop3A_651 = arith.shli %parallel_loop3A_649, %parallel_loop3A_650 : i32
      %parallel_loop3A_652 = arith.index_cast %parallel_loop3A_647 : i32 to index
      %parallel_loop3A_653 = arith.index_cast %parallel_loop3A_651 : i32 to index
      %parallel_loop3A_654 = tpu.vector_load %arg8[%parallel_loop3A_652, %parallel_loop3A_653] {strides = array<i32>} : memref<8x512xi32, #tpu.memory_space<vmem>>, vector<16xi32>,
      %parallel_loop3A_655 = tpu.vector_load_idx %arg5[%parallel_loop3A_654] : memref<48xi32, #tpu.memory_space<vmem>>[vector<16xi32>], vector<16xi32>,
      %parallel_loop3A_656 = arith.constant 1 : i32
      %parallel_loop3A_657 = arith.addi %parallel_loop3A_647, %parallel_loop3A_656 : i32
      %parallel_loop3A_658 = arith.index_cast %parallel_loop3A_657 : i32 to index
      %parallel_loop3A_659 = arith.index_cast %parallel_loop3A_651 : i32 to index
      %parallel_loop3A_660 = tpu.vector_load %arg10[%parallel_loop3A_658, %parallel_loop3A_659] {strides = array<i32>} : memref<8x512xi32, #tpu.memory_space<vmem>>, vector<16xi32>,
      tpu.vector_store %arg10[%parallel_loop3A_658, %parallel_loop3A_659], %parallel_loop3A_655 {strides = array<i32>} : memref<8x512xi32, #tpu.memory_space<vmem>>, vector<16xi32>,
    } {sc.loop_unroll_factor = 8 : i64, sc.parallel_access}
    %dma_start3A_533 = arith.constant 0 : i32
    %dma_start3A_534 = arith.constant 0 : i32
    %dma_start3A_535 = tpu.memref_slice %arg7[%dma_start3A_533, %dma_start3A_534] : memref<8x512xi32, #tpu.memory_space<vmem>> -> memref<4x512xi32, #tpu.memory_space<vmem>>
    %dma_start3A_536 = arith.constant 104 : i32
    %dma_start3A_537 = tpu.memref_slice %arg2[%dma_start3A_536, %mul3A_2] : memref<108x16384xi32, #tpu.memory_space<hbm>> -> memref<4x512xi32, #tpu.memory_space<hbm>>
    %dma_start3A_538 = arith.constant 0 : i32
    %dma_start3A_539 = arith.constant 0 : i32
    %dma_start3A_540 = tpu.memref_slice %arg7[%dma_start3A_538, %dma_start3A_539] : memref<8x512xi32, #tpu.memory_space<vmem>> -> memref<4x512xi32, #tpu.memory_space<vmem>>
    %dma_start3A_541 = arith.constant 104 : i32
    %dma_start3A_542 = tpu.memref_slice %arg2[%dma_start3A_541, %mul3A_2] : memref<108x16384xi32, #tpu.memory_space<hbm>> -> memref<4x512xi32, #tpu.memory_space<hbm>>
    tpu.enqueue_dma source(%dma_start3A_542 : memref<4x512xi32, #tpu.memory_space<hbm>>) target(%dma_start3A_540 : memref<4x512xi32, #tpu.memory_space<vmem>>) target_semaphore(%arg12 : memref<!tpu.dma_semaphore, #tpu.memory_space<semaphore_mem>>)
    %dma_start3A_543 = arith.constant 0 : i32
    %dma_start3A_544 = arith.constant 0 : i32
    %dma_start3A_545 = tpu.memref_slice %arg10[%dma_start3A_543, %dma_start3A_544] : memref<8x512xi32, #tpu.memory_space<vmem>> -> memref<8x512xi32, #tpu.memory_space<vmem>>
    %dma_start3A_546 = arith.constant 88 : i32
    %dma_start3A_547 = tpu.memref_slice %arg4[%dma_start3A_546, %mul3A_2] : memref<109x16384xi32, #tpu.memory_space<hbm>> -> memref<8x512xi32, #tpu.memory_space<hbm>>
    %dma_start3A_548 = arith.constant 88 : i32
    %dma_start3A_549 = tpu.memref_slice %arg4[%dma_start3A_548, %mul3A_2] : memref<109x16384xi32, #tpu.memory_space<hbm>> -> memref<8x512xi32, #tpu.memory_space<hbm>>
    %dma_start3A_550 = arith.constant 0 : i32
    %dma_start3A_551 = arith.constant 0 : i32
    %dma_start3A_552 = tpu.memref_slice %arg10[%dma_start3A_550, %dma_start3A_551] : memref<8x512xi32, #tpu.memory_space<vmem>> -> memref<8x512xi32, #tpu.memory_space<vmem>>
    tpu.enqueue_dma source(%dma_start3A_552 : memref<8x512xi32, #tpu.memory_space<vmem>>) target(%dma_start3A_549 : memref<8x512xi32, #tpu.memory_space<hbm>>) target_semaphore(%arg15 : memref<!tpu.dma_semaphore, #tpu.memory_space<semaphore_mem>>)
    %dma_wait3A_553 = arith.constant 0 : i32
    %dma_wait3A_554 = arith.constant 0 : i32
    %dma_wait3A_555 = tpu.memref_slice %arg6[%dma_wait3A_553, %dma_wait3A_554] : memref<8x512xi32, #tpu.memory_space<vmem>> -> memref<8x512xi32, #tpu.memory_space<vmem>>
    %dma_wait3A_556 = arith.constant 96 : i32
    %dma_wait3A_557 = tpu.memref_slice %arg2[%dma_wait3A_556, %mul3A_2] : memref<108x16384xi32, #tpu.memory_space<hbm>> -> memref<8x512xi32, #tpu.memory_space<hbm>>
    %dma_wait3A_558 = arith.constant 0 : i32
    %dma_wait3A_559 = arith.constant 0 : i32
    %dma_wait3A_560 = tpu.memref_slice %arg6[%dma_wait3A_558, %dma_wait3A_559] : memref<8x512xi32, #tpu.memory_space<vmem>> -> memref<8x512xi32, #tpu.memory_space<vmem>>
    %dma_wait3A_561 = arith.constant 96 : i32
    %dma_wait3A_562 = tpu.memref_slice %arg2[%dma_wait3A_561, %mul3A_2] : memref<108x16384xi32, #tpu.memory_space<hbm>> -> memref<8x512xi32, #tpu.memory_space<hbm>>
    tpu.wait_dma2 semaphore(%arg11 : memref<!tpu.dma_semaphore, #tpu.memory_space<semaphore_mem>>) src(%dma_wait3A_562 : memref<8x512xi32, #tpu.memory_space<hbm>>) dst(%dma_wait3A_560 : memref<8x512xi32, #tpu.memory_space<vmem>>)
    %dma_wait3A_563 = arith.constant 0 : i32
    %dma_wait3A_564 = arith.constant 0 : i32
    %dma_wait3A_565 = tpu.memref_slice %arg9[%dma_wait3A_563, %dma_wait3A_564] : memref<8x512xi32, #tpu.memory_space<vmem>> -> memref<8x512xi32, #tpu.memory_space<vmem>>
    %dma_wait3A_566 = arith.constant 80 : i32
    %dma_wait3A_567 = tpu.memref_slice %arg4[%dma_wait3A_566, %mul3A_2] : memref<109x16384xi32, #tpu.memory_space<hbm>> -> memref<8x512xi32, #tpu.memory_space<hbm>>
    %dma_wait3A_568 = arith.constant 80 : i32
    %dma_wait3A_569 = tpu.memref_slice %arg4[%dma_wait3A_568, %mul3A_2] : memref<109x16384xi32, #tpu.memory_space<hbm>> -> memref<8x512xi32, #tpu.memory_space<hbm>>
    %dma_wait3A_570 = arith.constant 0 : i32
    %dma_wait3A_571 = arith.constant 0 : i32
    %dma_wait3A_572 = tpu.memref_slice %arg9[%dma_wait3A_570, %dma_wait3A_571] : memref<8x512xi32, #tpu.memory_space<vmem>> -> memref<8x512xi32, #tpu.memory_space<vmem>>
    tpu.wait_dma2 semaphore(%arg14 : memref<!tpu.dma_semaphore, #tpu.memory_space<semaphore_mem>>) src(%dma_wait3A_572 : memref<8x512xi32, #tpu.memory_space<vmem>>) dst(%dma_wait3A_569 : memref<8x512xi32, #tpu.memory_space<hbm>>)
    %parallel_loop3A_573 = arith.constant 0 : i32
    %parallel_loop3A_574 = arith.constant 32 : i32
    %parallel_loop3A_575 = arith.constant 1 : i32
    scf.for %parallel_loop3A_645 = %parallel_loop3A_573 to %parallel_loop3A_574 step %parallel_loop3A_575  : i32 {
      %parallel_loop3A_646 = arith.constant 16 : i32
      %parallel_loop3A_647 = arith.muli %parallel_loop3A_645, %parallel_loop3A_646 : i32
      %parallel_loop3A_648 = arith.constant 7 : i32
      %parallel_loop3A_649 = arith.index_cast %parallel_loop3A_648 : i32 to index
      %parallel_loop3A_650 = arith.index_cast %parallel_loop3A_647 : i32 to index
      %parallel_loop3A_651 = tpu.vector_load %arg8[%parallel_loop3A_649, %parallel_loop3A_650] {strides = array<i32>} : memref<8x512xi32, #tpu.memory_space<vmem>>, vector<16xi32>,
      %parallel_loop3A_652 = tpu.vector_load_idx %arg5[%parallel_loop3A_651] : memref<48xi32, #tpu.memory_space<vmem>>[vector<16xi32>], vector<16xi32>,
      %parallel_loop3A_653 = arith.constant 16 : i32
      %parallel_loop3A_654 = arith.muli %parallel_loop3A_645, %parallel_loop3A_653 : i32
      %parallel_loop3A_655 = arith.constant 0 : i32
      %parallel_loop3A_656 = arith.index_cast %parallel_loop3A_655 : i32 to index
      %parallel_loop3A_657 = arith.index_cast %parallel_loop3A_654 : i32 to index
      %parallel_loop3A_658 = tpu.vector_load %arg9[%parallel_loop3A_656, %parallel_loop3A_657] {strides = array<i32>} : memref<8x512xi32, #tpu.memory_space<vmem>>, vector<16xi32>,
      tpu.vector_store %arg9[%parallel_loop3A_656, %parallel_loop3A_657], %parallel_loop3A_652 {strides = array<i32>} : memref<8x512xi32, #tpu.memory_space<vmem>>, vector<16xi32>,
    } {sc.loop_unroll_factor = 8 : i64, sc.parallel_access}
    %parallel_loop3A_576 = arith.constant 0 : i32
    %parallel_loop3A_577 = arith.constant 224 : i32
    %parallel_loop3A_578 = arith.constant 1 : i32
    scf.for %parallel_loop3A_645 = %parallel_loop3A_576 to %parallel_loop3A_577 step %parallel_loop3A_578  : i32 {
      %parallel_loop3A_646 = arith.constant 5 : i32
      %parallel_loop3A_647 = arith.shrui %parallel_loop3A_645, %parallel_loop3A_646 : i32
      %parallel_loop3A_648 = arith.constant 31 : i32
      %parallel_loop3A_649 = arith.andi %parallel_loop3A_645, %parallel_loop3A_648 : i32
      %parallel_loop3A_650 = arith.constant 4 : i32
      %parallel_loop3A_651 = arith.shli %parallel_loop3A_649, %parallel_loop3A_650 : i32
      %parallel_loop3A_652 = arith.index_cast %parallel_loop3A_647 : i32 to index
      %parallel_loop3A_653 = arith.index_cast %parallel_loop3A_651 : i32 to index
      %parallel_loop3A_654 = tpu.vector_load %arg6[%parallel_loop3A_652, %parallel_loop3A_653] {strides = array<i32>} : memref<8x512xi32, #tpu.memory_space<vmem>>, vector<16xi32>,
      %parallel_loop3A_655 = tpu.vector_load_idx %arg5[%parallel_loop3A_654] : memref<48xi32, #tpu.memory_space<vmem>>[vector<16xi32>], vector<16xi32>,
      %parallel_loop3A_656 = arith.constant 1 : i32
      %parallel_loop3A_657 = arith.addi %parallel_loop3A_647, %parallel_loop3A_656 : i32
      %parallel_loop3A_658 = arith.index_cast %parallel_loop3A_657 : i32 to index
      %parallel_loop3A_659 = arith.index_cast %parallel_loop3A_651 : i32 to index
      %parallel_loop3A_660 = tpu.vector_load %arg9[%parallel_loop3A_658, %parallel_loop3A_659] {strides = array<i32>} : memref<8x512xi32, #tpu.memory_space<vmem>>, vector<16xi32>,
      tpu.vector_store %arg9[%parallel_loop3A_658, %parallel_loop3A_659], %parallel_loop3A_655 {strides = array<i32>} : memref<8x512xi32, #tpu.memory_space<vmem>>, vector<16xi32>,
    } {sc.loop_unroll_factor = 8 : i64, sc.parallel_access}
    %dma_start3A_579 = arith.constant 0 : i32
    %dma_start3A_580 = arith.constant 0 : i32
    %dma_start3A_581 = tpu.memref_slice %arg9[%dma_start3A_579, %dma_start3A_580] : memref<8x512xi32, #tpu.memory_space<vmem>> -> memref<8x512xi32, #tpu.memory_space<vmem>>
    %dma_start3A_582 = arith.constant 96 : i32
    %dma_start3A_583 = tpu.memref_slice %arg4[%dma_start3A_582, %mul3A_2] : memref<109x16384xi32, #tpu.memory_space<hbm>> -> memref<8x512xi32, #tpu.memory_space<hbm>>
    %dma_start3A_584 = arith.constant 96 : i32
    %dma_start3A_585 = tpu.memref_slice %arg4[%dma_start3A_584, %mul3A_2] : memref<109x16384xi32, #tpu.memory_space<hbm>> -> memref<8x512xi32, #tpu.memory_space<hbm>>
    %dma_start3A_586 = arith.constant 0 : i32
    %dma_start3A_587 = arith.constant 0 : i32
    %dma_start3A_588 = tpu.memref_slice %arg9[%dma_start3A_586, %dma_start3A_587] : memref<8x512xi32, #tpu.memory_space<vmem>> -> memref<8x512xi32, #tpu.memory_space<vmem>>
    tpu.enqueue_dma source(%dma_start3A_588 : memref<8x512xi32, #tpu.memory_space<vmem>>) target(%dma_start3A_585 : memref<8x512xi32, #tpu.memory_space<hbm>>) target_semaphore(%arg14 : memref<!tpu.dma_semaphore, #tpu.memory_space<semaphore_mem>>)
    %dma_wait3A_589 = arith.constant 0 : i32
    %dma_wait3A_590 = arith.constant 0 : i32
    %dma_wait3A_591 = tpu.memref_slice %arg7[%dma_wait3A_589, %dma_wait3A_590] : memref<8x512xi32, #tpu.memory_space<vmem>> -> memref<4x512xi32, #tpu.memory_space<vmem>>
    %dma_wait3A_592 = arith.constant 104 : i32
    %dma_wait3A_593 = tpu.memref_slice %arg2[%dma_wait3A_592, %mul3A_2] : memref<108x16384xi32, #tpu.memory_space<hbm>> -> memref<4x512xi32, #tpu.memory_space<hbm>>
    %dma_wait3A_594 = arith.constant 0 : i32
    %dma_wait3A_595 = arith.constant 0 : i32
    %dma_wait3A_596 = tpu.memref_slice %arg7[%dma_wait3A_594, %dma_wait3A_595] : memref<8x512xi32, #tpu.memory_space<vmem>> -> memref<4x512xi32, #tpu.memory_space<vmem>>
    %dma_wait3A_597 = arith.constant 104 : i32
    %dma_wait3A_598 = tpu.memref_slice %arg2[%dma_wait3A_597, %mul3A_2] : memref<108x16384xi32, #tpu.memory_space<hbm>> -> memref<4x512xi32, #tpu.memory_space<hbm>>
    tpu.wait_dma2 semaphore(%arg12 : memref<!tpu.dma_semaphore, #tpu.memory_space<semaphore_mem>>) src(%dma_wait3A_598 : memref<4x512xi32, #tpu.memory_space<hbm>>) dst(%dma_wait3A_596 : memref<4x512xi32, #tpu.memory_space<vmem>>)
    %dma_wait3A_599 = arith.constant 0 : i32
    %dma_wait3A_600 = arith.constant 0 : i32
    %dma_wait3A_601 = tpu.memref_slice %arg10[%dma_wait3A_599, %dma_wait3A_600] : memref<8x512xi32, #tpu.memory_space<vmem>> -> memref<8x512xi32, #tpu.memory_space<vmem>>
    %dma_wait3A_602 = arith.constant 88 : i32
    %dma_wait3A_603 = tpu.memref_slice %arg4[%dma_wait3A_602, %mul3A_2] : memref<109x16384xi32, #tpu.memory_space<hbm>> -> memref<8x512xi32, #tpu.memory_space<hbm>>
    %dma_wait3A_604 = arith.constant 88 : i32
    %dma_wait3A_605 = tpu.memref_slice %arg4[%dma_wait3A_604, %mul3A_2] : memref<109x16384xi32, #tpu.memory_space<hbm>> -> memref<8x512xi32, #tpu.memory_space<hbm>>
    %dma_wait3A_606 = arith.constant 0 : i32
    %dma_wait3A_607 = arith.constant 0 : i32
    %dma_wait3A_608 = tpu.memref_slice %arg10[%dma_wait3A_606, %dma_wait3A_607] : memref<8x512xi32, #tpu.memory_space<vmem>> -> memref<8x512xi32, #tpu.memory_space<vmem>>
    tpu.wait_dma2 semaphore(%arg15 : memref<!tpu.dma_semaphore, #tpu.memory_space<semaphore_mem>>) src(%dma_wait3A_608 : memref<8x512xi32, #tpu.memory_space<vmem>>) dst(%dma_wait3A_605 : memref<8x512xi32, #tpu.memory_space<hbm>>)
    %parallel_loop3A_609 = arith.constant 0 : i32
    %parallel_loop3A_610 = arith.constant 32 : i32
    %parallel_loop3A_611 = arith.constant 1 : i32
    scf.for %parallel_loop3A_645 = %parallel_loop3A_609 to %parallel_loop3A_610 step %parallel_loop3A_611  : i32 {
      %parallel_loop3A_646 = arith.constant 16 : i32
      %parallel_loop3A_647 = arith.muli %parallel_loop3A_645, %parallel_loop3A_646 : i32
      %parallel_loop3A_648 = arith.constant 7 : i32
      %parallel_loop3A_649 = arith.index_cast %parallel_loop3A_648 : i32 to index
      %parallel_loop3A_650 = arith.index_cast %parallel_loop3A_647 : i32 to index
      %parallel_loop3A_651 = tpu.vector_load %arg6[%parallel_loop3A_649, %parallel_loop3A_650] {strides = array<i32>} : memref<8x512xi32, #tpu.memory_space<vmem>>, vector<16xi32>,
      %parallel_loop3A_652 = tpu.vector_load_idx %arg5[%parallel_loop3A_651] : memref<48xi32, #tpu.memory_space<vmem>>[vector<16xi32>], vector<16xi32>,
      %parallel_loop3A_653 = arith.constant 16 : i32
      %parallel_loop3A_654 = arith.muli %parallel_loop3A_645, %parallel_loop3A_653 : i32
      %parallel_loop3A_655 = arith.constant 0 : i32
      %parallel_loop3A_656 = arith.index_cast %parallel_loop3A_655 : i32 to index
      %parallel_loop3A_657 = arith.index_cast %parallel_loop3A_654 : i32 to index
      %parallel_loop3A_658 = tpu.vector_load %arg10[%parallel_loop3A_656, %parallel_loop3A_657] {strides = array<i32>} : memref<8x512xi32, #tpu.memory_space<vmem>>, vector<16xi32>,
      tpu.vector_store %arg10[%parallel_loop3A_656, %parallel_loop3A_657], %parallel_loop3A_652 {strides = array<i32>} : memref<8x512xi32, #tpu.memory_space<vmem>>, vector<16xi32>,
    } {sc.loop_unroll_factor = 8 : i64, sc.parallel_access}
    %parallel_loop3A_612 = arith.constant 0 : i32
    %parallel_loop3A_613 = arith.constant 128 : i32
    %parallel_loop3A_614 = arith.constant 1 : i32
    scf.for %parallel_loop3A_645 = %parallel_loop3A_612 to %parallel_loop3A_613 step %parallel_loop3A_614  : i32 {
      %parallel_loop3A_646 = arith.constant 5 : i32
      %parallel_loop3A_647 = arith.shrui %parallel_loop3A_645, %parallel_loop3A_646 : i32
      %parallel_loop3A_648 = arith.constant 31 : i32
      %parallel_loop3A_649 = arith.andi %parallel_loop3A_645, %parallel_loop3A_648 : i32
      %parallel_loop3A_650 = arith.constant 4 : i32
      %parallel_loop3A_651 = arith.shli %parallel_loop3A_649, %parallel_loop3A_650 : i32
      %parallel_loop3A_652 = arith.index_cast %parallel_loop3A_647 : i32 to index
      %parallel_loop3A_653 = arith.index_cast %parallel_loop3A_651 : i32 to index
      %parallel_loop3A_654 = tpu.vector_load %arg7[%parallel_loop3A_652, %parallel_loop3A_653] {strides = array<i32>} : memref<8x512xi32, #tpu.memory_space<vmem>>, vector<16xi32>,
      %parallel_loop3A_655 = tpu.vector_load_idx %arg5[%parallel_loop3A_654] : memref<48xi32, #tpu.memory_space<vmem>>[vector<16xi32>], vector<16xi32>,
      %parallel_loop3A_656 = arith.constant 1 : i32
      %parallel_loop3A_657 = arith.addi %parallel_loop3A_647, %parallel_loop3A_656 : i32
      %parallel_loop3A_658 = arith.index_cast %parallel_loop3A_657 : i32 to index
      %parallel_loop3A_659 = arith.index_cast %parallel_loop3A_651 : i32 to index
      %parallel_loop3A_660 = tpu.vector_load %arg10[%parallel_loop3A_658, %parallel_loop3A_659] {strides = array<i32>} : memref<8x512xi32, #tpu.memory_space<vmem>>, vector<16xi32>,
      tpu.vector_store %arg10[%parallel_loop3A_658, %parallel_loop3A_659], %parallel_loop3A_655 {strides = array<i32>} : memref<8x512xi32, #tpu.memory_space<vmem>>, vector<16xi32>,
    } {sc.loop_unroll_factor = 8 : i64, sc.parallel_access}
    %dma_start3A_615 = arith.constant 0 : i32
    %dma_start3A_616 = arith.constant 0 : i32
    %dma_start3A_617 = tpu.memref_slice %arg10[%dma_start3A_615, %dma_start3A_616] : memref<8x512xi32, #tpu.memory_space<vmem>> -> memref<5x512xi32, #tpu.memory_space<vmem>>
    %dma_start3A_618 = arith.constant 104 : i32
    %dma_start3A_619 = tpu.memref_slice %arg4[%dma_start3A_618, %mul3A_2] : memref<109x16384xi32, #tpu.memory_space<hbm>> -> memref<5x512xi32, #tpu.memory_space<hbm>>
    %dma_start3A_620 = arith.constant 104 : i32
    %dma_start3A_621 = tpu.memref_slice %arg4[%dma_start3A_620, %mul3A_2] : memref<109x16384xi32, #tpu.memory_space<hbm>> -> memref<5x512xi32, #tpu.memory_space<hbm>>
    %dma_start3A_622 = arith.constant 0 : i32
    %dma_start3A_623 = arith.constant 0 : i32
    %dma_start3A_624 = tpu.memref_slice %arg10[%dma_start3A_622, %dma_start3A_623] : memref<8x512xi32, #tpu.memory_space<vmem>> -> memref<5x512xi32, #tpu.memory_space<vmem>>
    tpu.enqueue_dma source(%dma_start3A_624 : memref<5x512xi32, #tpu.memory_space<vmem>>) target(%dma_start3A_621 : memref<5x512xi32, #tpu.memory_space<hbm>>) target_semaphore(%arg15 : memref<!tpu.dma_semaphore, #tpu.memory_space<semaphore_mem>>)
    %dma_wait3A_625 = arith.constant 0 : i32
    %dma_wait3A_626 = arith.constant 0 : i32
    %dma_wait3A_627 = tpu.memref_slice %arg9[%dma_wait3A_625, %dma_wait3A_626] : memref<8x512xi32, #tpu.memory_space<vmem>> -> memref<8x512xi32, #tpu.memory_space<vmem>>
    %dma_wait3A_628 = arith.constant 96 : i32
    %dma_wait3A_629 = tpu.memref_slice %arg4[%dma_wait3A_628, %mul3A_2] : memref<109x16384xi32, #tpu.memory_space<hbm>> -> memref<8x512xi32, #tpu.memory_space<hbm>>
    %dma_wait3A_630 = arith.constant 96 : i32
    %dma_wait3A_631 = tpu.memref_slice %arg4[%dma_wait3A_630, %mul3A_2] : memref<109x16384xi32, #tpu.memory_space<hbm>> -> memref<8x512xi32, #tpu.memory_space<hbm>>
    %dma_wait3A_632 = arith.constant 0 : i32
    %dma_wait3A_633 = arith.constant 0 : i32
    %dma_wait3A_634 = tpu.memref_slice %arg9[%dma_wait3A_632, %dma_wait3A_633] : memref<8x512xi32, #tpu.memory_space<vmem>> -> memref<8x512xi32, #tpu.memory_space<vmem>>
    tpu.wait_dma2 semaphore(%arg14 : memref<!tpu.dma_semaphore, #tpu.memory_space<semaphore_mem>>) src(%dma_wait3A_634 : memref<8x512xi32, #tpu.memory_space<vmem>>) dst(%dma_wait3A_631 : memref<8x512xi32, #tpu.memory_space<hbm>>)
    %dma_wait3A_635 = arith.constant 0 : i32
    %dma_wait3A_636 = arith.constant 0 : i32
    %dma_wait3A_637 = tpu.memref_slice %arg10[%dma_wait3A_635, %dma_wait3A_636] : memref<8x512xi32, #tpu.memory_space<vmem>> -> memref<5x512xi32, #tpu.memory_space<vmem>>
    %dma_wait3A_638 = arith.constant 104 : i32
    %dma_wait3A_639 = tpu.memref_slice %arg4[%dma_wait3A_638, %mul3A_2] : memref<109x16384xi32, #tpu.memory_space<hbm>> -> memref<5x512xi32, #tpu.memory_space<hbm>>
    %dma_wait3A_640 = arith.constant 104 : i32
    %dma_wait3A_641 = tpu.memref_slice %arg4[%dma_wait3A_640, %mul3A_2] : memref<109x16384xi32, #tpu.memory_space<hbm>> -> memref<5x512xi32, #tpu.memory_space<hbm>>
    %dma_wait3A_642 = arith.constant 0 : i32
    %dma_wait3A_643 = arith.constant 0 : i32
    %dma_wait3A_644 = tpu.memref_slice %arg10[%dma_wait3A_642, %dma_wait3A_643] : memref<8x512xi32, #tpu.memory_space<vmem>> -> memref<5x512xi32, #tpu.memory_space<vmem>>
    tpu.wait_dma2 semaphore(%arg15 : memref<!tpu.dma_semaphore, #tpu.memory_space<semaphore_mem>>) src(%dma_wait3A_644 : memref<5x512xi32, #tpu.memory_space<vmem>>) dst(%dma_wait3A_641 : memref<5x512xi32, #tpu.memory_space<hbm>>)
    return
  }
}

</mosaic_0001>

<sc_bundles>
// kernel: kernel.3.cloned.1.call-start
scs
__scs_entry_jumppad:
0x0: {  	(pc) =	sbr.rel $0x88, $3  }
0x1: {  	(tag) =	ssettag $0x0;
	lr =	simm.s32 $0x1  }
0x2: {  	[smem:$0x3F9F] =	sst lr;
	_ =	strace $0xD0000000  }
0x3: {  	_ = 	snop  }
0x4: {  	_ = 	snop  }
0x5: {  	_ = 	snop  }
0x6: {  	_ = 	snop  }
0x7: {  	_ = 	snop  }
__scs_overlays_trampoline_lowered:
0x8: {  	[smem:$0x3FAE] =	sst s0  }
0x9: {  	[smem:$0x3FAF] =	sst s1  }
0xa: {  	[smem:$0x3FB0] =	sst s2  }
0xb: {  	[smem:$0x3FB1] =	sst s3  }
0xc: {  	[smem:$0x3FB2] =	sst s4  }
0xd: {  	[smem:$0x3FB3] =	sst s5  }
0xe: {  	[smem:$0x3FB4] =	sst s6  }
0xf: {  	[smem:$0x3FB5] =	sst s7  }
0x10: {  	[smem:$0x3FB6] =	sst s8  }
0x11: {  	[smem:$0x3FB7] =	sst s9;
	s0 =	simm.s32 @!p0 $0x0  }
0x12: {  	s1 =	sld [smem:$0x3F9D];
	s0 =	simm.s32 @p0 $0x1  }
0x13: {  	[smem:$0x3FB8] =	sst s0;
	s0 =	simm.s32 @!p1 $0x0  }
0x14: {  	s2 =	sld [smem:$0x3F9C];
	s0 =	simm.s32 @p1 $0x1  }
0x15: {  	[smem:$0x3FB9] =	sst s0;
	s0 =	simm.s32 @!p2 $0x0  }
0x16: {  	s3 =	sld [smem:$0x3FDB];
	s0 =	simm.s32 @p2 $0x1  }
0x17: {  	s4 =	simm.s32 $0x1BF5;
	[smem:$0x3FBB] =	sst s0  }
0x18: {  	s0 =	sld [smem:$0x3F9E];
	_ =	swait.ge [sflag:s4], $0x0  }
0x19: {  	s7 =	sld [smem:$0x3F9F]  }
0x1a: {  	s8 =	sadd.s32 $0xFFFFE003, lr  }
0x1b: {  	s9 =	sadd.s32 $0xFFFFFEF7, lr;
	s5 =	simm.s32 $0xFFFFFFFF;
	p2 =	slt.u32 s8, $0xFFFFF086  }
0x1c: {  	p1 =	slt.u32 s9, $0xF7A;
	s5 =	simm.s32 @!p2 $0x0  }
0x1d: {  	s5 =	simm.s32 @p1 $0x1;
	p0 =	seq.s32 s7, s2  }
0x1e: {  	s7 =	smul.u32 @!p0 $0xF7A, s2;
	p2 =	seq.s32 @!p0 s5, $0x0  }
0x1f: {  	s9 =	smul.u32 $0xF7A, s1;
	s8 =	simm.s32 @!p0 $0x1BF5;
	p2 =	por !p2, p0  }
0x20: {  	[sflag:s8] =	ssyncset.s32 @!p0 $0xFFFFF086;
	s6 =	sadd.s32 @!p0 s3, s7;
	s7 =	simm.s32 @!p0 $0x108  }
0x21: {  	s3 =	sadd.s32 s3, s9;
	s6 =	sadd.s32 @!p0 $0x88, s6;
	s7 =	simm.s32 @p2 $0x1082  }
0x22: {  	[simem:s7], [sflag:s8] =	dma.local @!p0 [hbm:s6], $0xF7A  }
0x23: {  	s9 =	sor.u32 $0xD0000000, s2;
	s6 =	simm.s32 $0x108;
	_ =	swait.ge @!p0 [sflag:s8], $0x0  }
0x24: {  	s3 =	sadd.s32 $0x88, s3;
	s6 =	simm.s32 @!p1 $0x1082;
	[sflag:s4] =	ssyncset.s32 $0xFFFFF086  }
0x25: {  	[simem:s6], [sflag:s4] =	dma.local [hbm:s3], $0xF7A  }
0x26: {  	[smem:$0x3F9F] =	sst s1;
	(tag) =	ssettag s2;
	_ =	strace s9  }
0x27: {  	s1 =	sld [smem:$0x3FAF]  }
0x28: {  	s2 =	sld [smem:$0x3FB0]  }
0x29: {  	s4 =	sld [smem:$0x3FB2]  }
0x2a: {  	p0 =	seq.s32 s5, $0x0;
	s5 =	sld [smem:$0x3FB3]  }
0x2b: {  	s6 =	sld [smem:$0x3FB4]  }
0x2c: {  	s7 =	sld [smem:$0x3FB5]  }
0x2d: {  	s3 =	simm.s32 $0x108;
	s8 =	sld [smem:$0x3FB6]  }
0x2e: {  	s3 =	simm.s32 @!p0 $0x1082;
	s9 =	sld [smem:$0x3FB7]  }
0x2f: {  	lr =	sadd.s32 s0, s3;
	s0 =	sld [smem:$0x3FAE]  }
0x30: {  	s3 =	sld [smem:$0x3FB1]  }
0x31: {  	[smem:$0x3FBA] =	sst s10  }
0x32: {  	s10 =	sld [smem:$0x3FB8];
	_ =	sdelay $0x3  }
0x33: {  	p0 =	seq.s32 s10, $0x1;
	s10 =	sld [smem:$0x3FBA];
	_ =	sdelay $0x3  }
0x34: {  	[smem:$0x3FBA] =	sst s10  }
0x35: {  	s10 =	sld [smem:$0x3FB9];
	_ =	sdelay $0x3  }
0x36: {  	p1 =	seq.s32 s10, $0x1;
	s10 =	sld [smem:$0x3FBA];
	_ =	sdelay $0x3  }
0x37: {  	[smem:$0x3FBA] =	sst s10  }
0x38: {  	s10 =	sld [smem:$0x3FBB]  }
0x39: {  	_ = 	snop;
	(pc) =	sbr.ind lr, $3  }
0x3a: {  	_ = 	snop  }
0x3b: {  	_ = 	snop  }
0x3c: {  	p2 =	seq.s32 s10, $0x1;
	s10 =	sld [smem:$0x3FBA]  }
0x3d: {  	_ =	shalt  }
0x3e: {  	_ =	shalt  }
0x3f: {  	_ =	shalt  }
0x40: {  	_ =	shalt  }
0x41: {  	_ =	shalt  }
0x42: {  	_ =	shalt  }
0x43: {  	_ =	shalt  }
0x44: {  	_ =	shalt  }
0x45: {  	_ =	shalt  }
0x46: {  	_ =	shalt  }
0x47: {  	_ =	shalt  }
0x48: {  	_ =	shalt  }
0x49: {  	_ =	shalt  }
0x4a: {  	_ =	shalt  }
0x4b: {  	_ =	shalt  }
0x4c: {  	_ =	shalt  }
0x4d: {  	_ =	shalt  }
0x4e: {  	_ =	shalt  }
0x4f: {  	_ =	shalt  }
0x50: {  	_ =	shalt  }
0x51: {  	_ =	shalt  }
0x52: {  	_ =	shalt  }
0x53: {  	_ =	shalt  }
0x54: {  	_ =	shalt  }
0x55: {  	_ =	shalt  }
0x56: {  	_ =	shalt  }
0x57: {  	_ =	shalt  }
0x58: {  	_ =	shalt  }
0x59: {  	_ =	shalt  }
0x5a: {  	_ =	shalt  }
0x5b: {  	_ =	shalt  }
0x5c: {  	_ =	shalt  }
0x5d: {  	_ =	shalt  }
0x5e: {  	_ =	shalt  }
0x5f: {  	_ =	shalt  }
0x60: {  	_ =	shalt  }
0x61: {  	_ =	shalt  }
0x62: {  	_ =	shalt  }
0x63: {  	_ =	shalt  }
0x64: {  	_ =	shalt  }
0x65: {  	_ =	shalt  }
0x66: {  	_ =	shalt  }
0x67: {  	_ =	shalt  }
0x68: {  	_ =	shalt  }
0x69: {  	_ =	shalt  }
0x6a: {  	_ =	shalt  }
0x6b: {  	_ =	shalt  }
0x6c: {  	_ =	shalt  }
0x6d: {  	_ =	shalt  }
0x6e: {  	_ =	shalt  }
0x6f: {  	_ =	shalt  }
0x70: {  	_ =	shalt  }
0x71: {  	_ =	shalt  }
0x72: {  	_ =	shalt  }
0x73: {  	_ =	shalt  }
0x74: {  	_ =	shalt  }
0x75: {  	_ =	shalt  }
0x76: {  	_ =	shalt  }
0x77: {  	_ =	shalt  }
0x78: {  	_ =	shalt  }
0x79: {  	_ =	shalt  }
0x7a: {  	_ =	shalt  }
0x7b: {  	_ =	shalt  }
0x7c: {  	_ =	shalt  }
0x7d: {  	_ =	shalt  }
0x7e: {  	_ =	shalt  }
0x7f: {  	_ =	shalt  }
0x80: {  	_ =	shalt  }
0x81: {  	_ =	shalt  }
0x82: {  	_ =	shalt  }
0x83: {  	_ =	shalt  }
0x84: {  	_ =	shalt  }
0x85: {  	_ =	shalt  }
0x86: {  	_ =	shalt  }
0x87: {  	_ =	shalt  }
.Lfunc_end0:
.L_simem_size_0:
called_computation_lowered:
.L_overlay_start_0:
0x88: {  	s2 =	sld [smem:$0x3FD9]  }
0x89: {  	s3 =	sld [smem:$0x3FFE];
	_ =	sdelay $0x1  }
0x8a: {  	s1 =	srdreg.scid  }
0x8b: {  	s0 =	sand.u32 $0x1, s1  }
0x8c: {  	s17 =	sshll.u32 s0, $0xA;
	s2 =	sadd.s32 s3, s2  }
0x8d: {  	s2 =	sadd.s32 s2, s17  }
0x8e: {  	[smem:$0x3FC6] =	sst s2  }
0x8f: {  	_ = 	snop  }
0x90: {  	s2 =	sld [smem:$0x3FC9]  }
0x91: {  	s18 =	sld [smem:$0x3FD0];
	(tm) =	ssettm $0x1  }
0x92: {  	s4 =	sld [smem:$0x3FFB];
	_ =	sdelay $0x3  }
0x93: {  	_ =	strace s4  }
0x94: {  	s4 =	sld [smem:$0x3FFC];
	_ =	sdelay $0x3  }
0x95: {  	_ =	strace s4  }
0x96: {  	s4 =	sld [smem:$0x3FFD];
	_ =	sdelay $0x3  }
0x97: {  	_ =	strace s4  }
0x98: {  	_ =	strace $0x8FFFFFFF  }
0x99: {  	s19 =	sld [smem:$0x3FDB];
	_ =	sdelay $0x1  }
0x9a: {  	s5 =	simm.s32 $_scs_section_size  }
0x9b: {  	s6 =	simm.s32 $_size__tile_overlayer_lowered;
	s7 =	simm.s32 $_tile_overlayer_lowered  }
0x9c: {  	s22 =	simm.s32 $0x1BFF;
	s21 =	sshll.u32 s7, $0x1;
	s4 =	sadd.s32 s5, s19  }
0x9d: {  	s8 =	simm.s32 $0x0;
	s20 =	sshll.u32 s6, $0x1;
	s6 =	sadd.s32 s21, s4  }
0x9e: {  	[timem:s8], [sflag:s22] =	dma.local [hbm:s6], s20  }
0x9f: {  	_ =	swait.ge [sflag:s22], s20  }
0xa0: {  	s5 =	ssub.s32 $0x0, s20;
	[sflag:s22] =	ssyncset.done $0x0  }
0xa1: {  	[sflag:s22] =	ssyncadd.s32 s5;
	_ =	sdelay $0x1  }
0xa2: {  	s23 =	simm.s32 $0x1B8B  }
0xa3: {  	_ =	swait.ge [sflag:s23], $0x1  }
0xa4: {  	[sflag:s23] =	ssyncset.done $0x0  }
0xa5: {  	s25 =	simm.s32 $0x1B8E;
	s24 =	sld [smem:$0x3FFE];
	[sflag:s23] =	ssyncadd.s32 $0xFFFFFFFF  }
0xa6: {  	s26 =	simm.s32 $execute0_lowered;
	[smem:$0x3FD2] =	sst s25  }
0xa7: {  	s6 =	sshll.u32 s26, $0x1;
	_ =	strace $0x80000046;
	[dreg:$0x1] =	wrdreg $0xFFFFFFFF  }
0xa8: {  	s28 =	simm.s32 $_size_execute0_lowered;
	s4 =	sadd.s32 s4, s6;
	[dreg:$0x0] =	wrdreg $0x0  }
0xa9: {  	s6 =	sshll.u32 s28, $0x1;
	[dreg:$0x2] =	wrdreg s4  }
0xaa: {  	[dreg:$0x3] =	wrdreg s6  }
0xab: {  	[dreg:$0x4] =	wrdreg $0xC0  }
0xac: {  	_ =	task [dreg:s8], $0x5FFFF  }
0xad: {  	[dreg:$0x1] =	wrdreg $0xFFFFFFFF  }
0xae: {  	[dreg:$0x0] =	wrdreg $0x60  }
0xaf: {  	[dreg:$0x2] =	wrdreg s2  }
0xb0: {  	[dreg:$0x3] =	wrdreg s24  }
0xb1: {  	[dreg:$0x4] =	wrdreg s18  }
0xb2: {  	[dreg:$0x5] =	wrdreg $0x9  }
0xb3: {  	_ =	task.clear_ibuf [dreg:s8], $0x6FFFF;
	_ =	strace $0x90000046  }
0xb4: {  	s29 =	simm.s32 $0x9;
	_ =	strace $0x80000048  }
0xb5: {  	_ =	swait.ge [sflag:s29], $0x1  }
0xb6: {  	[sflag:s29] =	ssyncadd.s32 $0xFFFFFFFF  }
0xb7: {  	_ =	strace $0x90000048  }
0xb8: {  	_ =	sfence  }
0xb9: {  	s30 =	sld [smem:$0x0];
	_ =	sdelay $0x2  }
0xba: {  	s31 =	sshll.u32 s1, $0xD;
	s1 =	sshrl.u32 s1, $0x2  }
0xbb: {  	s3 =	sand.u32 $0x4000, s31;
	s1 =	sadd.s32 s1, s30  }
0xbc: {  	s0 =	sor.u32 s3, s0;
	s1 =	sshll.u32 s1, $0x11  }
0xbd: {  	s0 =	sor.u32 s1, s0  }
0xbe: {  	s0 =	sadd.s32 $0x8F2B, s0  }
0xbf: {  	[sflag:s0] =	ssyncadd.remote.s32 $0x1  }
0xc0: {  	_ =	sfence.sel $0xFFFF  }
0xc1: {  	[dreg:$0x0] =	wrdreg $0xFFFFFFFF;
	(pc) =	sbr.abs _section_cstart, $3  }
0xc2: {  	[dreg:$0x1] =	wrdreg $0xFFFFFFFF  }
0xc3: {  	_ =	task.clear_ibuf [dreg:s8], $0x2FFFF;
	_ =	strace $0x9FFFFFFF  }
0xc4: {  	(tm) =	ssettm $0x7FFFFFFF  }
0xc5: {  	_ =	shalt  }
tec
execute0_lowered:
.L_overlay_start_1:
0x0: {  	(tag) =	ssettag $0x1  }
0x1: {  	s1 =	srdreg.scid  }
0x2: {  	s0 =	rddreg [dreg:$0x0];
	s4 =	stileid.u32;
	s1 =	sand.u32 $0x1, s1  }
0x3: {  	s2 =	rddreg [dreg:$0x2];
	s4 =	sshll.u32 s4, $0xA;
	s5 =	sshll.u32 s1, $0x9  }
0x4: {  	s3 =	ssub.s32 $0x2, s1;
	s1 =	simm.s32 $0x0;
	s4 =	sor.u32 s5, s4  }
0x5: {  	s6 =	sshrl.u32 s3, $0x1;
	[smem:$0x7FF] =	sst s1;
	s5 =	sor.u32 $0x4000, s4  }
0x6: {  	s3 =	ssub.s32 s3, s6;
	s19 =	sor.u32 $0x8000, s4;
	s18 =	sadd.s32 s0, s5  }
0x7: {  	s7 =	sor.u32 $0xC000, s4;
	s8 =	sadd.s32 s0, s19;
	[dreg:$0x4] =	wrdreg s18  }
0x8: {  	s21 =	sor.u32 $0x10000, s4;
	s20 =	sadd.s32 s0, s7;
	[dreg:$0x5] =	wrdreg s8  }
0x9: {  	s23 =	sor.u32 $0x14000, s4;
	s5 =	sadd.s32 s2, s5;
	[dreg:$0x6] =	wrdreg s20  }
0xa: {  	s25 =	sor.u32 $0x18000, s4;
	s22 =	sadd.s32 s0, s21;
	[dreg:$0x7] =	wrdreg s5  }
0xb: {  	s9 =	sor.u32 $0x1C000, s4;
	s6 =	sadd.s32 s2, s19;
	[dreg:$0x8] =	wrdreg s22  }
0xc: {  	s11 =	sor.u32 $0x20000, s4;
	s24 =	sadd.s32 s0, s23;
	[dreg:$0x9] =	wrdreg s6  }
0xd: {  	s13 =	sor.u32 $0x24000, s4;
	s7 =	sadd.s32 s2, s7;
	[dreg:$0xa] =	wrdreg s24  }
0xe: {  	s15 =	sor.u32 $0x28000, s4;
	s26 =	sadd.s32 s0, s25;
	[dreg:$0xb] =	wrdreg s7  }
0xf: {  	s10 =	sadd.s32 s0, s9;
	s12 =	sadd.s32 s0, s11;
	[dreg:$0xc] =	wrdreg s26  }
0x10: {  	s14 =	sadd.s32 s0, s13;
	s16 =	sadd.s32 s0, s15;
	[dreg:$0xe] =	wrdreg s10  }
0x11: {  	s17 =	sadd.s32 s2, s11;
	s19 =	sor.u32 $0x30000, s4;
	[dreg:$0x10] =	wrdreg s12  }
0x12: {  	s11 =	simm.s32 $0x4;
	s8 =	sadd.s32 s2, s21;
	[dreg:$0x12] =	wrdreg s14  }
0x13: {  	s5 =	sadd.s32 s2, s23;
	s6 =	sadd.s32 s2, s25;
	[dreg:$0x14] =	wrdreg s16  }
0x14: {  	s7 =	sadd.s32 s2, s9;
	[dreg:$0x15] =	wrdreg s17;
	s20 =	sadd.s32 s2, s13  }
0x15: {  	s21 =	sadd.s32 s2, s15;
	s22 =	sadd.s32 s0, s4;
	s23 =	sadd.s32 s2, s4  }
0x16: {  	s18 =	sor.u32 $0x2C000, s4;
	s4 =	sor.u32 $0x34000, s4;
	s25 =	rddreg [dreg:$0x1]  }
0x17: {  	s26 =	sadd.s32 s0, s19;
	s30 =	sadd.s32 s2, s19;
	[dreg:$0xd] =	wrdreg s8  }
0x18: {  	s9 =	simm.s32 $0x4080;
	s10 =	simm.s32 $0x3;
	[dreg:$0xf] =	wrdreg s5  }
0x19: {  	s12 =	simm.s32 $0x5;
	s13 =	simm.s32 $0x0;
	[dreg:$0x11] =	wrdreg s6  }
0x1a: {  	[dreg:$0x13] =	wrdreg s7;
	s24 =	sadd.s32 s0, s18;
	s28 =	sadd.s32 s0, s4  }
0x1b: {  	s29 =	sadd.s32 s2, s18;
	s31 =	sadd.s32 s2, s4;
	s25 =	sadd.s32 $0x400, s25  }
0x1c: {  	s0 =	smax.u32 s3, $0x1;
	s2 =	simm.s32 $0x80;
	s3 =	simm.s32 $0x1080  }
0x1d: {  	s4 =	simm.s32 $0x6;
	s5 =	simm.s32 $0x1;
	s6 =	simm.s32 $0x2080  }
0x1e: {  	v0 =	vimm.s32 $0x0;
	s7 =	simm.s32 $0x3080;
	s8 =	simm.s32 $0x2;
	_ =	strace $0x80000047  }
.LBB2_1:
0x1f: {  	[tilespmem:s2], [sflag:$0x1] =	stream.linear.gather [hbm4b:s22+s1], $0x1000, $0x38;
	[tilespmem:$0x5080] =	vst v63  }
0x20: {  	s14 =	rddreg [dreg:$0x4]  }
0x21: {  	[tilespmem:s3], [sflag:$0x2] =	stream.linear.gather [hbm4b:s14+s1], $0x1000, $0x38;
	[tilespmem:$0x5080] =	vst v63  }
0x22: {  	_ = 	snop  }
0x23: {  	[tilespmem:s1], [sflag:$0x6] =	stream.linear.gather [hbm4b:s25+s1], $0x80, $0x38;
	[tilespmem:$0x5080] =	vst v63  }
0x24: {  	_ =	swait.ge [sflag:s4], $0x80  }
0x25: {  	[sflag:s4] =	ssyncset.done $0x0  }
0x26: {  	[sflag:s4] =	ssyncadd.s32 $0xFFFFFF80  }
0x27: {  	_ =	swait.ge [sflag:s5], $0x1000  }
0x28: {  	[sflag:s5] =	ssyncset.done $0x0  }
0x29: {  	s16 =	simm.s32 $0x30C0;
	[sflag:s5] =	ssyncadd.s32 $0xFFFFF000  }
0x2a: {  	[tilespmem:s16+$0xFFFFFFC0] =	vst v0  }
0x2b: {  	[tilespmem:s16+$0x30] =	vst v0  }
0x2c: {  	[tilespmem:s16+$0x20] =	vst v0  }
0x2d: {  	[tilespmem:s16+$0x10] =	vst v0  }
0x2e: {  	[tilespmem:s16+$0x0] =	vst v0  }
0x2f: {  	[tilespmem:s16+$0xFFFFFFF0] =	vst v0  }
0x30: {  	s14 =	simm.s32 $0x0;
	[tilespmem:s16+$0xFFFFFFE0] =	vst v0  }
.LBB2_2:
0x31: {  	s14 =	sadd.s32 $0x8, s14;
	[tilespmem:s16+$0xFFFFFFD0] =	vst v0;
	s16 =	sadd.s32 $0x400, s16  }
0x32: {  	[tilespmem:s16+$0xFFFFFFC0] =	vst v0;
	p0 =	slt.u32 s14, $0x18  }
0x33: {  	[tilespmem:s16+$0x30] =	vst v0  }
.Ltmp0:
0x34: {  	[tilespmem:s16+$0x20] =	vst v0;
	(pc) =	sbr.rel @p0 .LBB2_2-.Ltmp0, $4  }
0x35: {  	[tilespmem:s16+$0x10] =	vst v0  }
0x36: {  	[tilespmem:s16+$0x0] =	vst v0  }
0x37: {  	[tilespmem:s16+$0xFFFFFFF0] =	vst v0  }
0x38: {  	[tilespmem:s16+$0xFFFFFFE0] =	vst v0  }
0x39: {  	s14 =	simm.s32 $0x0;
	s17 =	simm.s32 $0x0  }
0x3a: {  	s15 =	sand.u32 $0xC00, s14;
	s17 =	sand.u32 $0x3FFFFF80, s17  }
0x3b: {  	[tilespmem:s16+$0xFFFFFFD0] =	vst v0;
	s18 =	sadd.s32 s15, s17  }
0x3c: {  	v4 =	vld [tilespmem:s18+$0xF0]  }
0x3d: {  	v7 =	vld [tilespmem:s18+$0x80]  }
0x3e: {  	v8 =	vld [tilespmem:s18+$0x90]  }
0x3f: {  	v9 =	vld [tilespmem:s18+$0xA0]  }
0x40: {  	v5 =	vld [tilespmem:s18+$0xB0]  }
0x41: {  	v3 =	vld [tilespmem:s18+$0xC0]  }
0x42: {  	v2 =	vld [tilespmem:s18+$0xD0]  }
0x43: {  	v1 =	vld [tilespmem:s18+$0xE0]  }
0x44: {  	v6 =	vld.idx.msk [tilespmem:v4+s1+$0x0], $0xffff  }
0x45: {  	v4 =	vld.idx.msk [tilespmem:v7+s1+$0x0], $0xffff  }
0x46: {  	s19 =	simm.s32 $0x200;
	s18 =	simm.s32 $0x80;
	v7 =	vld.idx.msk [tilespmem:v8+s1+$0x0], $0xffff  }
0x47: {  	s16 =	simm.s32 $0x0;
	s17 =	sand.u32 $0x1000, s19;
	s18 =	sand.u32 $0x380, s18;
	v8 =	vld.idx.msk [tilespmem:v9+s1+$0x0], $0xffff  }
.LBB2_4:
0x48: {  	s16 =	sadd.s32 $0x8, s16;
	s17 =	sor.u32 s18, s17;
	v5 =	vld.idx.msk [tilespmem:v5+s1+$0x0], $0xffff  }
0x49: {  	s14 =	sadd.s32 $0x400, s14;
	s18 =	sshll.u32 s16, $0x2;
	s17 =	sor.u32 s15, s17;
	v3 =	vld.idx.msk [tilespmem:v3+s1+$0x0], $0xffff  }
0x4a: {  	s15 =	sand.u32 $0xC00, s14;
	p0 =	slt.u32 s16, $0xD8;
	s18 =	sand.u32 $0x3FFFFF80, s18;
	v2 =	vld.idx.msk [tilespmem:v2+s1+$0x0], $0xffff;
	[tilespmem:s17+$0x30F0] =	vst v6  }
0x4b: {  	s18 =	sadd.s32 s15, s18;
	[tilespmem:s17+$0x3080] =	vst v4;
	v1 =	vld.idx.msk [tilespmem:v1+s1+$0x0], $0xffff  }
0x4c: {  	v4 =	vld [tilespmem:s18+$0xF0];
	[tilespmem:s17+$0x3090] =	vst v7  }
0x4d: {  	v7 =	vld [tilespmem:s18+$0x80];
	[tilespmem:s17+$0x30A0] =	vst v8  }
0x4e: {  	v8 =	vld [tilespmem:s18+$0x90];
	[tilespmem:s17+$0x30B0] =	vst v5  }
0x4f: {  	v9 =	vld [tilespmem:s18+$0xA0];
	[tilespmem:s17+$0x30C0] =	vst v3  }
0x50: {  	v5 =	vld [tilespmem:s18+$0xB0];
	[tilespmem:s17+$0x30D0] =	vst v2  }
0x51: {  	v3 =	vld [tilespmem:s18+$0xC0];
	[tilespmem:s17+$0x30E0] =	vst v1  }
0x52: {  	v2 =	vld [tilespmem:s18+$0xD0]  }
.Ltmp1:
0x53: {  	v1 =	vld [tilespmem:s18+$0xE0];
	(pc) =	sbr.rel @p0 .LBB2_4-.Ltmp1, $4  }
0x54: {  	s17 =	sshrl.u32 s16, $0x5;
	v6 =	vld.idx.msk [tilespmem:v4+s1+$0x0], $0xffff  }
0x55: {  	s17 =	sadd.s32 $0x1, s17;
	v4 =	vld.idx.msk [tilespmem:v7+s1+$0x0], $0xffff  }
0x56: {  	s18 =	sshll.u32 s17, $0x9;
	s19 =	sshll.u32 s17, $0x7;
	v7 =	vld.idx.msk [tilespmem:v8+s1+$0x0], $0xffff  }
0x57: {  	s17 =	sand.u32 $0x1000, s18;
	s18 =	sand.u32 $0x380, s19;
	v8 =	vld.idx.msk [tilespmem:v9+s1+$0x0], $0xffff  }
0x58: {  	_ =	sdelay $0x2  }
0x59: {  	s14 =	sor.u32 s18, s17  }
0x5a: {  	v5 =	vld.idx.msk [tilespmem:v5+s1+$0x0], $0xffff;
	s14 =	sor.u32 s15, s14  }
0x5b: {  	v3 =	vld.idx.msk [tilespmem:v3+s1+$0x0], $0xffff;
	[tilespmem:s14+$0x30F0] =	vst v6  }
0x5c: {  	v2 =	vld.idx.msk [tilespmem:v2+s1+$0x0], $0xffff;
	[tilespmem:s14+$0x3080] =	vst v4  }
0x5d: {  	v1 =	vld.idx.msk [tilespmem:v1+s1+$0x0], $0xffff;
	[tilespmem:s14+$0x3090] =	vst v7  }
0x5e: {  	[tilespmem:s14+$0x30A0] =	vst v8  }
0x5f: {  	[tilespmem:s14+$0x30B0] =	vst v5  }
0x60: {  	[tilespmem:s14+$0x30C0] =	vst v3  }
0x61: {  	[tilespmem:s14+$0x30D0] =	vst v2  }
0x62: {  	[tilespmem:s14+$0x30E0] =	vst v1  }
0x63: {  	s14 =	rddreg [dreg:$0x5]  }
0x64: {  	[tilespmem:s6], [sflag:$0x3] =	stream.linear.gather [hbm4b:s14+s1], $0x1000, $0x38;
	[tilespmem:$0x5080] =	vst v63  }
0x65: {  	_ = 	snop  }
0x66: {  	[hbm4b:s23+s1] =	stream.linear.scatter [tilespmem:s7], [sflag:$0x4], $0x1000, $0x38;
	[tilespmem:$0x5080] =	vst v63  }
0x67: {  	_ =	swait.ge [sflag:s8], $0x1000  }
0x68: {  	[sflag:s8] =	ssyncset.done $0x0  }
0x69: {  	s19 =	simm.s32 $0x470;
	[sflag:s8] =	ssyncadd.s32 $0xFFFFF000  }
0x6a: {  	v1 =	vld [tilespmem:s19+$0x0]  }
0x6b: {  	v2 =	vld [tilespmem:s19+$0xFFFFFFA0]  }
0x6c: {  	v3 =	vld [tilespmem:s19+$0xFFFFFFB0]  }
0x6d: {  	v4 =	vld [tilespmem:s19+$0xFFFFFFC0]  }
0x6e: {  	v7 =	vld [tilespmem:s19+$0xFFFFFFD0]  }
0x6f: {  	v8 =	vld [tilespmem:s19+$0xFFFFFFE0]  }
0x70: {  	v9 =	vld [tilespmem:s19+$0xFFFFFFF0]  }
0x71: {  	s14 =	simm.s32 $0x0;
	v10 =	vld [tilespmem:s19+$0xFFFFFF90]  }
0x72: {  	v11 =	vld.idx.msk [tilespmem:v1+s14+$0x0], $0xffff  }
0x73: {  	v12 =	vld.idx.msk [tilespmem:v2+s14+$0x0], $0xffff  }
0x74: {  	v6 =	vld.idx.msk [tilespmem:v3+s14+$0x0], $0xffff  }
0x75: {  	v5 =	vld.idx.msk [tilespmem:v4+s14+$0x0], $0xffff  }
0x76: {  	v3 =	vld.idx.msk [tilespmem:v7+s14+$0x0], $0xffff  }
0x77: {  	s16 =	simm.s32 $0x40C0;
	v4 =	vld.idx.msk [tilespmem:v8+s14+$0x0], $0xffff  }
0x78: {  	v1 =	vld.idx.msk [tilespmem:v9+s14+$0x0], $0xffff;
	[tilespmem:s16+$0x30] =	vst v11  }
0x79: {  	s17 =	simm.s32 $0x870;
	s15 =	simm.s32 $0x0;
	v2 =	vld.idx.msk [tilespmem:v10+s14+$0x0], $0xffff;
	[tilespmem:s16+$0xFFFFFFD0] =	vst v12  }
.LBB2_6:
0x7a: {  	v7 =	vld [tilespmem:s17+$0x0];
	s15 =	sadd.s32 $0x8, s15;
	[tilespmem:s16+$0xFFFFFFE0] =	vst v6  }
0x7b: {  	v6 =	vld [tilespmem:s17+$0xFFFFFFA0];
	p0 =	slt.u32 s15, $0x18;
	[tilespmem:s16+$0xFFFFFFF0] =	vst v5  }
0x7c: {  	v5 =	vld [tilespmem:s17+$0xFFFFFFB0];
	[tilespmem:s16+$0x0] =	vst v3  }
0x7d: {  	v3 =	vld [tilespmem:s17+$0xFFFFFFC0];
	[tilespmem:s16+$0x10] =	vst v4  }
0x7e: {  	v4 =	vld [tilespmem:s17+$0xFFFFFFD0];
	[tilespmem:s16+$0x20] =	vst v1  }
0x7f: {  	v1 =	vld [tilespmem:s17+$0xFFFFFFE0];
	[tilespmem:s16+$0xFFFFFFC0] =	vst v2  }
0x80: {  	v2 =	vld [tilespmem:s17+$0xFFFFFFF0]  }
0x81: {  	v8 =	vld [tilespmem:s17+$0xFFFFFF90]  }
0x82: {  	v7 =	vld.idx.msk [tilespmem:v7+s14+$0x0], $0xffff  }
0x83: {  	v9 =	vld.idx.msk [tilespmem:v6+s14+$0x0], $0xffff  }
0x84: {  	v6 =	vld.idx.msk [tilespmem:v5+s14+$0x0], $0xffff  }
.Ltmp2:
0x85: {  	v5 =	vld.idx.msk [tilespmem:v3+s14+$0x0], $0xffff;
	(pc) =	sbr.rel @p0 .LBB2_6-.Ltmp2, $4  }
0x86: {  	v3 =	vld.idx.msk [tilespmem:v4+s14+$0x0], $0xffff  }
0x87: {  	s16 =	sadd.s32 $0x400, s16;
	v4 =	vld.idx.msk [tilespmem:v1+s14+$0x0], $0xffff  }
0x88: {  	v1 =	vld.idx.msk [tilespmem:v2+s14+$0x0], $0xffff;
	[tilespmem:s16+$0x30] =	vst v7  }
0x89: {  	s17 =	sadd.s32 $0x400, s17;
	v2 =	vld.idx.msk [tilespmem:v8+s14+$0x0], $0xffff;
	[tilespmem:s16+$0xFFFFFFD0] =	vst v9  }
0x8a: {  	[tilespmem:s16+$0xFFFFFFE0] =	vst v6  }
0x8b: {  	[tilespmem:s16+$0xFFFFFFF0] =	vst v5  }
0x8c: {  	[tilespmem:s16+$0x0] =	vst v3  }
0x8d: {  	s17 =	simm.s32 $0x0;
	[tilespmem:s16+$0x10] =	vst v4  }
0x8e: {  	s15 =	sand.u32 $0xC00, s14;
	s17 =	sand.u32 $0x3FFFFF80, s17;
	[tilespmem:s16+$0x20] =	vst v1  }
0x8f: {  	s18 =	sadd.s32 s15, s17;
	[tilespmem:s16+$0xFFFFFFC0] =	vst v2  }
0x90: {  	v4 =	vld [tilespmem:s18+$0x10F0]  }
0x91: {  	v7 =	vld [tilespmem:s18+$0x1080]  }
0x92: {  	v8 =	vld [tilespmem:s18+$0x1090]  }
0x93: {  	v9 =	vld [tilespmem:s18+$0x10A0]  }
0x94: {  	v5 =	vld [tilespmem:s18+$0x10B0]  }
0x95: {  	v3 =	vld [tilespmem:s18+$0x10C0]  }
0x96: {  	v2 =	vld [tilespmem:s18+$0x10D0]  }
0x97: {  	v1 =	vld [tilespmem:s18+$0x10E0]  }
0x98: {  	v6 =	vld.idx.msk [tilespmem:v4+s1+$0x0], $0xffff  }
0x99: {  	v4 =	vld.idx.msk [tilespmem:v7+s1+$0x0], $0xffff  }
0x9a: {  	s19 =	simm.s32 $0x200;
	s18 =	simm.s32 $0x80;
	v7 =	vld.idx.msk [tilespmem:v8+s1+$0x0], $0xffff  }
0x9b: {  	s17 =	sand.u32 $0x1000, s19;
	s16 =	simm.s32 $0x0;
	s18 =	sand.u32 $0x380, s18;
	v8 =	vld.idx.msk [tilespmem:v9+s1+$0x0], $0xffff  }
.LBB2_8:
0x9c: {  	s16 =	sadd.s32 $0x8, s16;
	s17 =	sor.u32 s18, s17;
	v5 =	vld.idx.msk [tilespmem:v5+s1+$0x0], $0xffff  }
0x9d: {  	s14 =	sadd.s32 $0x400, s14;
	s18 =	sshll.u32 s16, $0x2;
	s17 =	sor.u32 s15, s17;
	v3 =	vld.idx.msk [tilespmem:v3+s1+$0x0], $0xffff  }
0x9e: {  	s15 =	sand.u32 $0xC00, s14;
	p0 =	slt.u32 s16, $0xD8;
	s18 =	sand.u32 $0x3FFFFF80, s18;
	v2 =	vld.idx.msk [tilespmem:v2+s1+$0x0], $0xffff;
	[tilespmem:s17+$0x40F0] =	vst v6  }
0x9f: {  	s18 =	sadd.s32 s15, s18;
	[tilespmem:s17+$0x4080] =	vst v4;
	v1 =	vld.idx.msk [tilespmem:v1+s1+$0x0], $0xffff  }
0xa0: {  	v4 =	vld [tilespmem:s18+$0x10F0];
	[tilespmem:s17+$0x4090] =	vst v7  }
0xa1: {  	v7 =	vld [tilespmem:s18+$0x1080];
	[tilespmem:s17+$0x40A0] =	vst v8  }
0xa2: {  	v8 =	vld [tilespmem:s18+$0x1090];
	[tilespmem:s17+$0x40B0] =	vst v5  }
0xa3: {  	v9 =	vld [tilespmem:s18+$0x10A0];
	[tilespmem:s17+$0x40C0] =	vst v3  }
0xa4: {  	v5 =	vld [tilespmem:s18+$0x10B0];
	[tilespmem:s17+$0x40D0] =	vst v2  }
0xa5: {  	v3 =	vld [tilespmem:s18+$0x10C0];
	[tilespmem:s17+$0x40E0] =	vst v1  }
0xa6: {  	v2 =	vld [tilespmem:s18+$0x10D0]  }
.Ltmp3:
0xa7: {  	v1 =	vld [tilespmem:s18+$0x10E0];
	(pc) =	sbr.rel @p0 .LBB2_8-.Ltmp3, $4  }
0xa8: {  	s17 =	sshrl.u32 s16, $0x5;
	v6 =	vld.idx.msk [tilespmem:v4+s1+$0x0], $0xffff  }
0xa9: {  	s17 =	sadd.s32 $0x1, s17;
	v4 =	vld.idx.msk [tilespmem:v7+s1+$0x0], $0xffff  }
0xaa: {  	s18 =	sshll.u32 s17, $0x9;
	s19 =	sshll.u32 s17, $0x7;
	v7 =	vld.idx.msk [tilespmem:v8+s1+$0x0], $0xffff  }
0xab: {  	s17 =	sand.u32 $0x1000, s18;
	s18 =	sand.u32 $0x380, s19;
	v8 =	vld.idx.msk [tilespmem:v9+s1+$0x0], $0xffff  }
0xac: {  	_ =	sdelay $0x2  }
0xad: {  	s14 =	sor.u32 s18, s17  }
0xae: {  	v5 =	vld.idx.msk [tilespmem:v5+s1+$0x0], $0xffff;
	s14 =	sor.u32 s15, s14  }
0xaf: {  	v3 =	vld.idx.msk [tilespmem:v3+s1+$0x0], $0xffff;
	[tilespmem:s14+$0x40F0] =	vst v6  }
0xb0: {  	v2 =	vld.idx.msk [tilespmem:v2+s1+$0x0], $0xffff;
	[tilespmem:s14+$0x4080] =	vst v4  }
0xb1: {  	v1 =	vld.idx.msk [tilespmem:v1+s1+$0x0], $0xffff;
	[tilespmem:s14+$0x4090] =	vst v7  }
0xb2: {  	[tilespmem:s14+$0x40A0] =	vst v8  }
0xb3: {  	[tilespmem:s14+$0x40B0] =	vst v5  }
0xb4: {  	[tilespmem:s14+$0x40C0] =	vst v3  }
0xb5: {  	[tilespmem:s14+$0x40D0] =	vst v2  }
0xb6: {  	[tilespmem:s14+$0x40E0] =	vst v1  }
0xb7: {  	s14 =	rddreg [dreg:$0x6]  }
0xb8: {  	[tilespmem:s2], [sflag:$0x1] =	stream.linear.gather [hbm4b:s14+s1], $0x1000, $0x38;
	[tilespmem:$0x5080] =	vst v63  }
0xb9: {  	s18 =	rddreg [dreg:$0x7]  }
0xba: {  	[hbm4b:s18+s1] =	stream.linear.scatter [tilespmem:s9], [sflag:$0x5], $0x1000, $0x38;
	[tilespmem:$0x5080] =	vst v63  }
0xbb: {  	_ =	swait.ge [sflag:s10], $0x1000  }
0xbc: {  	[sflag:s10] =	ssyncset.done $0x0  }
0xbd: {  	[sflag:s10] =	ssyncadd.s32 $0xFFFFF000  }
0xbe: {  	_ =	swait.ge [sflag:s11], $0x1000  }
0xbf: {  	[sflag:s11] =	ssyncset.done $0x0  }
0xc0: {  	s19 =	simm.s32 $0x1470;
	[sflag:s11] =	ssyncadd.s32 $0xFFFFF000  }
0xc1: {  	v1 =	vld [tilespmem:s19+$0x0]  }
0xc2: {  	v2 =	vld [tilespmem:s19+$0xFFFFFFA0]  }
0xc3: {  	v3 =	vld [tilespmem:s19+$0xFFFFFFB0]  }
0xc4: {  	v4 =	vld [tilespmem:s19+$0xFFFFFFC0]  }
0xc5: {  	v7 =	vld [tilespmem:s19+$0xFFFFFFD0]  }
0xc6: {  	v8 =	vld [tilespmem:s19+$0xFFFFFFE0]  }
0xc7: {  	v9 =	vld [tilespmem:s19+$0xFFFFFFF0]  }
0xc8: {  	s14 =	simm.s32 $0x0;
	v10 =	vld [tilespmem:s19+$0xFFFFFF90]  }
0xc9: {  	v11 =	vld.idx.msk [tilespmem:v1+s14+$0x0], $0xffff  }
0xca: {  	v12 =	vld.idx.msk [tilespmem:v2+s14+$0x0], $0xffff  }
0xcb: {  	v6 =	vld.idx.msk [tilespmem:v3+s14+$0x0], $0xffff  }
0xcc: {  	v5 =	vld.idx.msk [tilespmem:v4+s14+$0x0], $0xffff  }
0xcd: {  	v3 =	vld.idx.msk [tilespmem:v7+s14+$0x0], $0xffff  }
0xce: {  	s16 =	simm.s32 $0x30C0;
	v4 =	vld.idx.msk [tilespmem:v8+s14+$0x0], $0xffff  }
0xcf: {  	v1 =	vld.idx.msk [tilespmem:v9+s14+$0x0], $0xffff;
	[tilespmem:s16+$0x30] =	vst v11  }
0xd0: {  	s17 =	simm.s32 $0x1870;
	s15 =	simm.s32 $0x0;
	v2 =	vld.idx.msk [tilespmem:v10+s14+$0x0], $0xffff;
	[tilespmem:s16+$0xFFFFFFD0] =	vst v12  }
.LBB2_10:
0xd1: {  	v7 =	vld [tilespmem:s17+$0x0];
	s15 =	sadd.s32 $0x8, s15;
	[tilespmem:s16+$0xFFFFFFE0] =	vst v6  }
0xd2: {  	v6 =	vld [tilespmem:s17+$0xFFFFFFA0];
	p0 =	slt.u32 s15, $0x18;
	[tilespmem:s16+$0xFFFFFFF0] =	vst v5  }
0xd3: {  	v5 =	vld [tilespmem:s17+$0xFFFFFFB0];
	[tilespmem:s16+$0x0] =	vst v3  }
0xd4: {  	v3 =	vld [tilespmem:s17+$0xFFFFFFC0];
	[tilespmem:s16+$0x10] =	vst v4  }
0xd5: {  	v4 =	vld [tilespmem:s17+$0xFFFFFFD0];
	[tilespmem:s16+$0x20] =	vst v1  }
0xd6: {  	v1 =	vld [tilespmem:s17+$0xFFFFFFE0];
	[tilespmem:s16+$0xFFFFFFC0] =	vst v2  }
0xd7: {  	v2 =	vld [tilespmem:s17+$0xFFFFFFF0]  }
0xd8: {  	v8 =	vld [tilespmem:s17+$0xFFFFFF90]  }
0xd9: {  	v7 =	vld.idx.msk [tilespmem:v7+s14+$0x0], $0xffff  }
0xda: {  	v9 =	vld.idx.msk [tilespmem:v6+s14+$0x0], $0xffff  }
0xdb: {  	v6 =	vld.idx.msk [tilespmem:v5+s14+$0x0], $0xffff  }
.Ltmp4:
0xdc: {  	v5 =	vld.idx.msk [tilespmem:v3+s14+$0x0], $0xffff;
	(pc) =	sbr.rel @p0 .LBB2_10-.Ltmp4, $4  }
0xdd: {  	v3 =	vld.idx.msk [tilespmem:v4+s14+$0x0], $0xffff  }
0xde: {  	s16 =	sadd.s32 $0x400, s16;
	v4 =	vld.idx.msk [tilespmem:v1+s14+$0x0], $0xffff  }
0xdf: {  	v1 =	vld.idx.msk [tilespmem:v2+s14+$0x0], $0xffff;
	[tilespmem:s16+$0x30] =	vst v7  }
0xe0: {  	s17 =	sadd.s32 $0x400, s17;
	v2 =	vld.idx.msk [tilespmem:v8+s14+$0x0], $0xffff;
	[tilespmem:s16+$0xFFFFFFD0] =	vst v9  }
0xe1: {  	[tilespmem:s16+$0xFFFFFFE0] =	vst v6  }
0xe2: {  	[tilespmem:s16+$0xFFFFFFF0] =	vst v5  }
0xe3: {  	[tilespmem:s16+$0x0] =	vst v3  }
0xe4: {  	s17 =	simm.s32 $0x0;
	[tilespmem:s16+$0x10] =	vst v4  }
0xe5: {  	s15 =	sand.u32 $0xC00, s14;
	s17 =	sand.u32 $0x3FFFFF80, s17;
	[tilespmem:s16+$0x20] =	vst v1  }
0xe6: {  	s18 =	sadd.s32 s15, s17;
	[tilespmem:s16+$0xFFFFFFC0] =	vst v2  }
0xe7: {  	v4 =	vld [tilespmem:s18+$0x20F0]  }
0xe8: {  	v7 =	vld [tilespmem:s18+$0x2080]  }
0xe9: {  	v8 =	vld [tilespmem:s18+$0x2090]  }
0xea: {  	v9 =	vld [tilespmem:s18+$0x20A0]  }
0xeb: {  	v5 =	vld [tilespmem:s18+$0x20B0]  }
0xec: {  	v3 =	vld [tilespmem:s18+$0x20C0]  }
0xed: {  	v2 =	vld [tilespmem:s18+$0x20D0]  }
0xee: {  	v1 =	vld [tilespmem:s18+$0x20E0]  }
0xef: {  	v6 =	vld.idx.msk [tilespmem:v4+s1+$0x0], $0xffff  }
0xf0: {  	v4 =	vld.idx.msk [tilespmem:v7+s1+$0x0], $0xffff  }
0xf1: {  	s19 =	simm.s32 $0x200;
	s18 =	simm.s32 $0x80;
	v7 =	vld.idx.msk [tilespmem:v8+s1+$0x0], $0xffff  }
0xf2: {  	s17 =	sand.u32 $0x1000, s19;
	s16 =	simm.s32 $0x0;
	s18 =	sand.u32 $0x380, s18;
	v8 =	vld.idx.msk [tilespmem:v9+s1+$0x0], $0xffff  }
.LBB2_12:
0xf3: {  	s16 =	sadd.s32 $0x8, s16;
	s17 =	sor.u32 s18, s17;
	v5 =	vld.idx.msk [tilespmem:v5+s1+$0x0], $0xffff  }
0xf4: {  	s14 =	sadd.s32 $0x400, s14;
	s18 =	sshll.u32 s16, $0x2;
	s17 =	sor.u32 s15, s17;
	v3 =	vld.idx.msk [tilespmem:v3+s1+$0x0], $0xffff  }
0xf5: {  	s15 =	sand.u32 $0xC00, s14;
	p0 =	slt.u32 s16, $0xD8;
	s18 =	sand.u32 $0x3FFFFF80, s18;
	v2 =	vld.idx.msk [tilespmem:v2+s1+$0x0], $0xffff;
	[tilespmem:s17+$0x30F0] =	vst v6  }
0xf6: {  	s18 =	sadd.s32 s15, s18;
	[tilespmem:s17+$0x3080] =	vst v4;
	v1 =	vld.idx.msk [tilespmem:v1+s1+$0x0], $0xffff  }
0xf7: {  	v4 =	vld [tilespmem:s18+$0x20F0];
	[tilespmem:s17+$0x3090] =	vst v7  }
0xf8: {  	v7 =	vld [tilespmem:s18+$0x2080];
	[tilespmem:s17+$0x30A0] =	vst v8  }
0xf9: {  	v8 =	vld [tilespmem:s18+$0x2090];
	[tilespmem:s17+$0x30B0] =	vst v5  }
0xfa: {  	v9 =	vld [tilespmem:s18+$0x20A0];
	[tilespmem:s17+$0x30C0] =	vst v3  }
0xfb: {  	v5 =	vld [tilespmem:s18+$0x20B0];
	[tilespmem:s17+$0x30D0] =	vst v2  }
0xfc: {  	v3 =	vld [tilespmem:s18+$0x20C0];
	[tilespmem:s17+$0x30E0] =	vst v1  }
0xfd: {  	v2 =	vld [tilespmem:s18+$0x20D0]  }
.Ltmp5:
0xfe: {  	v1 =	vld [tilespmem:s18+$0x20E0];
	(pc) =	sbr.rel @p0 .LBB2_12-.Ltmp5, $4  }
0xff: {  	s17 =	sshrl.u32 s16, $0x5;
	v6 =	vld.idx.msk [tilespmem:v4+s1+$0x0], $0xffff  }
0x100: {  	s17 =	sadd.s32 $0x1, s17;
	v4 =	vld.idx.msk [tilespmem:v7+s1+$0x0], $0xffff  }
0x101: {  	s18 =	sshll.u32 s17, $0x9;
	s19 =	sshll.u32 s17, $0x7;
	v7 =	vld.idx.msk [tilespmem:v8+s1+$0x0], $0xffff  }
0x102: {  	s17 =	sand.u32 $0x1000, s18;
	s18 =	sand.u32 $0x380, s19;
	v8 =	vld.idx.msk [tilespmem:v9+s1+$0x0], $0xffff  }
0x103: {  	_ =	sdelay $0x2  }
0x104: {  	s14 =	sor.u32 s18, s17  }
0x105: {  	v5 =	vld.idx.msk [tilespmem:v5+s1+$0x0], $0xffff;
	s14 =	sor.u32 s15, s14  }
0x106: {  	v3 =	vld.idx.msk [tilespmem:v3+s1+$0x0], $0xffff;
	[tilespmem:s14+$0x30F0] =	vst v6  }
0x107: {  	v2 =	vld.idx.msk [tilespmem:v2+s1+$0x0], $0xffff;
	[tilespmem:s14+$0x3080] =	vst v4  }
0x108: {  	v1 =	vld.idx.msk [tilespmem:v1+s1+$0x0], $0xffff;
	[tilespmem:s14+$0x3090] =	vst v7  }
0x109: {  	[tilespmem:s14+$0x30A0] =	vst v8  }
0x10a: {  	[tilespmem:s14+$0x30B0] =	vst v5  }
0x10b: {  	[tilespmem:s14+$0x30C0] =	vst v3  }
0x10c: {  	[tilespmem:s14+$0x30D0] =	vst v2  }
0x10d: {  	[tilespmem:s14+$0x30E0] =	vst v1  }
0x10e: {  	s14 =	rddreg [dreg:$0x8]  }
0x10f: {  	[tilespmem:s3], [sflag:$0x2] =	stream.linear.gather [hbm4b:s14+s1], $0x1000, $0x38;
	[tilespmem:$0x5080] =	vst v63  }
0x110: {  	s18 =	rddreg [dreg:$0x9]  }
0x111: {  	[hbm4b:s18+s1] =	stream.linear.scatter [tilespmem:s7], [sflag:$0x4], $0x1000, $0x38;
	[tilespmem:$0x5080] =	vst v63  }
0x112: {  	_ =	swait.ge [sflag:s5], $0x1000  }
0x113: {  	[sflag:s5] =	ssyncset.done $0x0  }
0x114: {  	[sflag:s5] =	ssyncadd.s32 $0xFFFFF000  }
0x115: {  	_ =	swait.ge [sflag:s12], $0x1000  }
0x116: {  	[sflag:s12] =	ssyncset.done $0x0  }
0x117: {  	s19 =	simm.s32 $0x2470;
	[sflag:s12] =	ssyncadd.s32 $0xFFFFF000  }
0x118: {  	v1 =	vld [tilespmem:s19+$0x0]  }
0x119: {  	v2 =	vld [tilespmem:s19+$0xFFFFFFA0]  }
0x11a: {  	v3 =	vld [tilespmem:s19+$0xFFFFFFB0]  }
0x11b: {  	v4 =	vld [tilespmem:s19+$0xFFFFFFC0]  }
0x11c: {  	v7 =	vld [tilespmem:s19+$0xFFFFFFD0]  }
0x11d: {  	v8 =	vld [tilespmem:s19+$0xFFFFFFE0]  }
0x11e: {  	v9 =	vld [tilespmem:s19+$0xFFFFFFF0]  }
0x11f: {  	s14 =	simm.s32 $0x0;
	v10 =	vld [tilespmem:s19+$0xFFFFFF90]  }
0x120: {  	v11 =	vld.idx.msk [tilespmem:v1+s14+$0x0], $0xffff  }
0x121: {  	v12 =	vld.idx.msk [tilespmem:v2+s14+$0x0], $0xffff  }
0x122: {  	v6 =	vld.idx.msk [tilespmem:v3+s14+$0x0], $0xffff  }
0x123: {  	v5 =	vld.idx.msk [tilespmem:v4+s14+$0x0], $0xffff  }
0x124: {  	v3 =	vld.idx.msk [tilespmem:v7+s14+$0x0], $0xffff  }
0x125: {  	s16 =	simm.s32 $0x40C0;
	v4 =	vld.idx.msk [tilespmem:v8+s14+$0x0], $0xffff  }
0x126: {  	v1 =	vld.idx.msk [tilespmem:v9+s14+$0x0], $0xffff;
	[tilespmem:s16+$0x30] =	vst v11  }
0x127: {  	s17 =	simm.s32 $0x2870;
	s15 =	simm.s32 $0x0;
	v2 =	vld.idx.msk [tilespmem:v10+s14+$0x0], $0xffff;
	[tilespmem:s16+$0xFFFFFFD0] =	vst v12  }
.LBB2_14:
0x128: {  	v7 =	vld [tilespmem:s17+$0x0];
	s15 =	sadd.s32 $0x8, s15;
	[tilespmem:s16+$0xFFFFFFE0] =	vst v6  }
0x129: {  	v6 =	vld [tilespmem:s17+$0xFFFFFFA0];
	p0 =	slt.u32 s15, $0x18;
	[tilespmem:s16+$0xFFFFFFF0] =	vst v5  }
0x12a: {  	v5 =	vld [tilespmem:s17+$0xFFFFFFB0];
	[tilespmem:s16+$0x0] =	vst v3  }
0x12b: {  	v3 =	vld [tilespmem:s17+$0xFFFFFFC0];
	[tilespmem:s16+$0x10] =	vst v4  }
0x12c: {  	v4 =	vld [tilespmem:s17+$0xFFFFFFD0];
	[tilespmem:s16+$0x20] =	vst v1  }
0x12d: {  	v1 =	vld [tilespmem:s17+$0xFFFFFFE0];
	[tilespmem:s16+$0xFFFFFFC0] =	vst v2  }
0x12e: {  	v2 =	vld [tilespmem:s17+$0xFFFFFFF0]  }
0x12f: {  	v8 =	vld [tilespmem:s17+$0xFFFFFF90]  }
0x130: {  	v7 =	vld.idx.msk [tilespmem:v7+s14+$0x0], $0xffff  }
0x131: {  	v9 =	vld.idx.msk [tilespmem:v6+s14+$0x0], $0xffff  }
0x132: {  	v6 =	vld.idx.msk [tilespmem:v5+s14+$0x0], $0xffff  }
.Ltmp6:
0x133: {  	v5 =	vld.idx.msk [tilespmem:v3+s14+$0x0], $0xffff;
	(pc) =	sbr.rel @p0 .LBB2_14-.Ltmp6, $4  }
0x134: {  	v3 =	vld.idx.msk [tilespmem:v4+s14+$0x0], $0xffff  }
0x135: {  	s16 =	sadd.s32 $0x400, s16;
	v4 =	vld.idx.msk [tilespmem:v1+s14+$0x0], $0xffff  }
0x136: {  	v1 =	vld.idx.msk [tilespmem:v2+s14+$0x0], $0xffff;
	[tilespmem:s16+$0x30] =	vst v7  }
0x137: {  	s17 =	sadd.s32 $0x400, s17;
	v2 =	vld.idx.msk [tilespmem:v8+s14+$0x0], $0xffff;
	[tilespmem:s16+$0xFFFFFFD0] =	vst v9  }
0x138: {  	[tilespmem:s16+$0xFFFFFFE0] =	vst v6  }
0x139: {  	[tilespmem:s16+$0xFFFFFFF0] =	vst v5  }
0x13a: {  	[tilespmem:s16+$0x0] =	vst v3  }
0x13b: {  	s17 =	simm.s32 $0x0;
	[tilespmem:s16+$0x10] =	vst v4  }
0x13c: {  	s15 =	sand.u32 $0xC00, s14;
	s17 =	sand.u32 $0x3FFFFF80, s17;
	[tilespmem:s16+$0x20] =	vst v1  }
0x13d: {  	s18 =	sadd.s32 s15, s17;
	[tilespmem:s16+$0xFFFFFFC0] =	vst v2  }
0x13e: {  	v4 =	vld [tilespmem:s18+$0xF0]  }
0x13f: {  	v7 =	vld [tilespmem:s18+$0x80]  }
0x140: {  	v8 =	vld [tilespmem:s18+$0x90]  }
0x141: {  	v9 =	vld [tilespmem:s18+$0xA0]  }
0x142: {  	v5 =	vld [tilespmem:s18+$0xB0]  }
0x143: {  	v3 =	vld [tilespmem:s18+$0xC0]  }
0x144: {  	v2 =	vld [tilespmem:s18+$0xD0]  }
0x145: {  	v1 =	vld [tilespmem:s18+$0xE0]  }
0x146: {  	v6 =	vld.idx.msk [tilespmem:v4+s1+$0x0], $0xffff  }
0x147: {  	v4 =	vld.idx.msk [tilespmem:v7+s1+$0x0], $0xffff  }
0x148: {  	s19 =	simm.s32 $0x200;
	s18 =	simm.s32 $0x80;
	v7 =	vld.idx.msk [tilespmem:v8+s1+$0x0], $0xffff  }
0x149: {  	s17 =	sand.u32 $0x1000, s19;
	s16 =	simm.s32 $0x0;
	s18 =	sand.u32 $0x380, s18;
	v8 =	vld.idx.msk [tilespmem:v9+s1+$0x0], $0xffff  }
.LBB2_16:
0x14a: {  	s16 =	sadd.s32 $0x8, s16;
	s17 =	sor.u32 s18, s17;
	v5 =	vld.idx.msk [tilespmem:v5+s1+$0x0], $0xffff  }
0x14b: {  	s14 =	sadd.s32 $0x400, s14;
	s18 =	sshll.u32 s16, $0x2;
	s17 =	sor.u32 s15, s17;
	v3 =	vld.idx.msk [tilespmem:v3+s1+$0x0], $0xffff  }
0x14c: {  	s15 =	sand.u32 $0xC00, s14;
	p0 =	slt.u32 s16, $0xD8;
	s18 =	sand.u32 $0x3FFFFF80, s18;
	v2 =	vld.idx.msk [tilespmem:v2+s1+$0x0], $0xffff;
	[tilespmem:s17+$0x40F0] =	vst v6  }
0x14d: {  	s18 =	sadd.s32 s15, s18;
	[tilespmem:s17+$0x4080] =	vst v4;
	v1 =	vld.idx.msk [tilespmem:v1+s1+$0x0], $0xffff  }
0x14e: {  	v4 =	vld [tilespmem:s18+$0xF0];
	[tilespmem:s17+$0x4090] =	vst v7  }
0x14f: {  	v7 =	vld [tilespmem:s18+$0x80];
	[tilespmem:s17+$0x40A0] =	vst v8  }
0x150: {  	v8 =	vld [tilespmem:s18+$0x90];
	[tilespmem:s17+$0x40B0] =	vst v5  }
0x151: {  	v9 =	vld [tilespmem:s18+$0xA0];
	[tilespmem:s17+$0x40C0] =	vst v3  }
0x152: {  	v5 =	vld [tilespmem:s18+$0xB0];
	[tilespmem:s17+$0x40D0] =	vst v2  }
0x153: {  	v3 =	vld [tilespmem:s18+$0xC0];
	[tilespmem:s17+$0x40E0] =	vst v1  }
0x154: {  	v2 =	vld [tilespmem:s18+$0xD0]  }
.Ltmp7:
0x155: {  	v1 =	vld [tilespmem:s18+$0xE0];
	(pc) =	sbr.rel @p0 .LBB2_16-.Ltmp7, $4  }
0x156: {  	s17 =	sshrl.u32 s16, $0x5;
	v6 =	vld.idx.msk [tilespmem:v4+s1+$0x0], $0xffff  }
0x157: {  	s17 =	sadd.s32 $0x1, s17;
	v4 =	vld.idx.msk [tilespmem:v7+s1+$0x0], $0xffff  }
0x158: {  	s18 =	sshll.u32 s17, $0x9;
	s19 =	sshll.u32 s17, $0x7;
	v7 =	vld.idx.msk [tilespmem:v8+s1+$0x0], $0xffff  }
0x159: {  	s17 =	sand.u32 $0x1000, s18;
	s18 =	sand.u32 $0x380, s19;
	v8 =	vld.idx.msk [tilespmem:v9+s1+$0x0], $0xffff  }
0x15a: {  	_ =	sdelay $0x2  }
0x15b: {  	s14 =	sor.u32 s18, s17  }
0x15c: {  	v5 =	vld.idx.msk [tilespmem:v5+s1+$0x0], $0xffff;
	s14 =	sor.u32 s15, s14  }
0x15d: {  	v3 =	vld.idx.msk [tilespmem:v3+s1+$0x0], $0xffff;
	[tilespmem:s14+$0x40F0] =	vst v6  }
0x15e: {  	v2 =	vld.idx.msk [tilespmem:v2+s1+$0x0], $0xffff;
	[tilespmem:s14+$0x4080] =	vst v4  }
0x15f: {  	v1 =	vld.idx.msk [tilespmem:v1+s1+$0x0], $0xffff;
	[tilespmem:s14+$0x4090] =	vst v7  }
0x160: {  	[tilespmem:s14+$0x40A0] =	vst v8  }
0x161: {  	[tilespmem:s14+$0x40B0] =	vst v5  }
0x162: {  	[tilespmem:s14+$0x40C0] =	vst v3  }
0x163: {  	[tilespmem:s14+$0x40D0] =	vst v2  }
0x164: {  	[tilespmem:s14+$0x40E0] =	vst v1  }
0x165: {  	s14 =	rddreg [dreg:$0xa]  }
0x166: {  	[tilespmem:s6], [sflag:$0x3] =	stream.linear.gather [hbm4b:s14+s1], $0x1000, $0x38;
	[tilespmem:$0x5080] =	vst v63  }
0x167: {  	s18 =	rddreg [dreg:$0xb]  }
0x168: {  	[hbm4b:s18+s1] =	stream.linear.scatter [tilespmem:s9], [sflag:$0x5], $0x1000, $0x38;
	[tilespmem:$0x5080] =	vst v63  }
0x169: {  	_ =	swait.ge [sflag:s8], $0x1000  }
0x16a: {  	[sflag:s8] =	ssyncset.done $0x0  }
0x16b: {  	[sflag:s8] =	ssyncadd.s32 $0xFFFFF000  }
0x16c: {  	_ =	swait.ge [sflag:s11], $0x1000  }
0x16d: {  	[sflag:s11] =	ssyncset.done $0x0  }
0x16e: {  	s19 =	simm.s32 $0x470;
	[sflag:s11] =	ssyncadd.s32 $0xFFFFF000  }
0x16f: {  	v1 =	vld [tilespmem:s19+$0x0]  }
0x170: {  	v2 =	vld [tilespmem:s19+$0xFFFFFFA0]  }
0x171: {  	v3 =	vld [tilespmem:s19+$0xFFFFFFB0]  }
0x172: {  	v4 =	vld [tilespmem:s19+$0xFFFFFFC0]  }
0x173: {  	v7 =	vld [tilespmem:s19+$0xFFFFFFD0]  }
0x174: {  	v8 =	vld [tilespmem:s19+$0xFFFFFFE0]  }
0x175: {  	v9 =	vld [tilespmem:s19+$0xFFFFFFF0]  }
0x176: {  	s14 =	simm.s32 $0x0;
	v10 =	vld [tilespmem:s19+$0xFFFFFF90]  }
0x177: {  	v11 =	vld.idx.msk [tilespmem:v1+s14+$0x0], $0xffff  }
0x178: {  	v12 =	vld.idx.msk [tilespmem:v2+s14+$0x0], $0xffff  }
0x179: {  	v6 =	vld.idx.msk [tilespmem:v3+s14+$0x0], $0xffff  }
0x17a: {  	v5 =	vld.idx.msk [tilespmem:v4+s14+$0x0], $0xffff  }
0x17b: {  	v3 =	vld.idx.msk [tilespmem:v7+s14+$0x0], $0xffff  }
0x17c: {  	s16 =	simm.s32 $0x30C0;
	v4 =	vld.idx.msk [tilespmem:v8+s14+$0x0], $0xffff  }
0x17d: {  	v1 =	vld.idx.msk [tilespmem:v9+s14+$0x0], $0xffff;
	[tilespmem:s16+$0x30] =	vst v11  }
0x17e: {  	s17 =	simm.s32 $0x870;
	s15 =	simm.s32 $0x0;
	v2 =	vld.idx.msk [tilespmem:v10+s14+$0x0], $0xffff;
	[tilespmem:s16+$0xFFFFFFD0] =	vst v12  }
.LBB2_18:
0x17f: {  	v7 =	vld [tilespmem:s17+$0x0];
	s15 =	sadd.s32 $0x8, s15;
	[tilespmem:s16+$0xFFFFFFE0] =	vst v6  }
0x180: {  	v6 =	vld [tilespmem:s17+$0xFFFFFFA0];
	p0 =	slt.u32 s15, $0x18;
	[tilespmem:s16+$0xFFFFFFF0] =	vst v5  }
0x181: {  	v5 =	vld [tilespmem:s17+$0xFFFFFFB0];
	[tilespmem:s16+$0x0] =	vst v3  }
0x182: {  	v3 =	vld [tilespmem:s17+$0xFFFFFFC0];
	[tilespmem:s16+$0x10] =	vst v4  }
0x183: {  	v4 =	vld [tilespmem:s17+$0xFFFFFFD0];
	[tilespmem:s16+$0x20] =	vst v1  }
0x184: {  	v1 =	vld [tilespmem:s17+$0xFFFFFFE0];
	[tilespmem:s16+$0xFFFFFFC0] =	vst v2  }
0x185: {  	v2 =	vld [tilespmem:s17+$0xFFFFFFF0]  }
0x186: {  	v8 =	vld [tilespmem:s17+$0xFFFFFF90]  }
0x187: {  	v7 =	vld.idx.msk [tilespmem:v7+s14+$0x0], $0xffff  }
0x188: {  	v9 =	vld.idx.msk [tilespmem:v6+s14+$0x0], $0xffff  }
0x189: {  	v6 =	vld.idx.msk [tilespmem:v5+s14+$0x0], $0xffff  }
.Ltmp8:
0x18a: {  	v5 =	vld.idx.msk [tilespmem:v3+s14+$0x0], $0xffff;
	(pc) =	sbr.rel @p0 .LBB2_18-.Ltmp8, $4  }
0x18b: {  	v3 =	vld.idx.msk [tilespmem:v4+s14+$0x0], $0xffff  }
0x18c: {  	s16 =	sadd.s32 $0x400, s16;
	v4 =	vld.idx.msk [tilespmem:v1+s14+$0x0], $0xffff  }
0x18d: {  	v1 =	vld.idx.msk [tilespmem:v2+s14+$0x0], $0xffff;
	[tilespmem:s16+$0x30] =	vst v7  }
0x18e: {  	s17 =	sadd.s32 $0x400, s17;
	v2 =	vld.idx.msk [tilespmem:v8+s14+$0x0], $0xffff;
	[tilespmem:s16+$0xFFFFFFD0] =	vst v9  }
0x18f: {  	[tilespmem:s16+$0xFFFFFFE0] =	vst v6  }
0x190: {  	[tilespmem:s16+$0xFFFFFFF0] =	vst v5  }
0x191: {  	[tilespmem:s16+$0x0] =	vst v3  }
0x192: {  	s17 =	simm.s32 $0x0;
	[tilespmem:s16+$0x10] =	vst v4  }
0x193: {  	s15 =	sand.u32 $0xC00, s14;
	s17 =	sand.u32 $0x3FFFFF80, s17;
	[tilespmem:s16+$0x20] =	vst v1  }
0x194: {  	s18 =	sadd.s32 s15, s17;
	[tilespmem:s16+$0xFFFFFFC0] =	vst v2  }
0x195: {  	v4 =	vld [tilespmem:s18+$0x10F0]  }
0x196: {  	v7 =	vld [tilespmem:s18+$0x1080]  }
0x197: {  	v8 =	vld [tilespmem:s18+$0x1090]  }
0x198: {  	v9 =	vld [tilespmem:s18+$0x10A0]  }
0x199: {  	v5 =	vld [tilespmem:s18+$0x10B0]  }
0x19a: {  	v3 =	vld [tilespmem:s18+$0x10C0]  }
0x19b: {  	v2 =	vld [tilespmem:s18+$0x10D0]  }
0x19c: {  	v1 =	vld [tilespmem:s18+$0x10E0]  }
0x19d: {  	v6 =	vld.idx.msk [tilespmem:v4+s1+$0x0], $0xffff  }
0x19e: {  	v4 =	vld.idx.msk [tilespmem:v7+s1+$0x0], $0xffff  }
0x19f: {  	s19 =	simm.s32 $0x200;
	s18 =	simm.s32 $0x80;
	v7 =	vld.idx.msk [tilespmem:v8+s1+$0x0], $0xffff  }
0x1a0: {  	s17 =	sand.u32 $0x1000, s19;
	s16 =	simm.s32 $0x0;
	s18 =	sand.u32 $0x380, s18;
	v8 =	vld.idx.msk [tilespmem:v9+s1+$0x0], $0xffff  }
.LBB2_20:
0x1a1: {  	s16 =	sadd.s32 $0x8, s16;
	s17 =	sor.u32 s18, s17;
	v5 =	vld.idx.msk [tilespmem:v5+s1+$0x0], $0xffff  }
0x1a2: {  	s14 =	sadd.s32 $0x400, s14;
	s18 =	sshll.u32 s16, $0x2;
	s17 =	sor.u32 s15, s17;
	v3 =	vld.idx.msk [tilespmem:v3+s1+$0x0], $0xffff  }
0x1a3: {  	s15 =	sand.u32 $0xC00, s14;
	p0 =	slt.u32 s16, $0xD8;
	s18 =	sand.u32 $0x3FFFFF80, s18;
	v2 =	vld.idx.msk [tilespmem:v2+s1+$0x0], $0xffff;
	[tilespmem:s17+$0x30F0] =	vst v6  }
0x1a4: {  	s18 =	sadd.s32 s15, s18;
	[tilespmem:s17+$0x3080] =	vst v4;
	v1 =	vld.idx.msk [tilespmem:v1+s1+$0x0], $0xffff  }
0x1a5: {  	v4 =	vld [tilespmem:s18+$0x10F0];
	[tilespmem:s17+$0x3090] =	vst v7  }
0x1a6: {  	v7 =	vld [tilespmem:s18+$0x1080];
	[tilespmem:s17+$0x30A0] =	vst v8  }
0x1a7: {  	v8 =	vld [tilespmem:s18+$0x1090];
	[tilespmem:s17+$0x30B0] =	vst v5  }
0x1a8: {  	v9 =	vld [tilespmem:s18+$0x10A0];
	[tilespmem:s17+$0x30C0] =	vst v3  }
0x1a9: {  	v5 =	vld [tilespmem:s18+$0x10B0];
	[tilespmem:s17+$0x30D0] =	vst v2  }
0x1aa: {  	v3 =	vld [tilespmem:s18+$0x10C0];
	[tilespmem:s17+$0x30E0] =	vst v1  }
0x1ab: {  	v2 =	vld [tilespmem:s18+$0x10D0]  }
.Ltmp9:
0x1ac: {  	v1 =	vld [tilespmem:s18+$0x10E0];
	(pc) =	sbr.rel @p0 .LBB2_20-.Ltmp9, $4  }
0x1ad: {  	s17 =	sshrl.u32 s16, $0x5;
	v6 =	vld.idx.msk [tilespmem:v4+s1+$0x0], $0xffff  }
0x1ae: {  	s17 =	sadd.s32 $0x1, s17;
	v4 =	vld.idx.msk [tilespmem:v7+s1+$0x0], $0xffff  }
0x1af: {  	s18 =	sshll.u32 s17, $0x9;
	s19 =	sshll.u32 s17, $0x7;
	v7 =	vld.idx.msk [tilespmem:v8+s1+$0x0], $0xffff  }
0x1b0: {  	s17 =	sand.u32 $0x1000, s18;
	s18 =	sand.u32 $0x380, s19;
	v8 =	vld.idx.msk [tilespmem:v9+s1+$0x0], $0xffff  }
0x1b1: {  	_ =	sdelay $0x2  }
0x1b2: {  	s14 =	sor.u32 s18, s17  }
0x1b3: {  	v5 =	vld.idx.msk [tilespmem:v5+s1+$0x0], $0xffff;
	s14 =	sor.u32 s15, s14  }
0x1b4: {  	v3 =	vld.idx.msk [tilespmem:v3+s1+$0x0], $0xffff;
	[tilespmem:s14+$0x30F0] =	vst v6  }
0x1b5: {  	v2 =	vld.idx.msk [tilespmem:v2+s1+$0x0], $0xffff;
	[tilespmem:s14+$0x3080] =	vst v4  }
0x1b6: {  	v1 =	vld.idx.msk [tilespmem:v1+s1+$0x0], $0xffff;
	[tilespmem:s14+$0x3090] =	vst v7  }
0x1b7: {  	[tilespmem:s14+$0x30A0] =	vst v8  }
0x1b8: {  	[tilespmem:s14+$0x30B0] =	vst v5  }
0x1b9: {  	[tilespmem:s14+$0x30C0] =	vst v3  }
0x1ba: {  	[tilespmem:s14+$0x30D0] =	vst v2  }
0x1bb: {  	[tilespmem:s14+$0x30E0] =	vst v1  }
0x1bc: {  	s14 =	rddreg [dreg:$0xc]  }
0x1bd: {  	[tilespmem:s2], [sflag:$0x1] =	stream.linear.gather [hbm4b:s14+s1], $0x1000, $0x38;
	[tilespmem:$0x5080] =	vst v63  }
0x1be: {  	s18 =	rddreg [dreg:$0xd]  }
0x1bf: {  	[hbm4b:s18+s1] =	stream.linear.scatter [tilespmem:s7], [sflag:$0x4], $0x1000, $0x38;
	[tilespmem:$0x5080] =	vst v63  }
0x1c0: {  	_ =	swait.ge [sflag:s10], $0x1000  }
0x1c1: {  	[sflag:s10] =	ssyncset.done $0x0  }
0x1c2: {  	[sflag:s10] =	ssyncadd.s32 $0xFFFFF000  }
0x1c3: {  	_ =	swait.ge [sflag:s12], $0x1000  }
0x1c4: {  	[sflag:s12] =	ssyncset.done $0x0  }
0x1c5: {  	s19 =	simm.s32 $0x1470;
	[sflag:s12] =	ssyncadd.s32 $0xFFFFF000  }
0x1c6: {  	v1 =	vld [tilespmem:s19+$0x0]  }
0x1c7: {  	v2 =	vld [tilespmem:s19+$0xFFFFFFA0]  }
0x1c8: {  	v3 =	vld [tilespmem:s19+$0xFFFFFFB0]  }
0x1c9: {  	v4 =	vld [tilespmem:s19+$0xFFFFFFC0]  }
0x1ca: {  	v7 =	vld [tilespmem:s19+$0xFFFFFFD0]  }
0x1cb: {  	v8 =	vld [tilespmem:s19+$0xFFFFFFE0]  }
0x1cc: {  	v9 =	vld [tilespmem:s19+$0xFFFFFFF0]  }
0x1cd: {  	s14 =	simm.s32 $0x0;
	v10 =	vld [tilespmem:s19+$0xFFFFFF90]  }
0x1ce: {  	v11 =	vld.idx.msk [tilespmem:v1+s14+$0x0], $0xffff  }
0x1cf: {  	v12 =	vld.idx.msk [tilespmem:v2+s14+$0x0], $0xffff  }
0x1d0: {  	v6 =	vld.idx.msk [tilespmem:v3+s14+$0x0], $0xffff  }
0x1d1: {  	v5 =	vld.idx.msk [tilespmem:v4+s14+$0x0], $0xffff  }
0x1d2: {  	v3 =	vld.idx.msk [tilespmem:v7+s14+$0x0], $0xffff  }
0x1d3: {  	s16 =	simm.s32 $0x40C0;
	v4 =	vld.idx.msk [tilespmem:v8+s14+$0x0], $0xffff  }
0x1d4: {  	v1 =	vld.idx.msk [tilespmem:v9+s14+$0x0], $0xffff;
	[tilespmem:s16+$0x30] =	vst v11  }
0x1d5: {  	s17 =	simm.s32 $0x1870;
	s15 =	simm.s32 $0x0;
	v2 =	vld.idx.msk [tilespmem:v10+s14+$0x0], $0xffff;
	[tilespmem:s16+$0xFFFFFFD0] =	vst v12  }
.LBB2_22:
0x1d6: {  	v7 =	vld [tilespmem:s17+$0x0];
	s15 =	sadd.s32 $0x8, s15;
	[tilespmem:s16+$0xFFFFFFE0] =	vst v6  }
0x1d7: {  	v6 =	vld [tilespmem:s17+$0xFFFFFFA0];
	p0 =	slt.u32 s15, $0x18;
	[tilespmem:s16+$0xFFFFFFF0] =	vst v5  }
0x1d8: {  	v5 =	vld [tilespmem:s17+$0xFFFFFFB0];
	[tilespmem:s16+$0x0] =	vst v3  }
0x1d9: {  	v3 =	vld [tilespmem:s17+$0xFFFFFFC0];
	[tilespmem:s16+$0x10] =	vst v4  }
0x1da: {  	v4 =	vld [tilespmem:s17+$0xFFFFFFD0];
	[tilespmem:s16+$0x20] =	vst v1  }
0x1db: {  	v1 =	vld [tilespmem:s17+$0xFFFFFFE0];
	[tilespmem:s16+$0xFFFFFFC0] =	vst v2  }
0x1dc: {  	v2 =	vld [tilespmem:s17+$0xFFFFFFF0]  }
0x1dd: {  	v8 =	vld [tilespmem:s17+$0xFFFFFF90]  }
0x1de: {  	v7 =	vld.idx.msk [tilespmem:v7+s14+$0x0], $0xffff  }
0x1df: {  	v9 =	vld.idx.msk [tilespmem:v6+s14+$0x0], $0xffff  }
0x1e0: {  	v6 =	vld.idx.msk [tilespmem:v5+s14+$0x0], $0xffff  }
.Ltmp10:
0x1e1: {  	v5 =	vld.idx.msk [tilespmem:v3+s14+$0x0], $0xffff;
	(pc) =	sbr.rel @p0 .LBB2_22-.Ltmp10, $4  }
0x1e2: {  	v3 =	vld.idx.msk [tilespmem:v4+s14+$0x0], $0xffff  }
0x1e3: {  	s16 =	sadd.s32 $0x400, s16;
	v4 =	vld.idx.msk [tilespmem:v1+s14+$0x0], $0xffff  }
0x1e4: {  	v1 =	vld.idx.msk [tilespmem:v2+s14+$0x0], $0xffff;
	[tilespmem:s16+$0x30] =	vst v7  }
0x1e5: {  	s17 =	sadd.s32 $0x400, s17;
	v2 =	vld.idx.msk [tilespmem:v8+s14+$0x0], $0xffff;
	[tilespmem:s16+$0xFFFFFFD0] =	vst v9  }
0x1e6: {  	[tilespmem:s16+$0xFFFFFFE0] =	vst v6  }
0x1e7: {  	[tilespmem:s16+$0xFFFFFFF0] =	vst v5  }
0x1e8: {  	[tilespmem:s16+$0x0] =	vst v3  }
0x1e9: {  	s17 =	simm.s32 $0x0;
	[tilespmem:s16+$0x10] =	vst v4  }
0x1ea: {  	s15 =	sand.u32 $0xC00, s14;
	s17 =	sand.u32 $0x3FFFFF80, s17;
	[tilespmem:s16+$0x20] =	vst v1  }
0x1eb: {  	s18 =	sadd.s32 s15, s17;
	[tilespmem:s16+$0xFFFFFFC0] =	vst v2  }
0x1ec: {  	v4 =	vld [tilespmem:s18+$0x20F0]  }
0x1ed: {  	v7 =	vld [tilespmem:s18+$0x2080]  }
0x1ee: {  	v8 =	vld [tilespmem:s18+$0x2090]  }
0x1ef: {  	v9 =	vld [tilespmem:s18+$0x20A0]  }
0x1f0: {  	v5 =	vld [tilespmem:s18+$0x20B0]  }
0x1f1: {  	v3 =	vld [tilespmem:s18+$0x20C0]  }
0x1f2: {  	v2 =	vld [tilespmem:s18+$0x20D0]  }
0x1f3: {  	v1 =	vld [tilespmem:s18+$0x20E0]  }
0x1f4: {  	v6 =	vld.idx.msk [tilespmem:v4+s1+$0x0], $0xffff  }
0x1f5: {  	v4 =	vld.idx.msk [tilespmem:v7+s1+$0x0], $0xffff  }
0x1f6: {  	s19 =	simm.s32 $0x200;
	s18 =	simm.s32 $0x80;
	v7 =	vld.idx.msk [tilespmem:v8+s1+$0x0], $0xffff  }
0x1f7: {  	s17 =	sand.u32 $0x1000, s19;
	s16 =	simm.s32 $0x0;
	s18 =	sand.u32 $0x380, s18;
	v8 =	vld.idx.msk [tilespmem:v9+s1+$0x0], $0xffff  }
.LBB2_24:
0x1f8: {  	s16 =	sadd.s32 $0x8, s16;
	s17 =	sor.u32 s18, s17;
	v5 =	vld.idx.msk [tilespmem:v5+s1+$0x0], $0xffff  }
0x1f9: {  	s14 =	sadd.s32 $0x400, s14;
	s18 =	sshll.u32 s16, $0x2;
	s17 =	sor.u32 s15, s17;
	v3 =	vld.idx.msk [tilespmem:v3+s1+$0x0], $0xffff  }
0x1fa: {  	s15 =	sand.u32 $0xC00, s14;
	p0 =	slt.u32 s16, $0xD8;
	s18 =	sand.u32 $0x3FFFFF80, s18;
	v2 =	vld.idx.msk [tilespmem:v2+s1+$0x0], $0xffff;
	[tilespmem:s17+$0x40F0] =	vst v6  }
0x1fb: {  	s18 =	sadd.s32 s15, s18;
	[tilespmem:s17+$0x4080] =	vst v4;
	v1 =	vld.idx.msk [tilespmem:v1+s1+$0x0], $0xffff  }
0x1fc: {  	v4 =	vld [tilespmem:s18+$0x20F0];
	[tilespmem:s17+$0x4090] =	vst v7  }
0x1fd: {  	v7 =	vld [tilespmem:s18+$0x2080];
	[tilespmem:s17+$0x40A0] =	vst v8  }
0x1fe: {  	v8 =	vld [tilespmem:s18+$0x2090];
	[tilespmem:s17+$0x40B0] =	vst v5  }
0x1ff: {  	v9 =	vld [tilespmem:s18+$0x20A0];
	[tilespmem:s17+$0x40C0] =	vst v3  }
0x200: {  	v5 =	vld [tilespmem:s18+$0x20B0];
	[tilespmem:s17+$0x40D0] =	vst v2  }
0x201: {  	v3 =	vld [tilespmem:s18+$0x20C0];
	[tilespmem:s17+$0x40E0] =	vst v1  }
0x202: {  	v2 =	vld [tilespmem:s18+$0x20D0]  }
.Ltmp11:
0x203: {  	v1 =	vld [tilespmem:s18+$0x20E0];
	(pc) =	sbr.rel @p0 .LBB2_24-.Ltmp11, $4  }
0x204: {  	s17 =	sshrl.u32 s16, $0x5;
	v6 =	vld.idx.msk [tilespmem:v4+s1+$0x0], $0xffff  }
0x205: {  	s17 =	sadd.s32 $0x1, s17;
	v4 =	vld.idx.msk [tilespmem:v7+s1+$0x0], $0xffff  }
0x206: {  	s18 =	sshll.u32 s17, $0x9;
	s19 =	sshll.u32 s17, $0x7;
	v7 =	vld.idx.msk [tilespmem:v8+s1+$0x0], $0xffff  }
0x207: {  	s17 =	sand.u32 $0x1000, s18;
	s18 =	sand.u32 $0x380, s19;
	v8 =	vld.idx.msk [tilespmem:v9+s1+$0x0], $0xffff  }
0x208: {  	_ =	sdelay $0x2  }
0x209: {  	s14 =	sor.u32 s18, s17  }
0x20a: {  	v5 =	vld.idx.msk [tilespmem:v5+s1+$0x0], $0xffff;
	s14 =	sor.u32 s15, s14  }
0x20b: {  	v3 =	vld.idx.msk [tilespmem:v3+s1+$0x0], $0xffff;
	[tilespmem:s14+$0x40F0] =	vst v6  }
0x20c: {  	v2 =	vld.idx.msk [tilespmem:v2+s1+$0x0], $0xffff;
	[tilespmem:s14+$0x4080] =	vst v4  }
0x20d: {  	v1 =	vld.idx.msk [tilespmem:v1+s1+$0x0], $0xffff;
	[tilespmem:s14+$0x4090] =	vst v7  }
0x20e: {  	[tilespmem:s14+$0x40A0] =	vst v8  }
0x20f: {  	[tilespmem:s14+$0x40B0] =	vst v5  }
0x210: {  	[tilespmem:s14+$0x40C0] =	vst v3  }
0x211: {  	[tilespmem:s14+$0x40D0] =	vst v2  }
0x212: {  	[tilespmem:s14+$0x40E0] =	vst v1  }
0x213: {  	s14 =	rddreg [dreg:$0xe]  }
0x214: {  	[tilespmem:s3], [sflag:$0x2] =	stream.linear.gather [hbm4b:s14+s1], $0x1000, $0x38;
	[tilespmem:$0x5080] =	vst v63  }
0x215: {  	s18 =	rddreg [dreg:$0xf]  }
0x216: {  	[hbm4b:s18+s1] =	stream.linear.scatter [tilespmem:s9], [sflag:$0x5], $0x1000, $0x38;
	[tilespmem:$0x5080] =	vst v63  }
0x217: {  	_ =	swait.ge [sflag:s5], $0x1000  }
0x218: {  	[sflag:s5] =	ssyncset.done $0x0  }
0x219: {  	[sflag:s5] =	ssyncadd.s32 $0xFFFFF000  }
0x21a: {  	_ =	swait.ge [sflag:s11], $0x1000  }
0x21b: {  	[sflag:s11] =	ssyncset.done $0x0  }
0x21c: {  	s19 =	simm.s32 $0x2470;
	[sflag:s11] =	ssyncadd.s32 $0xFFFFF000  }
0x21d: {  	v1 =	vld [tilespmem:s19+$0x0]  }
0x21e: {  	v2 =	vld [tilespmem:s19+$0xFFFFFFA0]  }
0x21f: {  	v3 =	vld [tilespmem:s19+$0xFFFFFFB0]  }
0x220: {  	v4 =	vld [tilespmem:s19+$0xFFFFFFC0]  }
0x221: {  	v7 =	vld [tilespmem:s19+$0xFFFFFFD0]  }
0x222: {  	v8 =	vld [tilespmem:s19+$0xFFFFFFE0]  }
0x223: {  	v9 =	vld [tilespmem:s19+$0xFFFFFFF0]  }
0x224: {  	s14 =	simm.s32 $0x0;
	v10 =	vld [tilespmem:s19+$0xFFFFFF90]  }
0x225: {  	v11 =	vld.idx.msk [tilespmem:v1+s14+$0x0], $0xffff  }
0x226: {  	v12 =	vld.idx.msk [tilespmem:v2+s14+$0x0], $0xffff  }
0x227: {  	v6 =	vld.idx.msk [tilespmem:v3+s14+$0x0], $0xffff  }
0x228: {  	v5 =	vld.idx.msk [tilespmem:v4+s14+$0x0], $0xffff  }
0x229: {  	v3 =	vld.idx.msk [tilespmem:v7+s14+$0x0], $0xffff  }
0x22a: {  	s16 =	simm.s32 $0x30C0;
	v4 =	vld.idx.msk [tilespmem:v8+s14+$0x0], $0xffff  }
0x22b: {  	v1 =	vld.idx.msk [tilespmem:v9+s14+$0x0], $0xffff;
	[tilespmem:s16+$0x30] =	vst v11  }
0x22c: {  	s17 =	simm.s32 $0x2870;
	s15 =	simm.s32 $0x0;
	v2 =	vld.idx.msk [tilespmem:v10+s14+$0x0], $0xffff;
	[tilespmem:s16+$0xFFFFFFD0] =	vst v12  }
.LBB2_26:
0x22d: {  	v7 =	vld [tilespmem:s17+$0x0];
	s15 =	sadd.s32 $0x8, s15;
	[tilespmem:s16+$0xFFFFFFE0] =	vst v6  }
0x22e: {  	v6 =	vld [tilespmem:s17+$0xFFFFFFA0];
	p0 =	slt.u32 s15, $0x18;
	[tilespmem:s16+$0xFFFFFFF0] =	vst v5  }
0x22f: {  	v5 =	vld [tilespmem:s17+$0xFFFFFFB0];
	[tilespmem:s16+$0x0] =	vst v3  }
0x230: {  	v3 =	vld [tilespmem:s17+$0xFFFFFFC0];
	[tilespmem:s16+$0x10] =	vst v4  }
0x231: {  	v4 =	vld [tilespmem:s17+$0xFFFFFFD0];
	[tilespmem:s16+$0x20] =	vst v1  }
0x232: {  	v1 =	vld [tilespmem:s17+$0xFFFFFFE0];
	[tilespmem:s16+$0xFFFFFFC0] =	vst v2  }
0x233: {  	v2 =	vld [tilespmem:s17+$0xFFFFFFF0]  }
0x234: {  	v8 =	vld [tilespmem:s17+$0xFFFFFF90]  }
0x235: {  	v7 =	vld.idx.msk [tilespmem:v7+s14+$0x0], $0xffff  }
0x236: {  	v9 =	vld.idx.msk [tilespmem:v6+s14+$0x0], $0xffff  }
0x237: {  	v6 =	vld.idx.msk [tilespmem:v5+s14+$0x0], $0xffff  }
.Ltmp12:
0x238: {  	v5 =	vld.idx.msk [tilespmem:v3+s14+$0x0], $0xffff;
	(pc) =	sbr.rel @p0 .LBB2_26-.Ltmp12, $4  }
0x239: {  	v3 =	vld.idx.msk [tilespmem:v4+s14+$0x0], $0xffff  }
0x23a: {  	s16 =	sadd.s32 $0x400, s16;
	v4 =	vld.idx.msk [tilespmem:v1+s14+$0x0], $0xffff  }
0x23b: {  	v1 =	vld.idx.msk [tilespmem:v2+s14+$0x0], $0xffff;
	[tilespmem:s16+$0x30] =	vst v7  }
0x23c: {  	s17 =	sadd.s32 $0x400, s17;
	v2 =	vld.idx.msk [tilespmem:v8+s14+$0x0], $0xffff;
	[tilespmem:s16+$0xFFFFFFD0] =	vst v9  }
0x23d: {  	[tilespmem:s16+$0xFFFFFFE0] =	vst v6  }
0x23e: {  	[tilespmem:s16+$0xFFFFFFF0] =	vst v5  }
0x23f: {  	[tilespmem:s16+$0x0] =	vst v3  }
0x240: {  	s17 =	simm.s32 $0x0;
	[tilespmem:s16+$0x10] =	vst v4  }
0x241: {  	s15 =	sand.u32 $0xC00, s14;
	s17 =	sand.u32 $0x3FFFFF80, s17;
	[tilespmem:s16+$0x20] =	vst v1  }
0x242: {  	s18 =	sadd.s32 s15, s17;
	[tilespmem:s16+$0xFFFFFFC0] =	vst v2  }
0x243: {  	v4 =	vld [tilespmem:s18+$0xF0]  }
0x244: {  	v7 =	vld [tilespmem:s18+$0x80]  }
0x245: {  	v8 =	vld [tilespmem:s18+$0x90]  }
0x246: {  	v9 =	vld [tilespmem:s18+$0xA0]  }
0x247: {  	v5 =	vld [tilespmem:s18+$0xB0]  }
0x248: {  	v3 =	vld [tilespmem:s18+$0xC0]  }
0x249: {  	v2 =	vld [tilespmem:s18+$0xD0]  }
0x24a: {  	v1 =	vld [tilespmem:s18+$0xE0]  }
0x24b: {  	v6 =	vld.idx.msk [tilespmem:v4+s1+$0x0], $0xffff  }
0x24c: {  	v4 =	vld.idx.msk [tilespmem:v7+s1+$0x0], $0xffff  }
0x24d: {  	s19 =	simm.s32 $0x200;
	s18 =	simm.s32 $0x80;
	v7 =	vld.idx.msk [tilespmem:v8+s1+$0x0], $0xffff  }
0x24e: {  	s17 =	sand.u32 $0x1000, s19;
	s16 =	simm.s32 $0x0;
	s18 =	sand.u32 $0x380, s18;
	v8 =	vld.idx.msk [tilespmem:v9+s1+$0x0], $0xffff  }
.LBB2_28:
0x24f: {  	s16 =	sadd.s32 $0x8, s16;
	s17 =	sor.u32 s18, s17;
	v5 =	vld.idx.msk [tilespmem:v5+s1+$0x0], $0xffff  }
0x250: {  	s14 =	sadd.s32 $0x400, s14;
	s18 =	sshll.u32 s16, $0x2;
	s17 =	sor.u32 s15, s17;
	v3 =	vld.idx.msk [tilespmem:v3+s1+$0x0], $0xffff  }
0x251: {  	s15 =	sand.u32 $0xC00, s14;
	p0 =	slt.u32 s16, $0xD8;
	s18 =	sand.u32 $0x3FFFFF80, s18;
	v2 =	vld.idx.msk [tilespmem:v2+s1+$0x0], $0xffff;
	[tilespmem:s17+$0x30F0] =	vst v6  }
0x252: {  	s18 =	sadd.s32 s15, s18;
	[tilespmem:s17+$0x3080] =	vst v4;
	v1 =	vld.idx.msk [tilespmem:v1+s1+$0x0], $0xffff  }
0x253: {  	v4 =	vld [tilespmem:s18+$0xF0];
	[tilespmem:s17+$0x3090] =	vst v7  }
0x254: {  	v7 =	vld [tilespmem:s18+$0x80];
	[tilespmem:s17+$0x30A0] =	vst v8  }
0x255: {  	v8 =	vld [tilespmem:s18+$0x90];
	[tilespmem:s17+$0x30B0] =	vst v5  }
0x256: {  	v9 =	vld [tilespmem:s18+$0xA0];
	[tilespmem:s17+$0x30C0] =	vst v3  }
0x257: {  	v5 =	vld [tilespmem:s18+$0xB0];
	[tilespmem:s17+$0x30D0] =	vst v2  }
0x258: {  	v3 =	vld [tilespmem:s18+$0xC0];
	[tilespmem:s17+$0x30E0] =	vst v1  }
0x259: {  	v2 =	vld [tilespmem:s18+$0xD0]  }
.Ltmp13:
0x25a: {  	v1 =	vld [tilespmem:s18+$0xE0];
	(pc) =	sbr.rel @p0 .LBB2_28-.Ltmp13, $4  }
0x25b: {  	s17 =	sshrl.u32 s16, $0x5;
	v6 =	vld.idx.msk [tilespmem:v4+s1+$0x0], $0xffff  }
0x25c: {  	s17 =	sadd.s32 $0x1, s17;
	v4 =	vld.idx.msk [tilespmem:v7+s1+$0x0], $0xffff  }
0x25d: {  	s18 =	sshll.u32 s17, $0x9;
	s19 =	sshll.u32 s17, $0x7;
	v7 =	vld.idx.msk [tilespmem:v8+s1+$0x0], $0xffff  }
0x25e: {  	s17 =	sand.u32 $0x1000, s18;
	s18 =	sand.u32 $0x380, s19;
	v8 =	vld.idx.msk [tilespmem:v9+s1+$0x0], $0xffff  }
0x25f: {  	_ =	sdelay $0x2  }
0x260: {  	s14 =	sor.u32 s18, s17  }
0x261: {  	v5 =	vld.idx.msk [tilespmem:v5+s1+$0x0], $0xffff;
	s14 =	sor.u32 s15, s14  }
0x262: {  	v3 =	vld.idx.msk [tilespmem:v3+s1+$0x0], $0xffff;
	[tilespmem:s14+$0x30F0] =	vst v6  }
0x263: {  	v2 =	vld.idx.msk [tilespmem:v2+s1+$0x0], $0xffff;
	[tilespmem:s14+$0x3080] =	vst v4  }
0x264: {  	v1 =	vld.idx.msk [tilespmem:v1+s1+$0x0], $0xffff;
	[tilespmem:s14+$0x3090] =	vst v7  }
0x265: {  	[tilespmem:s14+$0x30A0] =	vst v8  }
0x266: {  	[tilespmem:s14+$0x30B0] =	vst v5  }
0x267: {  	[tilespmem:s14+$0x30C0] =	vst v3  }
0x268: {  	[tilespmem:s14+$0x30D0] =	vst v2  }
0x269: {  	[tilespmem:s14+$0x30E0] =	vst v1  }
0x26a: {  	s14 =	rddreg [dreg:$0x10]  }
0x26b: {  	[tilespmem:s6], [sflag:$0x3] =	stream.linear.gather [hbm4b:s14+s1], $0x1000, $0x38;
	[tilespmem:$0x5080] =	vst v63  }
0x26c: {  	s18 =	rddreg [dreg:$0x11]  }
0x26d: {  	[hbm4b:s18+s1] =	stream.linear.scatter [tilespmem:s7], [sflag:$0x4], $0x1000, $0x38;
	[tilespmem:$0x5080] =	vst v63  }
0x26e: {  	_ =	swait.ge [sflag:s8], $0x1000  }
0x26f: {  	[sflag:s8] =	ssyncset.done $0x0  }
0x270: {  	[sflag:s8] =	ssyncadd.s32 $0xFFFFF000  }
0x271: {  	_ =	swait.ge [sflag:s12], $0x1000  }
0x272: {  	[sflag:s12] =	ssyncset.done $0x0  }
0x273: {  	s19 =	simm.s32 $0x470;
	[sflag:s12] =	ssyncadd.s32 $0xFFFFF000  }
0x274: {  	v1 =	vld [tilespmem:s19+$0x0]  }
0x275: {  	v2 =	vld [tilespmem:s19+$0xFFFFFFA0]  }
0x276: {  	v3 =	vld [tilespmem:s19+$0xFFFFFFB0]  }
0x277: {  	v4 =	vld [tilespmem:s19+$0xFFFFFFC0]  }
0x278: {  	v7 =	vld [tilespmem:s19+$0xFFFFFFD0]  }
0x279: {  	v8 =	vld [tilespmem:s19+$0xFFFFFFE0]  }
0x27a: {  	v9 =	vld [tilespmem:s19+$0xFFFFFFF0]  }
0x27b: {  	s14 =	simm.s32 $0x0;
	v10 =	vld [tilespmem:s19+$0xFFFFFF90]  }
0x27c: {  	v11 =	vld.idx.msk [tilespmem:v1+s14+$0x0], $0xffff  }
0x27d: {  	v12 =	vld.idx.msk [tilespmem:v2+s14+$0x0], $0xffff  }
0x27e: {  	v6 =	vld.idx.msk [tilespmem:v3+s14+$0x0], $0xffff  }
0x27f: {  	v5 =	vld.idx.msk [tilespmem:v4+s14+$0x0], $0xffff  }
0x280: {  	v3 =	vld.idx.msk [tilespmem:v7+s14+$0x0], $0xffff  }
0x281: {  	s16 =	simm.s32 $0x40C0;
	v4 =	vld.idx.msk [tilespmem:v8+s14+$0x0], $0xffff  }
0x282: {  	v1 =	vld.idx.msk [tilespmem:v9+s14+$0x0], $0xffff;
	[tilespmem:s16+$0x30] =	vst v11  }
0x283: {  	s17 =	simm.s32 $0x870;
	s15 =	simm.s32 $0x0;
	v2 =	vld.idx.msk [tilespmem:v10+s14+$0x0], $0xffff;
	[tilespmem:s16+$0xFFFFFFD0] =	vst v12  }
.LBB2_30:
0x284: {  	v7 =	vld [tilespmem:s17+$0x0];
	s15 =	sadd.s32 $0x8, s15;
	[tilespmem:s16+$0xFFFFFFE0] =	vst v6  }
0x285: {  	v6 =	vld [tilespmem:s17+$0xFFFFFFA0];
	p0 =	slt.u32 s15, $0x18;
	[tilespmem:s16+$0xFFFFFFF0] =	vst v5  }
0x286: {  	v5 =	vld [tilespmem:s17+$0xFFFFFFB0];
	[tilespmem:s16+$0x0] =	vst v3  }
0x287: {  	v3 =	vld [tilespmem:s17+$0xFFFFFFC0];
	[tilespmem:s16+$0x10] =	vst v4  }
0x288: {  	v4 =	vld [tilespmem:s17+$0xFFFFFFD0];
	[tilespmem:s16+$0x20] =	vst v1  }
0x289: {  	v1 =	vld [tilespmem:s17+$0xFFFFFFE0];
	[tilespmem:s16+$0xFFFFFFC0] =	vst v2  }
0x28a: {  	v2 =	vld [tilespmem:s17+$0xFFFFFFF0]  }
0x28b: {  	v8 =	vld [tilespmem:s17+$0xFFFFFF90]  }
0x28c: {  	v7 =	vld.idx.msk [tilespmem:v7+s14+$0x0], $0xffff  }
0x28d: {  	v9 =	vld.idx.msk [tilespmem:v6+s14+$0x0], $0xffff  }
0x28e: {  	v6 =	vld.idx.msk [tilespmem:v5+s14+$0x0], $0xffff  }
.Ltmp14:
0x28f: {  	v5 =	vld.idx.msk [tilespmem:v3+s14+$0x0], $0xffff;
	(pc) =	sbr.rel @p0 .LBB2_30-.Ltmp14, $4  }
0x290: {  	v3 =	vld.idx.msk [tilespmem:v4+s14+$0x0], $0xffff  }
0x291: {  	s16 =	sadd.s32 $0x400, s16;
	v4 =	vld.idx.msk [tilespmem:v1+s14+$0x0], $0xffff  }
0x292: {  	v1 =	vld.idx.msk [tilespmem:v2+s14+$0x0], $0xffff;
	[tilespmem:s16+$0x30] =	vst v7  }
0x293: {  	s17 =	sadd.s32 $0x400, s17;
	v2 =	vld.idx.msk [tilespmem:v8+s14+$0x0], $0xffff;
	[tilespmem:s16+$0xFFFFFFD0] =	vst v9  }
0x294: {  	[tilespmem:s16+$0xFFFFFFE0] =	vst v6  }
0x295: {  	[tilespmem:s16+$0xFFFFFFF0] =	vst v5  }
0x296: {  	[tilespmem:s16+$0x0] =	vst v3  }
0x297: {  	s17 =	simm.s32 $0x0;
	[tilespmem:s16+$0x10] =	vst v4  }
0x298: {  	s15 =	sand.u32 $0xC00, s14;
	s17 =	sand.u32 $0x3FFFFF80, s17;
	[tilespmem:s16+$0x20] =	vst v1  }
0x299: {  	s18 =	sadd.s32 s15, s17;
	[tilespmem:s16+$0xFFFFFFC0] =	vst v2  }
0x29a: {  	v4 =	vld [tilespmem:s18+$0x10F0]  }
0x29b: {  	v7 =	vld [tilespmem:s18+$0x1080]  }
0x29c: {  	v8 =	vld [tilespmem:s18+$0x1090]  }
0x29d: {  	v9 =	vld [tilespmem:s18+$0x10A0]  }
0x29e: {  	v5 =	vld [tilespmem:s18+$0x10B0]  }
0x29f: {  	v3 =	vld [tilespmem:s18+$0x10C0]  }
0x2a0: {  	v2 =	vld [tilespmem:s18+$0x10D0]  }
0x2a1: {  	v1 =	vld [tilespmem:s18+$0x10E0]  }
0x2a2: {  	v6 =	vld.idx.msk [tilespmem:v4+s1+$0x0], $0xffff  }
0x2a3: {  	v4 =	vld.idx.msk [tilespmem:v7+s1+$0x0], $0xffff  }
0x2a4: {  	s19 =	simm.s32 $0x200;
	s18 =	simm.s32 $0x80;
	v7 =	vld.idx.msk [tilespmem:v8+s1+$0x0], $0xffff  }
0x2a5: {  	s17 =	sand.u32 $0x1000, s19;
	s16 =	simm.s32 $0x0;
	s18 =	sand.u32 $0x380, s18;
	v8 =	vld.idx.msk [tilespmem:v9+s1+$0x0], $0xffff  }
.LBB2_32:
0x2a6: {  	s16 =	sadd.s32 $0x8, s16;
	s17 =	sor.u32 s18, s17;
	v5 =	vld.idx.msk [tilespmem:v5+s1+$0x0], $0xffff  }
0x2a7: {  	s14 =	sadd.s32 $0x400, s14;
	s18 =	sshll.u32 s16, $0x2;
	s17 =	sor.u32 s15, s17;
	v3 =	vld.idx.msk [tilespmem:v3+s1+$0x0], $0xffff  }
0x2a8: {  	s15 =	sand.u32 $0xC00, s14;
	p0 =	slt.u32 s16, $0xD8;
	s18 =	sand.u32 $0x3FFFFF80, s18;
	v2 =	vld.idx.msk [tilespmem:v2+s1+$0x0], $0xffff;
	[tilespmem:s17+$0x40F0] =	vst v6  }
0x2a9: {  	s18 =	sadd.s32 s15, s18;
	[tilespmem:s17+$0x4080] =	vst v4;
	v1 =	vld.idx.msk [tilespmem:v1+s1+$0x0], $0xffff  }
0x2aa: {  	v4 =	vld [tilespmem:s18+$0x10F0];
	[tilespmem:s17+$0x4090] =	vst v7  }
0x2ab: {  	v7 =	vld [tilespmem:s18+$0x1080];
	[tilespmem:s17+$0x40A0] =	vst v8  }
0x2ac: {  	v8 =	vld [tilespmem:s18+$0x1090];
	[tilespmem:s17+$0x40B0] =	vst v5  }
0x2ad: {  	v9 =	vld [tilespmem:s18+$0x10A0];
	[tilespmem:s17+$0x40C0] =	vst v3  }
0x2ae: {  	v5 =	vld [tilespmem:s18+$0x10B0];
	[tilespmem:s17+$0x40D0] =	vst v2  }
0x2af: {  	v3 =	vld [tilespmem:s18+$0x10C0];
	[tilespmem:s17+$0x40E0] =	vst v1  }
0x2b0: {  	v2 =	vld [tilespmem:s18+$0x10D0]  }
.Ltmp15:
0x2b1: {  	v1 =	vld [tilespmem:s18+$0x10E0];
	(pc) =	sbr.rel @p0 .LBB2_32-.Ltmp15, $4  }
0x2b2: {  	s17 =	sshrl.u32 s16, $0x5;
	v6 =	vld.idx.msk [tilespmem:v4+s1+$0x0], $0xffff  }
0x2b3: {  	s17 =	sadd.s32 $0x1, s17;
	v4 =	vld.idx.msk [tilespmem:v7+s1+$0x0], $0xffff  }
0x2b4: {  	s18 =	sshll.u32 s17, $0x9;
	s19 =	sshll.u32 s17, $0x7;
	v7 =	vld.idx.msk [tilespmem:v8+s1+$0x0], $0xffff  }
0x2b5: {  	s17 =	sand.u32 $0x1000, s18;
	s18 =	sand.u32 $0x380, s19;
	v8 =	vld.idx.msk [tilespmem:v9+s1+$0x0], $0xffff  }
0x2b6: {  	_ =	sdelay $0x2  }
0x2b7: {  	s14 =	sor.u32 s18, s17  }
0x2b8: {  	v5 =	vld.idx.msk [tilespmem:v5+s1+$0x0], $0xffff;
	s14 =	sor.u32 s15, s14  }
0x2b9: {  	v3 =	vld.idx.msk [tilespmem:v3+s1+$0x0], $0xffff;
	[tilespmem:s14+$0x40F0] =	vst v6  }
0x2ba: {  	v2 =	vld.idx.msk [tilespmem:v2+s1+$0x0], $0xffff;
	[tilespmem:s14+$0x4080] =	vst v4  }
0x2bb: {  	v1 =	vld.idx.msk [tilespmem:v1+s1+$0x0], $0xffff;
	[tilespmem:s14+$0x4090] =	vst v7  }
0x2bc: {  	[tilespmem:s14+$0x40A0] =	vst v8  }
0x2bd: {  	[tilespmem:s14+$0x40B0] =	vst v5  }
0x2be: {  	[tilespmem:s14+$0x40C0] =	vst v3  }
0x2bf: {  	[tilespmem:s14+$0x40D0] =	vst v2  }
0x2c0: {  	[tilespmem:s14+$0x40E0] =	vst v1  }
0x2c1: {  	s14 =	rddreg [dreg:$0x12]  }
0x2c2: {  	[tilespmem:s2], [sflag:$0x1] =	stream.linear.gather [hbm4b:s14+s1], $0x1000, $0x38;
	[tilespmem:$0x5080] =	vst v63  }
0x2c3: {  	s18 =	rddreg [dreg:$0x13]  }
0x2c4: {  	[hbm4b:s18+s1] =	stream.linear.scatter [tilespmem:s9], [sflag:$0x5], $0x1000, $0x38;
	[tilespmem:$0x5080] =	vst v63  }
0x2c5: {  	_ =	swait.ge [sflag:s10], $0x1000  }
0x2c6: {  	[sflag:s10] =	ssyncset.done $0x0  }
0x2c7: {  	[sflag:s10] =	ssyncadd.s32 $0xFFFFF000  }
0x2c8: {  	_ =	swait.ge [sflag:s11], $0x1000  }
0x2c9: {  	[sflag:s11] =	ssyncset.done $0x0  }
0x2ca: {  	s19 =	simm.s32 $0x1470;
	[sflag:s11] =	ssyncadd.s32 $0xFFFFF000  }
0x2cb: {  	v1 =	vld [tilespmem:s19+$0x0]  }
0x2cc: {  	v2 =	vld [tilespmem:s19+$0xFFFFFFA0]  }
0x2cd: {  	v3 =	vld [tilespmem:s19+$0xFFFFFFB0]  }
0x2ce: {  	v4 =	vld [tilespmem:s19+$0xFFFFFFC0]  }
0x2cf: {  	v7 =	vld [tilespmem:s19+$0xFFFFFFD0]  }
0x2d0: {  	v8 =	vld [tilespmem:s19+$0xFFFFFFE0]  }
0x2d1: {  	v9 =	vld [tilespmem:s19+$0xFFFFFFF0]  }
0x2d2: {  	s14 =	simm.s32 $0x0;
	v10 =	vld [tilespmem:s19+$0xFFFFFF90]  }
0x2d3: {  	v11 =	vld.idx.msk [tilespmem:v1+s14+$0x0], $0xffff  }
0x2d4: {  	v12 =	vld.idx.msk [tilespmem:v2+s14+$0x0], $0xffff  }
0x2d5: {  	v6 =	vld.idx.msk [tilespmem:v3+s14+$0x0], $0xffff  }
0x2d6: {  	v5 =	vld.idx.msk [tilespmem:v4+s14+$0x0], $0xffff  }
0x2d7: {  	v3 =	vld.idx.msk [tilespmem:v7+s14+$0x0], $0xffff  }
0x2d8: {  	s16 =	simm.s32 $0x30C0;
	v4 =	vld.idx.msk [tilespmem:v8+s14+$0x0], $0xffff  }
0x2d9: {  	v1 =	vld.idx.msk [tilespmem:v9+s14+$0x0], $0xffff;
	[tilespmem:s16+$0x30] =	vst v11  }
0x2da: {  	s17 =	simm.s32 $0x1870;
	s15 =	simm.s32 $0x0;
	v2 =	vld.idx.msk [tilespmem:v10+s14+$0x0], $0xffff;
	[tilespmem:s16+$0xFFFFFFD0] =	vst v12  }
.LBB2_34:
0x2db: {  	v7 =	vld [tilespmem:s17+$0x0];
	s15 =	sadd.s32 $0x8, s15;
	[tilespmem:s16+$0xFFFFFFE0] =	vst v6  }
0x2dc: {  	v6 =	vld [tilespmem:s17+$0xFFFFFFA0];
	p0 =	slt.u32 s15, $0x18;
	[tilespmem:s16+$0xFFFFFFF0] =	vst v5  }
0x2dd: {  	v5 =	vld [tilespmem:s17+$0xFFFFFFB0];
	[tilespmem:s16+$0x0] =	vst v3  }
0x2de: {  	v3 =	vld [tilespmem:s17+$0xFFFFFFC0];
	[tilespmem:s16+$0x10] =	vst v4  }
0x2df: {  	v4 =	vld [tilespmem:s17+$0xFFFFFFD0];
	[tilespmem:s16+$0x20] =	vst v1  }
0x2e0: {  	v1 =	vld [tilespmem:s17+$0xFFFFFFE0];
	[tilespmem:s16+$0xFFFFFFC0] =	vst v2  }
0x2e1: {  	v2 =	vld [tilespmem:s17+$0xFFFFFFF0]  }
0x2e2: {  	v8 =	vld [tilespmem:s17+$0xFFFFFF90]  }
0x2e3: {  	v7 =	vld.idx.msk [tilespmem:v7+s14+$0x0], $0xffff  }
0x2e4: {  	v9 =	vld.idx.msk [tilespmem:v6+s14+$0x0], $0xffff  }
0x2e5: {  	v6 =	vld.idx.msk [tilespmem:v5+s14+$0x0], $0xffff  }
.Ltmp16:
0x2e6: {  	v5 =	vld.idx.msk [tilespmem:v3+s14+$0x0], $0xffff;
	(pc) =	sbr.rel @p0 .LBB2_34-.Ltmp16, $4  }
0x2e7: {  	v3 =	vld.idx.msk [tilespmem:v4+s14+$0x0], $0xffff  }
0x2e8: {  	s16 =	sadd.s32 $0x400, s16;
	v4 =	vld.idx.msk [tilespmem:v1+s14+$0x0], $0xffff  }
0x2e9: {  	v1 =	vld.idx.msk [tilespmem:v2+s14+$0x0], $0xffff;
	[tilespmem:s16+$0x30] =	vst v7  }
0x2ea: {  	s17 =	sadd.s32 $0x400, s17;
	v2 =	vld.idx.msk [tilespmem:v8+s14+$0x0], $0xffff;
	[tilespmem:s16+$0xFFFFFFD0] =	vst v9  }
0x2eb: {  	[tilespmem:s16+$0xFFFFFFE0] =	vst v6  }
0x2ec: {  	[tilespmem:s16+$0xFFFFFFF0] =	vst v5  }
0x2ed: {  	[tilespmem:s16+$0x0] =	vst v3  }
0x2ee: {  	s17 =	simm.s32 $0x0;
	[tilespmem:s16+$0x10] =	vst v4  }
0x2ef: {  	s15 =	sand.u32 $0xC00, s14;
	s17 =	sand.u32 $0x3FFFFF80, s17;
	[tilespmem:s16+$0x20] =	vst v1  }
0x2f0: {  	s18 =	sadd.s32 s15, s17;
	[tilespmem:s16+$0xFFFFFFC0] =	vst v2  }
0x2f1: {  	v4 =	vld [tilespmem:s18+$0x20F0]  }
0x2f2: {  	v7 =	vld [tilespmem:s18+$0x2080]  }
0x2f3: {  	v8 =	vld [tilespmem:s18+$0x2090]  }
0x2f4: {  	v9 =	vld [tilespmem:s18+$0x20A0]  }
0x2f5: {  	v5 =	vld [tilespmem:s18+$0x20B0]  }
0x2f6: {  	v3 =	vld [tilespmem:s18+$0x20C0]  }
0x2f7: {  	v2 =	vld [tilespmem:s18+$0x20D0]  }
0x2f8: {  	v1 =	vld [tilespmem:s18+$0x20E0]  }
0x2f9: {  	v6 =	vld.idx.msk [tilespmem:v4+s1+$0x0], $0xffff  }
0x2fa: {  	v4 =	vld.idx.msk [tilespmem:v7+s1+$0x0], $0xffff  }
0x2fb: {  	s19 =	simm.s32 $0x200;
	s18 =	simm.s32 $0x80;
	v7 =	vld.idx.msk [tilespmem:v8+s1+$0x0], $0xffff  }
0x2fc: {  	s17 =	sand.u32 $0x1000, s19;
	s16 =	simm.s32 $0x0;
	s18 =	sand.u32 $0x380, s18;
	v8 =	vld.idx.msk [tilespmem:v9+s1+$0x0], $0xffff  }
.LBB2_36:
0x2fd: {  	s16 =	sadd.s32 $0x8, s16;
	s17 =	sor.u32 s18, s17;
	v5 =	vld.idx.msk [tilespmem:v5+s1+$0x0], $0xffff  }
0x2fe: {  	s14 =	sadd.s32 $0x400, s14;
	s18 =	sshll.u32 s16, $0x2;
	s17 =	sor.u32 s15, s17;
	v3 =	vld.idx.msk [tilespmem:v3+s1+$0x0], $0xffff  }
0x2ff: {  	s15 =	sand.u32 $0xC00, s14;
	p0 =	slt.u32 s16, $0xD8;
	s18 =	sand.u32 $0x3FFFFF80, s18;
	v2 =	vld.idx.msk [tilespmem:v2+s1+$0x0], $0xffff;
	[tilespmem:s17+$0x30F0] =	vst v6  }
0x300: {  	s18 =	sadd.s32 s15, s18;
	[tilespmem:s17+$0x3080] =	vst v4;
	v1 =	vld.idx.msk [tilespmem:v1+s1+$0x0], $0xffff  }
0x301: {  	v4 =	vld [tilespmem:s18+$0x20F0];
	[tilespmem:s17+$0x3090] =	vst v7  }
0x302: {  	v7 =	vld [tilespmem:s18+$0x2080];
	[tilespmem:s17+$0x30A0] =	vst v8  }
0x303: {  	v8 =	vld [tilespmem:s18+$0x2090];
	[tilespmem:s17+$0x30B0] =	vst v5  }
0x304: {  	v9 =	vld [tilespmem:s18+$0x20A0];
	[tilespmem:s17+$0x30C0] =	vst v3  }
0x305: {  	v5 =	vld [tilespmem:s18+$0x20B0];
	[tilespmem:s17+$0x30D0] =	vst v2  }
0x306: {  	v3 =	vld [tilespmem:s18+$0x20C0];
	[tilespmem:s17+$0x30E0] =	vst v1  }
0x307: {  	v2 =	vld [tilespmem:s18+$0x20D0]  }
.Ltmp17:
0x308: {  	v1 =	vld [tilespmem:s18+$0x20E0];
	(pc) =	sbr.rel @p0 .LBB2_36-.Ltmp17, $4  }
0x309: {  	s17 =	sshrl.u32 s16, $0x5;
	v6 =	vld.idx.msk [tilespmem:v4+s1+$0x0], $0xffff  }
0x30a: {  	s17 =	sadd.s32 $0x1, s17;
	v4 =	vld.idx.msk [tilespmem:v7+s1+$0x0], $0xffff  }
0x30b: {  	s18 =	sshll.u32 s17, $0x9;
	s19 =	sshll.u32 s17, $0x7;
	v7 =	vld.idx.msk [tilespmem:v8+s1+$0x0], $0xffff  }
0x30c: {  	s17 =	sand.u32 $0x1000, s18;
	s18 =	sand.u32 $0x380, s19;
	v8 =	vld.idx.msk [tilespmem:v9+s1+$0x0], $0xffff  }
0x30d: {  	_ =	sdelay $0x2  }
0x30e: {  	s14 =	sor.u32 s18, s17  }
0x30f: {  	v5 =	vld.idx.msk [tilespmem:v5+s1+$0x0], $0xffff;
	s14 =	sor.u32 s15, s14  }
0x310: {  	v3 =	vld.idx.msk [tilespmem:v3+s1+$0x0], $0xffff;
	[tilespmem:s14+$0x30F0] =	vst v6  }
0x311: {  	v2 =	vld.idx.msk [tilespmem:v2+s1+$0x0], $0xffff;
	[tilespmem:s14+$0x3080] =	vst v4  }
0x312: {  	v1 =	vld.idx.msk [tilespmem:v1+s1+$0x0], $0xffff;
	[tilespmem:s14+$0x3090] =	vst v7  }
0x313: {  	[tilespmem:s14+$0x30A0] =	vst v8  }
0x314: {  	[tilespmem:s14+$0x30B0] =	vst v5  }
0x315: {  	[tilespmem:s14+$0x30C0] =	vst v3  }
0x316: {  	[tilespmem:s14+$0x30D0] =	vst v2  }
0x317: {  	[tilespmem:s14+$0x30E0] =	vst v1  }
0x318: {  	s14 =	rddreg [dreg:$0x14]  }
0x319: {  	[tilespmem:s3], [sflag:$0x2] =	stream.linear.gather [hbm4b:s14+s1], $0x1000, $0x38;
	[tilespmem:$0x5080] =	vst v63  }
0x31a: {  	s18 =	rddreg [dreg:$0x15]  }
0x31b: {  	[hbm4b:s18+s1] =	stream.linear.scatter [tilespmem:s7], [sflag:$0x4], $0x1000, $0x38;
	[tilespmem:$0x5080] =	vst v63  }
0x31c: {  	_ =	swait.ge [sflag:s5], $0x1000  }
0x31d: {  	[sflag:s5] =	ssyncset.done $0x0  }
0x31e: {  	[sflag:s5] =	ssyncadd.s32 $0xFFFFF000  }
0x31f: {  	_ =	swait.ge [sflag:s12], $0x1000  }
0x320: {  	[sflag:s12] =	ssyncset.done $0x0  }
0x321: {  	s19 =	simm.s32 $0x2470;
	[sflag:s12] =	ssyncadd.s32 $0xFFFFF000  }
0x322: {  	v1 =	vld [tilespmem:s19+$0x0]  }
0x323: {  	v2 =	vld [tilespmem:s19+$0xFFFFFFA0]  }
0x324: {  	v3 =	vld [tilespmem:s19+$0xFFFFFFB0]  }
0x325: {  	v4 =	vld [tilespmem:s19+$0xFFFFFFC0]  }
0x326: {  	v7 =	vld [tilespmem:s19+$0xFFFFFFD0]  }
0x327: {  	v8 =	vld [tilespmem:s19+$0xFFFFFFE0]  }
0x328: {  	v9 =	vld [tilespmem:s19+$0xFFFFFFF0]  }
0x329: {  	s14 =	simm.s32 $0x0;
	v10 =	vld [tilespmem:s19+$0xFFFFFF90]  }
0x32a: {  	v11 =	vld.idx.msk [tilespmem:v1+s14+$0x0], $0xffff  }
0x32b: {  	v12 =	vld.idx.msk [tilespmem:v2+s14+$0x0], $0xffff  }
0x32c: {  	v6 =	vld.idx.msk [tilespmem:v3+s14+$0x0], $0xffff  }
0x32d: {  	v5 =	vld.idx.msk [tilespmem:v4+s14+$0x0], $0xffff  }
0x32e: {  	v3 =	vld.idx.msk [tilespmem:v7+s14+$0x0], $0xffff  }
0x32f: {  	s16 =	simm.s32 $0x40C0;
	v4 =	vld.idx.msk [tilespmem:v8+s14+$0x0], $0xffff  }
0x330: {  	v1 =	vld.idx.msk [tilespmem:v9+s14+$0x0], $0xffff;
	[tilespmem:s16+$0x30] =	vst v11  }
0x331: {  	s17 =	simm.s32 $0x2870;
	s15 =	simm.s32 $0x0;
	v2 =	vld.idx.msk [tilespmem:v10+s14+$0x0], $0xffff;
	[tilespmem:s16+$0xFFFFFFD0] =	vst v12  }
.LBB2_38:
0x332: {  	v7 =	vld [tilespmem:s17+$0x0];
	s15 =	sadd.s32 $0x8, s15;
	[tilespmem:s16+$0xFFFFFFE0] =	vst v6  }
0x333: {  	v6 =	vld [tilespmem:s17+$0xFFFFFFA0];
	p0 =	slt.u32 s15, $0x18;
	[tilespmem:s16+$0xFFFFFFF0] =	vst v5  }
0x334: {  	v5 =	vld [tilespmem:s17+$0xFFFFFFB0];
	[tilespmem:s16+$0x0] =	vst v3  }
0x335: {  	v3 =	vld [tilespmem:s17+$0xFFFFFFC0];
	[tilespmem:s16+$0x10] =	vst v4  }
0x336: {  	v4 =	vld [tilespmem:s17+$0xFFFFFFD0];
	[tilespmem:s16+$0x20] =	vst v1  }
0x337: {  	v1 =	vld [tilespmem:s17+$0xFFFFFFE0];
	[tilespmem:s16+$0xFFFFFFC0] =	vst v2  }
0x338: {  	v2 =	vld [tilespmem:s17+$0xFFFFFFF0]  }
0x339: {  	v8 =	vld [tilespmem:s17+$0xFFFFFF90]  }
0x33a: {  	v7 =	vld.idx.msk [tilespmem:v7+s14+$0x0], $0xffff  }
0x33b: {  	v9 =	vld.idx.msk [tilespmem:v6+s14+$0x0], $0xffff  }
0x33c: {  	v6 =	vld.idx.msk [tilespmem:v5+s14+$0x0], $0xffff  }
.Ltmp18:
0x33d: {  	v5 =	vld.idx.msk [tilespmem:v3+s14+$0x0], $0xffff;
	(pc) =	sbr.rel @p0 .LBB2_38-.Ltmp18, $4  }
0x33e: {  	v3 =	vld.idx.msk [tilespmem:v4+s14+$0x0], $0xffff  }
0x33f: {  	s16 =	sadd.s32 $0x400, s16;
	v4 =	vld.idx.msk [tilespmem:v1+s14+$0x0], $0xffff  }
0x340: {  	v1 =	vld.idx.msk [tilespmem:v2+s14+$0x0], $0xffff;
	[tilespmem:s16+$0x30] =	vst v7  }
0x341: {  	s17 =	sadd.s32 $0x400, s17;
	v2 =	vld.idx.msk [tilespmem:v8+s14+$0x0], $0xffff;
	[tilespmem:s16+$0xFFFFFFD0] =	vst v9  }
0x342: {  	[tilespmem:s16+$0xFFFFFFE0] =	vst v6  }
0x343: {  	[tilespmem:s16+$0xFFFFFFF0] =	vst v5  }
0x344: {  	[tilespmem:s16+$0x0] =	vst v3  }
0x345: {  	s17 =	simm.s32 $0x0;
	[tilespmem:s16+$0x10] =	vst v4  }
0x346: {  	s15 =	sand.u32 $0xC00, s14;
	s17 =	sand.u32 $0x3FFFFF80, s17;
	[tilespmem:s16+$0x20] =	vst v1  }
0x347: {  	s18 =	sadd.s32 s15, s17;
	[tilespmem:s16+$0xFFFFFFC0] =	vst v2  }
0x348: {  	v4 =	vld [tilespmem:s18+$0xF0]  }
0x349: {  	v7 =	vld [tilespmem:s18+$0x80]  }
0x34a: {  	v8 =	vld [tilespmem:s18+$0x90]  }
0x34b: {  	v9 =	vld [tilespmem:s18+$0xA0]  }
0x34c: {  	v5 =	vld [tilespmem:s18+$0xB0]  }
0x34d: {  	v3 =	vld [tilespmem:s18+$0xC0]  }
0x34e: {  	v2 =	vld [tilespmem:s18+$0xD0]  }
0x34f: {  	v1 =	vld [tilespmem:s18+$0xE0]  }
0x350: {  	v6 =	vld.idx.msk [tilespmem:v4+s1+$0x0], $0xffff  }
0x351: {  	v4 =	vld.idx.msk [tilespmem:v7+s1+$0x0], $0xffff  }
0x352: {  	s19 =	simm.s32 $0x200;
	s18 =	simm.s32 $0x80;
	v7 =	vld.idx.msk [tilespmem:v8+s1+$0x0], $0xffff  }
0x353: {  	s17 =	sand.u32 $0x1000, s19;
	s16 =	simm.s32 $0x0;
	s18 =	sand.u32 $0x380, s18;
	v8 =	vld.idx.msk [tilespmem:v9+s1+$0x0], $0xffff  }
.LBB2_40:
0x354: {  	s16 =	sadd.s32 $0x8, s16;
	s17 =	sor.u32 s18, s17;
	v5 =	vld.idx.msk [tilespmem:v5+s1+$0x0], $0xffff  }
0x355: {  	s14 =	sadd.s32 $0x400, s14;
	s18 =	sshll.u32 s16, $0x2;
	s17 =	sor.u32 s15, s17;
	v3 =	vld.idx.msk [tilespmem:v3+s1+$0x0], $0xffff  }
0x356: {  	s15 =	sand.u32 $0xC00, s14;
	p0 =	slt.u32 s16, $0xD8;
	s18 =	sand.u32 $0x3FFFFF80, s18;
	v2 =	vld.idx.msk [tilespmem:v2+s1+$0x0], $0xffff;
	[tilespmem:s17+$0x40F0] =	vst v6  }
0x357: {  	s18 =	sadd.s32 s15, s18;
	[tilespmem:s17+$0x4080] =	vst v4;
	v1 =	vld.idx.msk [tilespmem:v1+s1+$0x0], $0xffff  }
0x358: {  	v4 =	vld [tilespmem:s18+$0xF0];
	[tilespmem:s17+$0x4090] =	vst v7  }
0x359: {  	v7 =	vld [tilespmem:s18+$0x80];
	[tilespmem:s17+$0x40A0] =	vst v8  }
0x35a: {  	v8 =	vld [tilespmem:s18+$0x90];
	[tilespmem:s17+$0x40B0] =	vst v5  }
0x35b: {  	v9 =	vld [tilespmem:s18+$0xA0];
	[tilespmem:s17+$0x40C0] =	vst v3  }
0x35c: {  	v5 =	vld [tilespmem:s18+$0xB0];
	[tilespmem:s17+$0x40D0] =	vst v2  }
0x35d: {  	v3 =	vld [tilespmem:s18+$0xC0];
	[tilespmem:s17+$0x40E0] =	vst v1  }
0x35e: {  	v2 =	vld [tilespmem:s18+$0xD0]  }
.Ltmp19:
0x35f: {  	v1 =	vld [tilespmem:s18+$0xE0];
	(pc) =	sbr.rel @p0 .LBB2_40-.Ltmp19, $4  }
0x360: {  	s17 =	sshrl.u32 s16, $0x5;
	v6 =	vld.idx.msk [tilespmem:v4+s1+$0x0], $0xffff  }
0x361: {  	s17 =	sadd.s32 $0x1, s17;
	v4 =	vld.idx.msk [tilespmem:v7+s1+$0x0], $0xffff  }
0x362: {  	s18 =	sshll.u32 s17, $0x9;
	s19 =	sshll.u32 s17, $0x7;
	v7 =	vld.idx.msk [tilespmem:v8+s1+$0x0], $0xffff  }
0x363: {  	s17 =	sand.u32 $0x1000, s18;
	s18 =	sand.u32 $0x380, s19;
	v8 =	vld.idx.msk [tilespmem:v9+s1+$0x0], $0xffff  }
0x364: {  	_ =	sdelay $0x2  }
0x365: {  	s14 =	sor.u32 s18, s17  }
0x366: {  	v5 =	vld.idx.msk [tilespmem:v5+s1+$0x0], $0xffff;
	s14 =	sor.u32 s15, s14  }
0x367: {  	v3 =	vld.idx.msk [tilespmem:v3+s1+$0x0], $0xffff;
	[tilespmem:s14+$0x40F0] =	vst v6  }
0x368: {  	v2 =	vld.idx.msk [tilespmem:v2+s1+$0x0], $0xffff;
	[tilespmem:s14+$0x4080] =	vst v4  }
0x369: {  	v1 =	vld.idx.msk [tilespmem:v1+s1+$0x0], $0xffff;
	[tilespmem:s14+$0x4090] =	vst v7  }
0x36a: {  	[tilespmem:s14+$0x40A0] =	vst v8  }
0x36b: {  	[tilespmem:s14+$0x40B0] =	vst v5  }
0x36c: {  	[tilespmem:s14+$0x40C0] =	vst v3  }
0x36d: {  	[tilespmem:s14+$0x40D0] =	vst v2  }
0x36e: {  	[tilespmem:s14+$0x40E0] =	vst v1  }
0x36f: {  	[tilespmem:s6], [sflag:$0x3] =	stream.linear.gather [hbm4b:s24+s1], $0x1000, $0x38;
	[tilespmem:$0x5080] =	vst v63  }
0x370: {  	_ = 	snop  }
0x371: {  	[hbm4b:s20+s1] =	stream.linear.scatter [tilespmem:s9], [sflag:$0x5], $0x1000, $0x38;
	[tilespmem:$0x5080] =	vst v63  }
0x372: {  	_ =	swait.ge [sflag:s8], $0x1000  }
0x373: {  	[sflag:s8] =	ssyncset.done $0x0  }
0x374: {  	[sflag:s8] =	ssyncadd.s32 $0xFFFFF000  }
0x375: {  	_ =	swait.ge [sflag:s11], $0x1000  }
0x376: {  	[sflag:s11] =	ssyncset.done $0x0  }
0x377: {  	s19 =	simm.s32 $0x470;
	[sflag:s11] =	ssyncadd.s32 $0xFFFFF000  }
0x378: {  	v1 =	vld [tilespmem:s19+$0x0]  }
0x379: {  	v2 =	vld [tilespmem:s19+$0xFFFFFFA0]  }
0x37a: {  	v3 =	vld [tilespmem:s19+$0xFFFFFFB0]  }
0x37b: {  	v4 =	vld [tilespmem:s19+$0xFFFFFFC0]  }
0x37c: {  	v7 =	vld [tilespmem:s19+$0xFFFFFFD0]  }
0x37d: {  	v8 =	vld [tilespmem:s19+$0xFFFFFFE0]  }
0x37e: {  	v9 =	vld [tilespmem:s19+$0xFFFFFFF0]  }
0x37f: {  	s14 =	simm.s32 $0x0;
	v10 =	vld [tilespmem:s19+$0xFFFFFF90]  }
0x380: {  	v11 =	vld.idx.msk [tilespmem:v1+s14+$0x0], $0xffff  }
0x381: {  	v12 =	vld.idx.msk [tilespmem:v2+s14+$0x0], $0xffff  }
0x382: {  	v6 =	vld.idx.msk [tilespmem:v3+s14+$0x0], $0xffff  }
0x383: {  	v5 =	vld.idx.msk [tilespmem:v4+s14+$0x0], $0xffff  }
0x384: {  	v3 =	vld.idx.msk [tilespmem:v7+s14+$0x0], $0xffff  }
0x385: {  	s16 =	simm.s32 $0x30C0;
	v4 =	vld.idx.msk [tilespmem:v8+s14+$0x0], $0xffff  }
0x386: {  	v1 =	vld.idx.msk [tilespmem:v9+s14+$0x0], $0xffff;
	[tilespmem:s16+$0x30] =	vst v11  }
0x387: {  	s17 =	simm.s32 $0x870;
	s15 =	simm.s32 $0x0;
	v2 =	vld.idx.msk [tilespmem:v10+s14+$0x0], $0xffff;
	[tilespmem:s16+$0xFFFFFFD0] =	vst v12  }
.LBB2_42:
0x388: {  	v7 =	vld [tilespmem:s17+$0x0];
	s15 =	sadd.s32 $0x8, s15;
	[tilespmem:s16+$0xFFFFFFE0] =	vst v6  }
0x389: {  	v6 =	vld [tilespmem:s17+$0xFFFFFFA0];
	p0 =	slt.u32 s15, $0x18;
	[tilespmem:s16+$0xFFFFFFF0] =	vst v5  }
0x38a: {  	v5 =	vld [tilespmem:s17+$0xFFFFFFB0];
	[tilespmem:s16+$0x0] =	vst v3  }
0x38b: {  	v3 =	vld [tilespmem:s17+$0xFFFFFFC0];
	[tilespmem:s16+$0x10] =	vst v4  }
0x38c: {  	v4 =	vld [tilespmem:s17+$0xFFFFFFD0];
	[tilespmem:s16+$0x20] =	vst v1  }
0x38d: {  	v1 =	vld [tilespmem:s17+$0xFFFFFFE0];
	[tilespmem:s16+$0xFFFFFFC0] =	vst v2  }
0x38e: {  	v2 =	vld [tilespmem:s17+$0xFFFFFFF0]  }
0x38f: {  	v8 =	vld [tilespmem:s17+$0xFFFFFF90]  }
0x390: {  	v7 =	vld.idx.msk [tilespmem:v7+s14+$0x0], $0xffff  }
0x391: {  	v9 =	vld.idx.msk [tilespmem:v6+s14+$0x0], $0xffff  }
0x392: {  	v6 =	vld.idx.msk [tilespmem:v5+s14+$0x0], $0xffff  }
.Ltmp20:
0x393: {  	v5 =	vld.idx.msk [tilespmem:v3+s14+$0x0], $0xffff;
	(pc) =	sbr.rel @p0 .LBB2_42-.Ltmp20, $4  }
0x394: {  	v3 =	vld.idx.msk [tilespmem:v4+s14+$0x0], $0xffff  }
0x395: {  	s16 =	sadd.s32 $0x400, s16;
	v4 =	vld.idx.msk [tilespmem:v1+s14+$0x0], $0xffff  }
0x396: {  	v1 =	vld.idx.msk [tilespmem:v2+s14+$0x0], $0xffff;
	[tilespmem:s16+$0x30] =	vst v7  }
0x397: {  	s17 =	sadd.s32 $0x400, s17;
	v2 =	vld.idx.msk [tilespmem:v8+s14+$0x0], $0xffff;
	[tilespmem:s16+$0xFFFFFFD0] =	vst v9  }
0x398: {  	[tilespmem:s16+$0xFFFFFFE0] =	vst v6  }
0x399: {  	[tilespmem:s16+$0xFFFFFFF0] =	vst v5  }
0x39a: {  	[tilespmem:s16+$0x0] =	vst v3  }
0x39b: {  	s17 =	simm.s32 $0x0;
	[tilespmem:s16+$0x10] =	vst v4  }
0x39c: {  	s15 =	sand.u32 $0xC00, s14;
	s17 =	sand.u32 $0x3FFFFF80, s17;
	[tilespmem:s16+$0x20] =	vst v1  }
0x39d: {  	s18 =	sadd.s32 s15, s17;
	[tilespmem:s16+$0xFFFFFFC0] =	vst v2  }
0x39e: {  	v4 =	vld [tilespmem:s18+$0x10F0]  }
0x39f: {  	v7 =	vld [tilespmem:s18+$0x1080]  }
0x3a0: {  	v8 =	vld [tilespmem:s18+$0x1090]  }
0x3a1: {  	v9 =	vld [tilespmem:s18+$0x10A0]  }
0x3a2: {  	v5 =	vld [tilespmem:s18+$0x10B0]  }
0x3a3: {  	v3 =	vld [tilespmem:s18+$0x10C0]  }
0x3a4: {  	v2 =	vld [tilespmem:s18+$0x10D0]  }
0x3a5: {  	v1 =	vld [tilespmem:s18+$0x10E0]  }
0x3a6: {  	v6 =	vld.idx.msk [tilespmem:v4+s1+$0x0], $0xffff  }
0x3a7: {  	v4 =	vld.idx.msk [tilespmem:v7+s1+$0x0], $0xffff  }
0x3a8: {  	s19 =	simm.s32 $0x200;
	s18 =	simm.s32 $0x80;
	v7 =	vld.idx.msk [tilespmem:v8+s1+$0x0], $0xffff  }
0x3a9: {  	s17 =	sand.u32 $0x1000, s19;
	s16 =	simm.s32 $0x0;
	s18 =	sand.u32 $0x380, s18;
	v8 =	vld.idx.msk [tilespmem:v9+s1+$0x0], $0xffff  }
.LBB2_44:
0x3aa: {  	s16 =	sadd.s32 $0x8, s16;
	s17 =	sor.u32 s18, s17;
	v5 =	vld.idx.msk [tilespmem:v5+s1+$0x0], $0xffff  }
0x3ab: {  	s14 =	sadd.s32 $0x400, s14;
	s18 =	sshll.u32 s16, $0x2;
	s17 =	sor.u32 s15, s17;
	v3 =	vld.idx.msk [tilespmem:v3+s1+$0x0], $0xffff  }
0x3ac: {  	s15 =	sand.u32 $0xC00, s14;
	p0 =	slt.u32 s16, $0xD8;
	s18 =	sand.u32 $0x3FFFFF80, s18;
	v2 =	vld.idx.msk [tilespmem:v2+s1+$0x0], $0xffff;
	[tilespmem:s17+$0x30F0] =	vst v6  }
0x3ad: {  	s18 =	sadd.s32 s15, s18;
	[tilespmem:s17+$0x3080] =	vst v4;
	v1 =	vld.idx.msk [tilespmem:v1+s1+$0x0], $0xffff  }
0x3ae: {  	v4 =	vld [tilespmem:s18+$0x10F0];
	[tilespmem:s17+$0x3090] =	vst v7  }
0x3af: {  	v7 =	vld [tilespmem:s18+$0x1080];
	[tilespmem:s17+$0x30A0] =	vst v8  }
0x3b0: {  	v8 =	vld [tilespmem:s18+$0x1090];
	[tilespmem:s17+$0x30B0] =	vst v5  }
0x3b1: {  	v9 =	vld [tilespmem:s18+$0x10A0];
	[tilespmem:s17+$0x30C0] =	vst v3  }
0x3b2: {  	v5 =	vld [tilespmem:s18+$0x10B0];
	[tilespmem:s17+$0x30D0] =	vst v2  }
0x3b3: {  	v3 =	vld [tilespmem:s18+$0x10C0];
	[tilespmem:s17+$0x30E0] =	vst v1  }
0x3b4: {  	v2 =	vld [tilespmem:s18+$0x10D0]  }
.Ltmp21:
0x3b5: {  	v1 =	vld [tilespmem:s18+$0x10E0];
	(pc) =	sbr.rel @p0 .LBB2_44-.Ltmp21, $4  }
0x3b6: {  	s17 =	sshrl.u32 s16, $0x5;
	v6 =	vld.idx.msk [tilespmem:v4+s1+$0x0], $0xffff  }
0x3b7: {  	s17 =	sadd.s32 $0x1, s17;
	v4 =	vld.idx.msk [tilespmem:v7+s1+$0x0], $0xffff  }
0x3b8: {  	s18 =	sshll.u32 s17, $0x9;
	s19 =	sshll.u32 s17, $0x7;
	v7 =	vld.idx.msk [tilespmem:v8+s1+$0x0], $0xffff  }
0x3b9: {  	s17 =	sand.u32 $0x1000, s18;
	s18 =	sand.u32 $0x380, s19;
	v8 =	vld.idx.msk [tilespmem:v9+s1+$0x0], $0xffff  }
0x3ba: {  	_ =	sdelay $0x2  }
0x3bb: {  	s14 =	sor.u32 s18, s17  }
0x3bc: {  	v5 =	vld.idx.msk [tilespmem:v5+s1+$0x0], $0xffff;
	s14 =	sor.u32 s15, s14  }
0x3bd: {  	v3 =	vld.idx.msk [tilespmem:v3+s1+$0x0], $0xffff;
	[tilespmem:s14+$0x30F0] =	vst v6  }
0x3be: {  	v2 =	vld.idx.msk [tilespmem:v2+s1+$0x0], $0xffff;
	[tilespmem:s14+$0x3080] =	vst v4  }
0x3bf: {  	v1 =	vld.idx.msk [tilespmem:v1+s1+$0x0], $0xffff;
	[tilespmem:s14+$0x3090] =	vst v7  }
0x3c0: {  	[tilespmem:s14+$0x30A0] =	vst v8  }
0x3c1: {  	[tilespmem:s14+$0x30B0] =	vst v5  }
0x3c2: {  	[tilespmem:s14+$0x30C0] =	vst v3  }
0x3c3: {  	[tilespmem:s14+$0x30D0] =	vst v2  }
0x3c4: {  	[tilespmem:s14+$0x30E0] =	vst v1  }
0x3c5: {  	[tilespmem:s2], [sflag:$0x1] =	stream.linear.gather [hbm4b:s26+s1], $0x1000, $0x38;
	[tilespmem:$0x5080] =	vst v63  }
0x3c6: {  	_ = 	snop  }
0x3c7: {  	[hbm4b:s21+s1] =	stream.linear.scatter [tilespmem:s7], [sflag:$0x4], $0x1000, $0x38;
	[tilespmem:$0x5080] =	vst v63  }
0x3c8: {  	_ =	swait.ge [sflag:s10], $0x1000  }
0x3c9: {  	[sflag:s10] =	ssyncset.done $0x0  }
0x3ca: {  	[sflag:s10] =	ssyncadd.s32 $0xFFFFF000  }
0x3cb: {  	_ =	swait.ge [sflag:s12], $0x1000  }
0x3cc: {  	[sflag:s12] =	ssyncset.done $0x0  }
0x3cd: {  	s19 =	simm.s32 $0x1470;
	[sflag:s12] =	ssyncadd.s32 $0xFFFFF000  }
0x3ce: {  	v1 =	vld [tilespmem:s19+$0x0]  }
0x3cf: {  	v2 =	vld [tilespmem:s19+$0xFFFFFFA0]  }
0x3d0: {  	v3 =	vld [tilespmem:s19+$0xFFFFFFB0]  }
0x3d1: {  	v4 =	vld [tilespmem:s19+$0xFFFFFFC0]  }
0x3d2: {  	v7 =	vld [tilespmem:s19+$0xFFFFFFD0]  }
0x3d3: {  	v8 =	vld [tilespmem:s19+$0xFFFFFFE0]  }
0x3d4: {  	v9 =	vld [tilespmem:s19+$0xFFFFFFF0]  }
0x3d5: {  	s14 =	simm.s32 $0x0;
	v10 =	vld [tilespmem:s19+$0xFFFFFF90]  }
0x3d6: {  	v11 =	vld.idx.msk [tilespmem:v1+s14+$0x0], $0xffff  }
0x3d7: {  	v12 =	vld.idx.msk [tilespmem:v2+s14+$0x0], $0xffff  }
0x3d8: {  	v6 =	vld.idx.msk [tilespmem:v3+s14+$0x0], $0xffff  }
0x3d9: {  	v5 =	vld.idx.msk [tilespmem:v4+s14+$0x0], $0xffff  }
0x3da: {  	v3 =	vld.idx.msk [tilespmem:v7+s14+$0x0], $0xffff  }
0x3db: {  	s16 =	simm.s32 $0x40C0;
	v4 =	vld.idx.msk [tilespmem:v8+s14+$0x0], $0xffff  }
0x3dc: {  	v1 =	vld.idx.msk [tilespmem:v9+s14+$0x0], $0xffff;
	[tilespmem:s16+$0x30] =	vst v11  }
0x3dd: {  	s17 =	simm.s32 $0x1870;
	s15 =	simm.s32 $0x0;
	v2 =	vld.idx.msk [tilespmem:v10+s14+$0x0], $0xffff;
	[tilespmem:s16+$0xFFFFFFD0] =	vst v12  }
.LBB2_46:
0x3de: {  	v7 =	vld [tilespmem:s17+$0x0];
	s15 =	sadd.s32 $0x8, s15;
	[tilespmem:s16+$0xFFFFFFE0] =	vst v6  }
0x3df: {  	v6 =	vld [tilespmem:s17+$0xFFFFFFA0];
	p0 =	slt.u32 s15, $0x18;
	[tilespmem:s16+$0xFFFFFFF0] =	vst v5  }
0x3e0: {  	v5 =	vld [tilespmem:s17+$0xFFFFFFB0];
	[tilespmem:s16+$0x0] =	vst v3  }
0x3e1: {  	v3 =	vld [tilespmem:s17+$0xFFFFFFC0];
	[tilespmem:s16+$0x10] =	vst v4  }
0x3e2: {  	v4 =	vld [tilespmem:s17+$0xFFFFFFD0];
	[tilespmem:s16+$0x20] =	vst v1  }
0x3e3: {  	v1 =	vld [tilespmem:s17+$0xFFFFFFE0];
	[tilespmem:s16+$0xFFFFFFC0] =	vst v2  }
0x3e4: {  	v2 =	vld [tilespmem:s17+$0xFFFFFFF0]  }
0x3e5: {  	v8 =	vld [tilespmem:s17+$0xFFFFFF90]  }
0x3e6: {  	v7 =	vld.idx.msk [tilespmem:v7+s14+$0x0], $0xffff  }
0x3e7: {  	v9 =	vld.idx.msk [tilespmem:v6+s14+$0x0], $0xffff  }
0x3e8: {  	v6 =	vld.idx.msk [tilespmem:v5+s14+$0x0], $0xffff  }
.Ltmp22:
0x3e9: {  	v5 =	vld.idx.msk [tilespmem:v3+s14+$0x0], $0xffff;
	(pc) =	sbr.rel @p0 .LBB2_46-.Ltmp22, $4  }
0x3ea: {  	v3 =	vld.idx.msk [tilespmem:v4+s14+$0x0], $0xffff  }
0x3eb: {  	s16 =	sadd.s32 $0x400, s16;
	v4 =	vld.idx.msk [tilespmem:v1+s14+$0x0], $0xffff  }
0x3ec: {  	v1 =	vld.idx.msk [tilespmem:v2+s14+$0x0], $0xffff;
	[tilespmem:s16+$0x30] =	vst v7  }
0x3ed: {  	s17 =	sadd.s32 $0x400, s17;
	v2 =	vld.idx.msk [tilespmem:v8+s14+$0x0], $0xffff;
	[tilespmem:s16+$0xFFFFFFD0] =	vst v9  }
0x3ee: {  	[tilespmem:s16+$0xFFFFFFE0] =	vst v6  }
0x3ef: {  	[tilespmem:s16+$0xFFFFFFF0] =	vst v5  }
0x3f0: {  	[tilespmem:s16+$0x0] =	vst v3  }
0x3f1: {  	s17 =	simm.s32 $0x0;
	[tilespmem:s16+$0x10] =	vst v4  }
0x3f2: {  	s15 =	sand.u32 $0xC00, s14;
	s17 =	sand.u32 $0x3FFFFF80, s17;
	[tilespmem:s16+$0x20] =	vst v1  }
0x3f3: {  	s18 =	sadd.s32 s15, s17;
	[tilespmem:s16+$0xFFFFFFC0] =	vst v2  }
0x3f4: {  	v4 =	vld [tilespmem:s18+$0x20F0]  }
0x3f5: {  	v7 =	vld [tilespmem:s18+$0x2080]  }
0x3f6: {  	v8 =	vld [tilespmem:s18+$0x2090]  }
0x3f7: {  	v9 =	vld [tilespmem:s18+$0x20A0]  }
0x3f8: {  	v5 =	vld [tilespmem:s18+$0x20B0]  }
0x3f9: {  	v3 =	vld [tilespmem:s18+$0x20C0]  }
0x3fa: {  	v2 =	vld [tilespmem:s18+$0x20D0]  }
0x3fb: {  	v1 =	vld [tilespmem:s18+$0x20E0]  }
0x3fc: {  	v6 =	vld.idx.msk [tilespmem:v4+s1+$0x0], $0xffff  }
0x3fd: {  	v4 =	vld.idx.msk [tilespmem:v7+s1+$0x0], $0xffff  }
0x3fe: {  	s19 =	simm.s32 $0x200;
	s18 =	simm.s32 $0x80;
	v7 =	vld.idx.msk [tilespmem:v8+s1+$0x0], $0xffff  }
0x3ff: {  	s17 =	sand.u32 $0x1000, s19;
	s16 =	simm.s32 $0x0;
	s18 =	sand.u32 $0x380, s18;
	v8 =	vld.idx.msk [tilespmem:v9+s1+$0x0], $0xffff  }
.LBB2_48:
0x400: {  	s16 =	sadd.s32 $0x8, s16;
	s17 =	sor.u32 s18, s17;
	v5 =	vld.idx.msk [tilespmem:v5+s1+$0x0], $0xffff  }
0x401: {  	s14 =	sadd.s32 $0x400, s14;
	s18 =	sshll.u32 s16, $0x2;
	s17 =	sor.u32 s15, s17;
	v3 =	vld.idx.msk [tilespmem:v3+s1+$0x0], $0xffff  }
0x402: {  	s15 =	sand.u32 $0xC00, s14;
	p0 =	slt.u32 s16, $0xD8;
	s18 =	sand.u32 $0x3FFFFF80, s18;
	v2 =	vld.idx.msk [tilespmem:v2+s1+$0x0], $0xffff;
	[tilespmem:s17+$0x40F0] =	vst v6  }
0x403: {  	s18 =	sadd.s32 s15, s18;
	[tilespmem:s17+$0x4080] =	vst v4;
	v1 =	vld.idx.msk [tilespmem:v1+s1+$0x0], $0xffff  }
0x404: {  	v4 =	vld [tilespmem:s18+$0x20F0];
	[tilespmem:s17+$0x4090] =	vst v7  }
0x405: {  	v7 =	vld [tilespmem:s18+$0x2080];
	[tilespmem:s17+$0x40A0] =	vst v8  }
0x406: {  	v8 =	vld [tilespmem:s18+$0x2090];
	[tilespmem:s17+$0x40B0] =	vst v5  }
0x407: {  	v9 =	vld [tilespmem:s18+$0x20A0];
	[tilespmem:s17+$0x40C0] =	vst v3  }
0x408: {  	v5 =	vld [tilespmem:s18+$0x20B0];
	[tilespmem:s17+$0x40D0] =	vst v2  }
0x409: {  	v3 =	vld [tilespmem:s18+$0x20C0];
	[tilespmem:s17+$0x40E0] =	vst v1  }
0x40a: {  	v2 =	vld [tilespmem:s18+$0x20D0]  }
.Ltmp23:
0x40b: {  	v1 =	vld [tilespmem:s18+$0x20E0];
	(pc) =	sbr.rel @p0 .LBB2_48-.Ltmp23, $4  }
0x40c: {  	s17 =	sshrl.u32 s16, $0x5;
	v6 =	vld.idx.msk [tilespmem:v4+s1+$0x0], $0xffff  }
0x40d: {  	s17 =	sadd.s32 $0x1, s17;
	v4 =	vld.idx.msk [tilespmem:v7+s1+$0x0], $0xffff  }
0x40e: {  	s18 =	sshll.u32 s17, $0x9;
	s19 =	sshll.u32 s17, $0x7;
	v7 =	vld.idx.msk [tilespmem:v8+s1+$0x0], $0xffff  }
0x40f: {  	s17 =	sand.u32 $0x1000, s18;
	s18 =	sand.u32 $0x380, s19;
	v8 =	vld.idx.msk [tilespmem:v9+s1+$0x0], $0xffff  }
0x410: {  	_ =	sdelay $0x2  }
0x411: {  	s14 =	sor.u32 s18, s17  }
0x412: {  	v5 =	vld.idx.msk [tilespmem:v5+s1+$0x0], $0xffff;
	s14 =	sor.u32 s15, s14  }
0x413: {  	v3 =	vld.idx.msk [tilespmem:v3+s1+$0x0], $0xffff;
	[tilespmem:s14+$0x40F0] =	vst v6  }
0x414: {  	v2 =	vld.idx.msk [tilespmem:v2+s1+$0x0], $0xffff;
	[tilespmem:s14+$0x4080] =	vst v4  }
0x415: {  	v1 =	vld.idx.msk [tilespmem:v1+s1+$0x0], $0xffff;
	[tilespmem:s14+$0x4090] =	vst v7  }
0x416: {  	[tilespmem:s14+$0x40A0] =	vst v8  }
0x417: {  	[tilespmem:s14+$0x40B0] =	vst v5  }
0x418: {  	[tilespmem:s14+$0x40C0] =	vst v3  }
0x419: {  	[tilespmem:s14+$0x40D0] =	vst v2  }
0x41a: {  	[tilespmem:s14+$0x40E0] =	vst v1  }
0x41b: {  	[tilespmem:s3], [sflag:$0x2] =	stream.linear.gather [hbm4b:s28+s1], $0x200, $0x38;
	[tilespmem:$0x5080] =	vst v63  }
0x41c: {  	s18 =	sadd.s32 $0x80, s28;
	s19 =	simm.s32 $0x1480  }
0x41d: {  	[tilespmem:s19], [sflag:$0x2] =	stream.linear.gather [hbm4b:s18+s1], $0x200, $0x38;
	[tilespmem:$0x5080] =	vst v63  }
0x41e: {  	s16 =	simm.s32 $0x1880;
	s15 =	sadd.s32 $0x100, s28  }
0x41f: {  	[tilespmem:s16], [sflag:$0x2] =	stream.linear.gather [hbm4b:s15+s1], $0x200, $0x38;
	[tilespmem:$0x5080] =	vst v63  }
0x420: {  	s17 =	sadd.s32 $0x180, s28;
	s18 =	simm.s32 $0x1C80  }
0x421: {  	[tilespmem:s18], [sflag:$0x2] =	stream.linear.gather [hbm4b:s17+s1], $0x200, $0x38;
	[tilespmem:$0x5080] =	vst v63  }
0x422: {  	_ = 	snop  }
0x423: {  	[hbm4b:s29+s1] =	stream.linear.scatter [tilespmem:s9], [sflag:$0x5], $0x1000, $0x38;
	[tilespmem:$0x5080] =	vst v63  }
0x424: {  	_ =	swait.ge [sflag:s5], $0x1000  }
0x425: {  	[sflag:s5] =	ssyncset.done $0x0  }
0x426: {  	[sflag:s5] =	ssyncadd.s32 $0xFFFFF000  }
0x427: {  	_ =	swait.ge [sflag:s11], $0x1000  }
0x428: {  	[sflag:s11] =	ssyncset.done $0x0  }
0x429: {  	s19 =	simm.s32 $0x2470;
	[sflag:s11] =	ssyncadd.s32 $0xFFFFF000  }
0x42a: {  	v1 =	vld [tilespmem:s19+$0x0]  }
0x42b: {  	v2 =	vld [tilespmem:s19+$0xFFFFFFA0]  }
0x42c: {  	v3 =	vld [tilespmem:s19+$0xFFFFFFB0]  }
0x42d: {  	v4 =	vld [tilespmem:s19+$0xFFFFFFC0]  }
0x42e: {  	v7 =	vld [tilespmem:s19+$0xFFFFFFD0]  }
0x42f: {  	v8 =	vld [tilespmem:s19+$0xFFFFFFE0]  }
0x430: {  	v9 =	vld [tilespmem:s19+$0xFFFFFFF0]  }
0x431: {  	s14 =	simm.s32 $0x0;
	v10 =	vld [tilespmem:s19+$0xFFFFFF90]  }
0x432: {  	v11 =	vld.idx.msk [tilespmem:v1+s14+$0x0], $0xffff  }
0x433: {  	v12 =	vld.idx.msk [tilespmem:v2+s14+$0x0], $0xffff  }
0x434: {  	v6 =	vld.idx.msk [tilespmem:v3+s14+$0x0], $0xffff  }
0x435: {  	v5 =	vld.idx.msk [tilespmem:v4+s14+$0x0], $0xffff  }
0x436: {  	v3 =	vld.idx.msk [tilespmem:v7+s14+$0x0], $0xffff  }
0x437: {  	s16 =	simm.s32 $0x30C0;
	v4 =	vld.idx.msk [tilespmem:v8+s14+$0x0], $0xffff  }
0x438: {  	v1 =	vld.idx.msk [tilespmem:v9+s14+$0x0], $0xffff;
	[tilespmem:s16+$0x30] =	vst v11  }
0x439: {  	s15 =	simm.s32 $0x0;
	s17 =	simm.s32 $0x2870;
	v2 =	vld.idx.msk [tilespmem:v10+s14+$0x0], $0xffff;
	[tilespmem:s16+$0xFFFFFFD0] =	vst v12  }
.LBB2_50:
0x43a: {  	v7 =	vld [tilespmem:s17+$0x0];
	s15 =	sadd.s32 $0x8, s15;
	[tilespmem:s16+$0xFFFFFFE0] =	vst v6  }
0x43b: {  	v6 =	vld [tilespmem:s17+$0xFFFFFFA0];
	p0 =	slt.u32 s15, $0x18;
	[tilespmem:s16+$0xFFFFFFF0] =	vst v5  }
0x43c: {  	v5 =	vld [tilespmem:s17+$0xFFFFFFB0];
	[tilespmem:s16+$0x0] =	vst v3  }
0x43d: {  	v3 =	vld [tilespmem:s17+$0xFFFFFFC0];
	[tilespmem:s16+$0x10] =	vst v4  }
0x43e: {  	v4 =	vld [tilespmem:s17+$0xFFFFFFD0];
	[tilespmem:s16+$0x20] =	vst v1  }
0x43f: {  	v1 =	vld [tilespmem:s17+$0xFFFFFFE0];
	[tilespmem:s16+$0xFFFFFFC0] =	vst v2  }
0x440: {  	v2 =	vld [tilespmem:s17+$0xFFFFFFF0]  }
0x441: {  	v8 =	vld [tilespmem:s17+$0xFFFFFF90]  }
0x442: {  	v7 =	vld.idx.msk [tilespmem:v7+s14+$0x0], $0xffff  }
0x443: {  	v9 =	vld.idx.msk [tilespmem:v6+s14+$0x0], $0xffff  }
0x444: {  	v6 =	vld.idx.msk [tilespmem:v5+s14+$0x0], $0xffff  }
.Ltmp24:
0x445: {  	v5 =	vld.idx.msk [tilespmem:v3+s14+$0x0], $0xffff;
	(pc) =	sbr.rel @p0 .LBB2_50-.Ltmp24, $4  }
0x446: {  	v3 =	vld.idx.msk [tilespmem:v4+s14+$0x0], $0xffff  }
0x447: {  	s16 =	sadd.s32 $0x400, s16;
	v4 =	vld.idx.msk [tilespmem:v1+s14+$0x0], $0xffff  }
0x448: {  	v1 =	vld.idx.msk [tilespmem:v2+s14+$0x0], $0xffff;
	[tilespmem:s16+$0x30] =	vst v7  }
0x449: {  	s17 =	sadd.s32 $0x400, s17;
	v2 =	vld.idx.msk [tilespmem:v8+s14+$0x0], $0xffff;
	[tilespmem:s16+$0xFFFFFFD0] =	vst v9  }
0x44a: {  	[tilespmem:s16+$0xFFFFFFE0] =	vst v6  }
0x44b: {  	[tilespmem:s16+$0xFFFFFFF0] =	vst v5  }
0x44c: {  	[tilespmem:s16+$0x0] =	vst v3  }
0x44d: {  	s17 =	simm.s32 $0x0;
	[tilespmem:s16+$0x10] =	vst v4  }
0x44e: {  	s15 =	sand.u32 $0xC00, s14;
	s17 =	sand.u32 $0x3FFFFF80, s17;
	[tilespmem:s16+$0x20] =	vst v1  }
0x44f: {  	s18 =	sadd.s32 s15, s17;
	[tilespmem:s16+$0xFFFFFFC0] =	vst v2  }
0x450: {  	v4 =	vld [tilespmem:s18+$0xF0]  }
0x451: {  	v7 =	vld [tilespmem:s18+$0x80]  }
0x452: {  	v8 =	vld [tilespmem:s18+$0x90]  }
0x453: {  	v9 =	vld [tilespmem:s18+$0xA0]  }
0x454: {  	v5 =	vld [tilespmem:s18+$0xB0]  }
0x455: {  	v3 =	vld [tilespmem:s18+$0xC0]  }
0x456: {  	v2 =	vld [tilespmem:s18+$0xD0]  }
0x457: {  	v1 =	vld [tilespmem:s18+$0xE0]  }
0x458: {  	v6 =	vld.idx.msk [tilespmem:v4+s1+$0x0], $0xffff  }
0x459: {  	v4 =	vld.idx.msk [tilespmem:v7+s1+$0x0], $0xffff  }
0x45a: {  	s19 =	simm.s32 $0x200;
	s18 =	simm.s32 $0x80;
	v7 =	vld.idx.msk [tilespmem:v8+s1+$0x0], $0xffff  }
0x45b: {  	s17 =	sand.u32 $0x1000, s19;
	s16 =	simm.s32 $0x0;
	s18 =	sand.u32 $0x380, s18;
	v8 =	vld.idx.msk [tilespmem:v9+s1+$0x0], $0xffff  }
.LBB2_52:
0x45c: {  	s16 =	sadd.s32 $0x8, s16;
	s17 =	sor.u32 s18, s17;
	v5 =	vld.idx.msk [tilespmem:v5+s1+$0x0], $0xffff  }
0x45d: {  	s14 =	sadd.s32 $0x400, s14;
	s18 =	sshll.u32 s16, $0x2;
	s17 =	sor.u32 s15, s17;
	v3 =	vld.idx.msk [tilespmem:v3+s1+$0x0], $0xffff  }
0x45e: {  	s15 =	sand.u32 $0xC00, s14;
	p0 =	slt.u32 s16, $0xD8;
	s18 =	sand.u32 $0x3FFFFF80, s18;
	v2 =	vld.idx.msk [tilespmem:v2+s1+$0x0], $0xffff;
	[tilespmem:s17+$0x30F0] =	vst v6  }
0x45f: {  	s18 =	sadd.s32 s15, s18;
	[tilespmem:s17+$0x3080] =	vst v4;
	v1 =	vld.idx.msk [tilespmem:v1+s1+$0x0], $0xffff  }
0x460: {  	v4 =	vld [tilespmem:s18+$0xF0];
	[tilespmem:s17+$0x3090] =	vst v7  }
0x461: {  	v7 =	vld [tilespmem:s18+$0x80];
	[tilespmem:s17+$0x30A0] =	vst v8  }
0x462: {  	v8 =	vld [tilespmem:s18+$0x90];
	[tilespmem:s17+$0x30B0] =	vst v5  }
0x463: {  	v9 =	vld [tilespmem:s18+$0xA0];
	[tilespmem:s17+$0x30C0] =	vst v3  }
0x464: {  	v5 =	vld [tilespmem:s18+$0xB0];
	[tilespmem:s17+$0x30D0] =	vst v2  }
0x465: {  	v3 =	vld [tilespmem:s18+$0xC0];
	[tilespmem:s17+$0x30E0] =	vst v1  }
0x466: {  	v2 =	vld [tilespmem:s18+$0xD0]  }
.Ltmp25:
0x467: {  	v1 =	vld [tilespmem:s18+$0xE0];
	(pc) =	sbr.rel @p0 .LBB2_52-.Ltmp25, $4  }
0x468: {  	s17 =	sshrl.u32 s16, $0x5;
	v6 =	vld.idx.msk [tilespmem:v4+s1+$0x0], $0xffff  }
0x469: {  	s17 =	sadd.s32 $0x1, s17;
	v4 =	vld.idx.msk [tilespmem:v7+s1+$0x0], $0xffff  }
0x46a: {  	s18 =	sshll.u32 s17, $0x9;
	s19 =	sshll.u32 s17, $0x7;
	v7 =	vld.idx.msk [tilespmem:v8+s1+$0x0], $0xffff  }
0x46b: {  	s17 =	sand.u32 $0x1000, s18;
	s18 =	sand.u32 $0x380, s19;
	v8 =	vld.idx.msk [tilespmem:v9+s1+$0x0], $0xffff  }
0x46c: {  	_ =	sdelay $0x2  }
0x46d: {  	s14 =	sor.u32 s18, s17  }
0x46e: {  	v5 =	vld.idx.msk [tilespmem:v5+s1+$0x0], $0xffff;
	s14 =	sor.u32 s15, s14  }
0x46f: {  	v3 =	vld.idx.msk [tilespmem:v3+s1+$0x0], $0xffff;
	[tilespmem:s14+$0x30F0] =	vst v6  }
0x470: {  	v2 =	vld.idx.msk [tilespmem:v2+s1+$0x0], $0xffff;
	[tilespmem:s14+$0x3080] =	vst v4  }
0x471: {  	v1 =	vld.idx.msk [tilespmem:v1+s1+$0x0], $0xffff;
	[tilespmem:s14+$0x3090] =	vst v7  }
0x472: {  	[tilespmem:s14+$0x30A0] =	vst v8  }
0x473: {  	[tilespmem:s14+$0x30B0] =	vst v5  }
0x474: {  	[tilespmem:s14+$0x30C0] =	vst v3  }
0x475: {  	[tilespmem:s14+$0x30D0] =	vst v2  }
0x476: {  	[tilespmem:s14+$0x30E0] =	vst v1  }
0x477: {  	[hbm4b:s30+s1] =	stream.linear.scatter [tilespmem:s7], [sflag:$0x4], $0x1000, $0x38;
	[tilespmem:$0x5080] =	vst v63  }
0x478: {  	_ =	swait.ge [sflag:s8], $0x800  }
0x479: {  	[sflag:s8] =	ssyncset.done $0x0  }
0x47a: {  	[sflag:s8] =	ssyncadd.s32 $0xFFFFF800  }
0x47b: {  	_ =	swait.ge [sflag:s12], $0x1000  }
0x47c: {  	[sflag:s12] =	ssyncset.done $0x0  }
0x47d: {  	s19 =	simm.s32 $0x470;
	[sflag:s12] =	ssyncadd.s32 $0xFFFFF000  }
0x47e: {  	v1 =	vld [tilespmem:s19+$0x0]  }
0x47f: {  	v2 =	vld [tilespmem:s19+$0xFFFFFFA0]  }
0x480: {  	v3 =	vld [tilespmem:s19+$0xFFFFFFB0]  }
0x481: {  	v4 =	vld [tilespmem:s19+$0xFFFFFFC0]  }
0x482: {  	v7 =	vld [tilespmem:s19+$0xFFFFFFD0]  }
0x483: {  	v8 =	vld [tilespmem:s19+$0xFFFFFFE0]  }
0x484: {  	v9 =	vld [tilespmem:s19+$0xFFFFFFF0]  }
0x485: {  	s14 =	simm.s32 $0x0;
	v10 =	vld [tilespmem:s19+$0xFFFFFF90]  }
0x486: {  	v11 =	vld.idx.msk [tilespmem:v1+s14+$0x0], $0xffff  }
0x487: {  	v12 =	vld.idx.msk [tilespmem:v2+s14+$0x0], $0xffff  }
0x488: {  	v6 =	vld.idx.msk [tilespmem:v3+s14+$0x0], $0xffff  }
0x489: {  	v5 =	vld.idx.msk [tilespmem:v4+s14+$0x0], $0xffff  }
0x48a: {  	v3 =	vld.idx.msk [tilespmem:v7+s14+$0x0], $0xffff  }
0x48b: {  	s15 =	simm.s32 $0x40C0;
	v4 =	vld.idx.msk [tilespmem:v8+s14+$0x0], $0xffff  }
0x48c: {  	v1 =	vld.idx.msk [tilespmem:v9+s14+$0x0], $0xffff;
	[tilespmem:s15+$0x30] =	vst v11  }
0x48d: {  	s16 =	simm.s32 $0x0;
	s17 =	simm.s32 $0x870;
	v2 =	vld.idx.msk [tilespmem:v10+s14+$0x0], $0xffff;
	[tilespmem:s15+$0xFFFFFFD0] =	vst v12  }
.LBB2_54:
0x48e: {  	v7 =	vld [tilespmem:s17+$0x0];
	s16 =	sadd.s32 $0x8, s16;
	[tilespmem:s15+$0xFFFFFFE0] =	vst v6  }
0x48f: {  	v6 =	vld [tilespmem:s17+$0xFFFFFFA0];
	p0 =	slt.u32 s16, $0x18;
	[tilespmem:s15+$0xFFFFFFF0] =	vst v5  }
0x490: {  	v5 =	vld [tilespmem:s17+$0xFFFFFFB0];
	[tilespmem:s15+$0x0] =	vst v3  }
0x491: {  	v3 =	vld [tilespmem:s17+$0xFFFFFFC0];
	[tilespmem:s15+$0x10] =	vst v4  }
0x492: {  	v4 =	vld [tilespmem:s17+$0xFFFFFFD0];
	[tilespmem:s15+$0x20] =	vst v1  }
0x493: {  	v1 =	vld [tilespmem:s17+$0xFFFFFFE0];
	[tilespmem:s15+$0xFFFFFFC0] =	vst v2  }
0x494: {  	v2 =	vld [tilespmem:s17+$0xFFFFFFF0]  }
0x495: {  	v8 =	vld [tilespmem:s17+$0xFFFFFF90]  }
0x496: {  	v7 =	vld.idx.msk [tilespmem:v7+s14+$0x0], $0xffff  }
0x497: {  	v9 =	vld.idx.msk [tilespmem:v6+s14+$0x0], $0xffff  }
0x498: {  	v6 =	vld.idx.msk [tilespmem:v5+s14+$0x0], $0xffff  }
.Ltmp26:
0x499: {  	v5 =	vld.idx.msk [tilespmem:v3+s14+$0x0], $0xffff;
	(pc) =	sbr.rel @p0 .LBB2_54-.Ltmp26, $4  }
0x49a: {  	v3 =	vld.idx.msk [tilespmem:v4+s14+$0x0], $0xffff  }
0x49b: {  	s15 =	sadd.s32 $0x400, s15;
	v4 =	vld.idx.msk [tilespmem:v1+s14+$0x0], $0xffff  }
0x49c: {  	v1 =	vld.idx.msk [tilespmem:v2+s14+$0x0], $0xffff;
	[tilespmem:s15+$0x30] =	vst v7  }
0x49d: {  	s17 =	sadd.s32 $0x400, s17;
	v2 =	vld.idx.msk [tilespmem:v8+s14+$0x0], $0xffff;
	[tilespmem:s15+$0xFFFFFFD0] =	vst v9  }
0x49e: {  	[tilespmem:s15+$0xFFFFFFE0] =	vst v6  }
0x49f: {  	[tilespmem:s15+$0xFFFFFFF0] =	vst v5  }
0x4a0: {  	[tilespmem:s15+$0x0] =	vst v3  }
0x4a1: {  	s16 =	simm.s32 $0x0;
	[tilespmem:s15+$0x10] =	vst v4  }
0x4a2: {  	s17 =	sand.u32 $0xC00, s14;
	s16 =	sand.u32 $0x180, s16;
	[tilespmem:s15+$0x20] =	vst v1  }
0x4a3: {  	[tilespmem:s15+$0xFFFFFFC0] =	vst v2;
	s15 =	sor.u32 s17, s16  }
0x4a4: {  	v3 =	vld [tilespmem:s15+$0x10F0]  }
0x4a5: {  	v4 =	vld [tilespmem:s15+$0x1080]  }
0x4a6: {  	v5 =	vld [tilespmem:s15+$0x1090]  }
0x4a7: {  	v9 =	vld [tilespmem:s15+$0x10A0]  }
0x4a8: {  	v10 =	vld [tilespmem:s15+$0x10B0]  }
0x4a9: {  	v6 =	vld [tilespmem:s15+$0x10C0]  }
0x4aa: {  	v2 =	vld [tilespmem:s15+$0x10D0]  }
0x4ab: {  	v1 =	vld [tilespmem:s15+$0x10E0]  }
0x4ac: {  	v8 =	vld.idx.msk [tilespmem:v3+s1+$0x0], $0xffff  }
0x4ad: {  	v7 =	vld.idx.msk [tilespmem:v4+s1+$0x0], $0xffff  }
0x4ae: {  	v5 =	vld.idx.msk [tilespmem:v5+s1+$0x0], $0xffff  }
0x4af: {  	v3 =	vld.idx.msk [tilespmem:v9+s1+$0x0], $0xffff  }
0x4b0: {  	s16 =	simm.s32 $0x0;
	s17 =	simm.s32 $0x80;
	v4 =	vld.idx.msk [tilespmem:v10+s1+$0x0], $0xffff  }
.LBB2_56:
0x4b1: {  	s18 =	sshrl.u32 s17, $0x2;
	s16 =	sadd.s32 $0x8, s16;
	v6 =	vld.idx.msk [tilespmem:v6+s1+$0x0], $0xffff;
	s14 =	sadd.s32 $0x400, s14  }
0x4b2: {  	s19 =	sand.u32 $0xC00, s14;
	s18 =	sand.u32 $0x180, s18;
	p0 =	slt.u32 s16, $0x78;
	v2 =	vld.idx.msk [tilespmem:v2+s1+$0x0], $0xffff;
	[tilespmem:s15+$0x4170] =	vst v8  }
0x4b3: {  	s18 =	sor.u32 s19, s18;
	[tilespmem:s15+$0x4100] =	vst v7;
	v1 =	vld.idx.msk [tilespmem:v1+s1+$0x0], $0xffff  }
0x4b4: {  	v7 =	vld [tilespmem:s18+$0x10F0];
	[tilespmem:s15+$0x4110] =	vst v5  }
0x4b5: {  	v5 =	vld [tilespmem:s18+$0x1080];
	[tilespmem:s15+$0x4120] =	vst v3  }
0x4b6: {  	v3 =	vld [tilespmem:s18+$0x1090];
	[tilespmem:s15+$0x4130] =	vst v4  }
0x4b7: {  	v4 =	vld [tilespmem:s18+$0x10A0];
	[tilespmem:s15+$0x4140] =	vst v6  }
0x4b8: {  	v9 =	vld [tilespmem:s18+$0x10B0];
	[tilespmem:s15+$0x4150] =	vst v2  }
0x4b9: {  	v6 =	vld [tilespmem:s18+$0x10C0];
	[tilespmem:s15+$0x4160] =	vst v1;
	s15 =	smov.u32 s18  }
0x4ba: {  	v2 =	vld [tilespmem:s15+$0x10D0]  }
0x4bb: {  	v1 =	vld [tilespmem:s15+$0x10E0]  }
.Ltmp27:
0x4bc: {  	v8 =	vld.idx.msk [tilespmem:v7+s1+$0x0], $0xffff;
	(pc) =	sbr.rel @p0 .LBB2_56-.Ltmp27, $4  }
0x4bd: {  	v7 =	vld.idx.msk [tilespmem:v5+s1+$0x0], $0xffff  }
0x4be: {  	v5 =	vld.idx.msk [tilespmem:v3+s1+$0x0], $0xffff  }
0x4bf: {  	v3 =	vld.idx.msk [tilespmem:v4+s1+$0x0], $0xffff  }
0x4c0: {  	s17 =	sadd.s32 $0x80, s17;
	v4 =	vld.idx.msk [tilespmem:v9+s1+$0x0], $0xffff  }
0x4c1: {  	_ =	sdelay $0x3  }
0x4c2: {  	v6 =	vld.idx.msk [tilespmem:v6+s1+$0x0], $0xffff;
	[tilespmem:s15+$0x4170] =	vst v8  }
0x4c3: {  	v2 =	vld.idx.msk [tilespmem:v2+s1+$0x0], $0xffff;
	[tilespmem:s15+$0x4100] =	vst v7  }
0x4c4: {  	v1 =	vld.idx.msk [tilespmem:v1+s1+$0x0], $0xffff;
	[tilespmem:s15+$0x4110] =	vst v5  }
0x4c5: {  	[tilespmem:s15+$0x4120] =	vst v3  }
0x4c6: {  	[tilespmem:s15+$0x4130] =	vst v4  }
0x4c7: {  	[tilespmem:s15+$0x4140] =	vst v6  }
0x4c8: {  	[tilespmem:s15+$0x4150] =	vst v2  }
0x4c9: {  	[tilespmem:s15+$0x4160] =	vst v1  }
0x4ca: {  	[hbm4b:s31+s1] =	stream.linear.scatter [tilespmem:s9], [sflag:$0x5], $0x280, $0x38;
	[tilespmem:$0x5080] =	vst v63  }
0x4cb: {  	s14 =	sadd.s32 $0x80, s31;
	s19 =	simm.s32 $0x4480  }
0x4cc: {  	[hbm4b:s14+s1] =	stream.linear.scatter [tilespmem:s19], [sflag:$0x5], $0x280, $0x38;
	[tilespmem:$0x5080] =	vst v63  }
0x4cd: {  	s16 =	sadd.s32 $0x100, s31;
	s17 =	simm.s32 $0x4880  }
0x4ce: {  	[hbm4b:s16+s1] =	stream.linear.scatter [tilespmem:s17], [sflag:$0x5], $0x280, $0x38;
	[tilespmem:$0x5080] =	vst v63  }
0x4cf: {  	s18 =	sadd.s32 $0x180, s31;
	s13 =	sadd.s32 $0x1, s13;
	s19 =	simm.s32 $0x4C80  }
0x4d0: {  	[hbm4b:s18+s1] =	stream.linear.scatter [tilespmem:s19], [sflag:$0x5], $0x280, $0x38;
	[tilespmem:$0x5080] =	vst v63  }
0x4d1: {  	p0 =	sne.s32 s13, s0;
	_ =	swait.ge [sflag:s11], $0x1000  }
.Ltmp28:
0x4d2: {  	[sflag:s11] =	ssyncset.done $0x0;
	(pc) =	sbr.rel @p0 .LBB2_1-.Ltmp28, $4  }
0x4d3: {  	[sflag:s11] =	ssyncadd.s32 $0xFFFFF000  }
0x4d4: {  	_ =	swait.ge [sflag:s12], $0xA00  }
0x4d5: {  	[sflag:s12] =	ssyncset.done $0x0  }
0x4d6: {  	[sflag:s12] =	ssyncadd.s32 $0xFFFFF600  }
0x4d7: {  	_ =	sfence.sel $0x180000  }
0x4d8: {  	[bflag:$0x0] =	sbarrier.arrive $0xFFFF  }
0x4d9: {  	_ =	strace $0x90000047  }
0x4da: {  	s0 =	stileid.u32;
	[bflag:$0x2] =	sbarrier.arrive $0xFFFF  }
0x4db: {  	p0 =	sne.s32 s0, $0x0;
	s0 =	rddreg [dreg:$0x3]  }
0x4dc: {  	s0 =	sadd.s32 @!p0 $0x100000, s0  }
0x4dd: {  	[sflag:s0] =	ssyncadd.tile.s32 @!p0 $0x1;
	_ =	shalt  }
.Lfunc_end2:
_tile_overlayer_lowered:
.L_overlay_start_2:
0x4de: {  	(tag) =	ssettag $0x2  }
0x4df: {  	s0 =	rddreg [dreg:$0x0];
	s2 =	stileid.u32  }
0x4e0: {  	s1 =	rddreg [dreg:$0x1];
	p0 =	sne.s32 s2, $0x0  }
0x4e1: {  	s3 =	rddreg [dreg:$0x2];
	[bflag:$0x3] =	sbarrier.arrive $0xFFFF;
	s2 =	simm.s32 @!p0 $0x1C06  }
0x4e2: {  	[timem:s3], [sflag:s2] =	dma.local @!p0 [hbm:s0], s1  }
0x4e3: {  	s0 =	simm.s32 @!p0 $0x6  }
0x4e4: {  	_ =	swait.ge @!p0 [sflag:s0], s1  }
0x4e5: {  	s1 =	ssub.s32 @!p0 $0x0, s1;
	[sflag:s0] =	ssyncset.done @!p0 $0x0  }
0x4e6: {  	[sflag:s0] =	ssyncadd.s32 @!p0 s1  }
0x4e7: {  	[bflag:$0x3] =	sbarrier.arrive $0xFFFF  }
0x4e8: {  	_ =	shalt  }

</sc_bundles>
